<compile_context>
chip_gen: v7x
topology: tpu7x:2x2x1
jax: 0.10.2.dev20260603
libtpu: 0.0.44.dev20260713+nightly
codegen_flags: <defaults>
</compile_context>

<pallas_src>
import functools

import jax
import jax.numpy as jnp
from jax import lax
from jax.experimental import pallas as pl
from jax.experimental.pallas import tpu as pltpu
from jax.experimental.pallas import tpu_sc as plsc

_N = 10000
_E = 80000
_IN_C = 32
_OUT_C = 32
_ED = 16

_NC = 2
_NS = 16
_NW = _NC * _NS
_BATCH = 128
_NB = 20
_CHUNK = _NB * _BATCH
_E_PAD = _NW * _CHUNK
_PAD_SPREAD = 512
_N_SC = 10752
_ROWS_PER_TILE = _N_SC // _NS

_BE = 512
_N_BLOCKS = _E_PAD // _BE


@functools.cache
def _sc_kernels():
    mesh = plsc.VectorSubcoreMesh(core_axis_name="c", subcore_axis_name="s")

    @functools.partial(
        pl.kernel,
        out_type=jax.ShapeDtypeStruct((_NW, _NB, _BATCH, _IN_C), jnp.float32),
        mesh=mesh,
        scratch_types=[
            pltpu.VMEM((_NB, _BATCH), jnp.int32),
            pltpu.VMEM((_NB, _BATCH, _IN_C), jnp.float32),
            pltpu.SemaphoreType.DMA,
        ],
        compiler_params=pltpu.CompilerParams(use_tc_tiling_on_sc=False),
    )
    def sc_gather(x_hbm, src_hbm, out_hbm, idx_v, rows_v, sem):
        wid = lax.axis_index("s") * _NC + lax.axis_index("c")
        pltpu.sync_copy(src_hbm.at[wid], idx_v)
        descs = [
            pltpu.async_copy(x_hbm.at[idx_v.at[j]], rows_v.at[j], sem)
            for j in range(_NB)
        ]
        for d in descs:
            d.wait()
        pltpu.sync_copy(rows_v, out_hbm.at[wid])

    @functools.partial(
        pl.kernel,
        out_type=jax.ShapeDtypeStruct((_NC, _N_SC, _OUT_C), jnp.float32),
        mesh=mesh,
        scratch_types=[
            pltpu.VMEM((_NB, _BATCH), jnp.int32),
            pltpu.VMEM((_NB, _BATCH, _OUT_C), jnp.float32),
            pltpu.VMEM_SHARED((_N_SC, _OUT_C), jnp.float32),
            pltpu.SemaphoreType.DMA,
        ],
        compiler_params=pltpu.CompilerParams(use_tc_tiling_on_sc=False),
    )
    def sc_scatter(msgs_hbm, dst_hbm, zeros_hbm, out_hbm, idx_v, rows_v,
                   agg_sh, sem):
        c = lax.axis_index("c")
        s = lax.axis_index("s")
        wid = s * _NC + c
        row0 = s * _ROWS_PER_TILE
        pltpu.sync_copy(
            zeros_hbm.at[pl.ds(row0, _ROWS_PER_TILE)],
            agg_sh.at[pl.ds(row0, _ROWS_PER_TILE)],
        )
        pltpu.sync_copy(dst_hbm.at[wid], idx_v)
        pltpu.sync_copy(msgs_hbm.at[wid], rows_v)
        plsc.subcore_barrier()
        for j in range(_NB):
            pltpu.sync_copy(rows_v.at[j], agg_sh.at[idx_v.at[j]], add=True)
        plsc.subcore_barrier()
        pltpu.sync_copy(
            agg_sh.at[pl.ds(row0, _ROWS_PER_TILE)],
            out_hbm.at[c, pl.ds(row0, _ROWS_PER_TILE)],
        )

    return sc_gather, sc_scatter


def _msgs_body(eaT_ref, xj_ref, wT_ref, b_ref, out_ref):
    a = lax.dot_general(
        wT_ref[...], eaT_ref[...], (((1,), (0,)), ((), ())),
        preferred_element_type=jnp.float32,
    )
    a = jnp.maximum(a + b_ref[...], 0.0)
    xt = xj_ref[...].T
    acc = xt[0:1, :] * a[0:_OUT_C, :]
    for i in range(1, _IN_C):
        acc = acc + xt[i:i + 1, :] * a[i * _OUT_C:(i + 1) * _OUT_C, :]
    out_ref[...] = acc.T


def _final_body(p0_ref, p1_ref, x_ref, rw_ref, cb_ref, gw_ref, gb_ref,
                gms_ref, out_ref):
    x = x_ref[...]
    h = (p0_ref[...] + p1_ref[...]
         + jnp.dot(x, rw_ref[...], preferred_element_type=jnp.float32)
         + cb_ref[...])
    mean = jnp.mean(h, axis=0, keepdims=True)
    centered = h - gms_ref[...] * mean
    var = jnp.mean(centered * centered, axis=0, keepdims=True)
    hn = gw_ref[...] * centered * lax.rsqrt(var + 1e-5) + gb_ref[...]
    out_ref[...] = jnp.maximum(hn, 0.0) + x


def kernel(x, edge_index, edge_attr, mlp_w, mlp_b, root_w, conv_bias,
           gn_weight, gn_bias, gn_mean_scale):
    pad = _E_PAD - _E
    src = edge_index[0]
    dst = edge_index[1]
    pad_ids = jnp.arange(pad, dtype=jnp.int32)
    src_p = jnp.concatenate([src, pad_ids % _N]).reshape(_NW, _NB, _BATCH)
    dst_p = jnp.concatenate([dst, _N + pad_ids % _PAD_SPREAD]).reshape(
        _NW, _NB, _BATCH)

    sc_gather, sc_scatter = _sc_kernels()
    xj = sc_gather(x, src_p)
    xj = xj.reshape(_E_PAD, _IN_C)

    eaT = jnp.pad(edge_attr, ((0, pad), (0, 0))).T
    wT = mlp_w.T
    b_col = mlp_b.reshape(_IN_C * _OUT_C, 1)

    msgs = pl.pallas_call(
        _msgs_body,
        grid=(_N_BLOCKS,),
        in_specs=[
            pl.BlockSpec((_ED, _BE), lambda e: (0, e)),
            pl.BlockSpec((_BE, _IN_C), lambda e: (e, 0)),
            pl.BlockSpec((_IN_C * _OUT_C, _ED), lambda e: (0, 0)),
            pl.BlockSpec((_IN_C * _OUT_C, 1), lambda e: (0, 0)),
        ],
        out_specs=pl.BlockSpec((_BE, _OUT_C), lambda e: (e, 0)),
        out_shape=jax.ShapeDtypeStruct((_E_PAD, _OUT_C), jnp.float32),
    )(eaT, xj, wT, b_col)

    msgs3 = msgs.reshape(_NW, _NB, _BATCH, _OUT_C)
    zeros_sc = jnp.zeros((_N_SC, _OUT_C), jnp.float32)
    parts = sc_scatter(msgs3, dst_p, zeros_sc)

    out = pl.pallas_call(
        _final_body,
        in_specs=[pl.BlockSpec(s.shape, lambda: (0,) * len(s.shape))
                  for s in (
                      jax.ShapeDtypeStruct((_N, _OUT_C), jnp.float32),
                      jax.ShapeDtypeStruct((_N, _OUT_C), jnp.float32),
                      jax.ShapeDtypeStruct((_N, _IN_C), jnp.float32),
                      jax.ShapeDtypeStruct((_IN_C, _OUT_C), jnp.float32),
                      jax.ShapeDtypeStruct((1, _OUT_C), jnp.float32),
                      jax.ShapeDtypeStruct((1, _OUT_C), jnp.float32),
                      jax.ShapeDtypeStruct((1, _OUT_C), jnp.float32),
                      jax.ShapeDtypeStruct((1, _OUT_C), jnp.float32),
                  )],
        out_specs=pl.BlockSpec((_N, _OUT_C), lambda: (0, 0)),
        out_shape=jax.ShapeDtypeStruct((_N, _OUT_C), jnp.float32),
    )(
        parts[0, :_N],
        parts[1, :_N],
        x,
        root_w,
        conv_bias.reshape(1, _OUT_C),
        gn_weight.reshape(1, _OUT_C),
        gn_bias.reshape(1, _OUT_C),
        gn_mean_scale.reshape(1, _OUT_C),
    )
    return out

# --- scband reference (transcript-rebuilt; emitter-appended) ---
"""Pipeline reference for scband-graph-conv-layer-74285754352144 (READ-ONLY COPY).

The authoritative reference and input builder live on the scoring server;
editing this copy changes nothing except your own understanding.
"""

import jax, jax.numpy as jnp
import numpy as np

N = 10000
E = 80000
IN_C = 32
OUT_C = 32
EDGE_DIM = 16


def setup_inputs(seed: int = 0) -> dict:
    key = jax.random.key(seed)
    ks = jax.random.split(key, 10)
    x = jax.random.normal(ks[0], (N, IN_C), dtype=jnp.float32)
    edge_index = jax.random.randint(ks[1], (2, E), 0, N, dtype=jnp.int32)
    edge_attr = jax.random.normal(ks[2], (E, EDGE_DIM), dtype=jnp.float32)
    mlp_w = jax.random.normal(ks[3], (EDGE_DIM, IN_C * OUT_C), dtype=jnp.float32) * (1.0 / np.sqrt(EDGE_DIM))
    mlp_b = jnp.zeros((IN_C * OUT_C,), dtype=jnp.float32)
    root_w = jax.random.normal(ks[4], (IN_C, OUT_C), dtype=jnp.float32) * (1.0 / np.sqrt(IN_C))
    conv_bias = jnp.zeros((OUT_C,), dtype=jnp.float32)
    gn_weight = jnp.ones((OUT_C,), dtype=jnp.float32)
    gn_bias = jnp.zeros((OUT_C,), dtype=jnp.float32)
    gn_mean_scale = jnp.ones((OUT_C,), dtype=jnp.float32)
    return {"x": x, "edge_index": edge_index, "edge_attr": edge_attr,
            "mlp_w": mlp_w, "mlp_b": mlp_b, "root_w": root_w, "conv_bias": conv_bias,
            "gn_weight": gn_weight, "gn_bias": gn_bias, "gn_mean_scale": gn_mean_scale}


def reference(x, edge_index, edge_attr, mlp_w, mlp_b, root_w, conv_bias, gn_weight, gn_bias, gn_mean_scale):
    src = edge_index[0]
    dst = edge_index[1]
    # edge MLP: Linear(EDGE_DIM, IN_C*OUT_C) + ReLU -> per-edge transformation matrix
    W = jax.nn.relu(edge_attr @ mlp_w + mlp_b).reshape(E, IN_C, OUT_C)
    # NNConv message: x_j^T @ W_e, gather source node features
    x_j = jnp.take(x, src, axis=0)
    msgs = jnp.einsum('ei,eio->eo', x_j, W)
    # aggr='add': scatter-add messages to destination nodes
    agg = jax.ops.segment_sum(msgs, dst, num_segments=N)
    # NNConv root weight + bias
    h = agg + x @ root_w + conv_bias
    # GraphNorm (single graph: statistics over all nodes)
    mean = jnp.mean(h, axis=0, keepdims=True)
    centered = h - gn_mean_scale * mean
    var = jnp.mean(centered * centered, axis=0, keepdims=True)
    h = gn_weight * centered / jnp.sqrt(var + 1e-5) + gn_bias
    h = jax.nn.relu(h)
    # residual connection (in_channels == out_channels)
    return h + x

if __name__ == "__main__":
    import jax
    _d = setup_inputs()
    print(jax.jit(kernel)(*tuple(_d.values())))

</pallas_src>

<mosaic_0001>
#map = affine_map<(d0, d1) -> (0, 0)>
#map1 = affine_map<(d0, d1) -> (0, 0, 0)>
#map2 = affine_map<(d0, d1) -> (0, 0, 0, 0)>
module attributes {stable_mosaic.version = 14 : i64} {
  func.func @sc_gather(%arg0: i32, %arg1: i32, %arg2: memref<10000x32xf32, #tpu.memory_space<hbm>>, %arg3: memref<32x20x128xi32, #tpu.memory_space<hbm>>, %arg4: memref<32x20x128x32xf32, #tpu.memory_space<hbm>>, %arg5: memref<20x128xi32, #tpu.memory_space<vmem>>, %arg6: memref<20x128x32xf32, #tpu.memory_space<vmem>>, %arg7: memref<!tpu.dma_semaphore, #tpu.memory_space<semaphore_mem>>) attributes {dimension_semantics = [#tpu.dimension_semantics<core_parallel>, #tpu.dimension_semantics<subcore_parallel>], iteration_bounds = array<i64: 2, 16>, scalar_prefetch = 0 : i64, scratch_operands = 3 : i64, tpu.core_type = #tpu.core_type<sc_vector_subcore>, window_params = [{transform_indices = #map}, {transform_indices = #map1}, {transform_indices = #map2}]} {
    %mul3A = arith.constant 2 : i32
    %mul3A_0 = arith.muli %arg1, %mul3A : i32
    %add3A = arith.addi %mul3A_0, %arg0 : i32
    "tpu.region"() ({
      %run_scoped3A = tpu.sem_alloc : memref<!tpu.dma_semaphore, #tpu.memory_space<semaphore_mem>>
      %dma_start3A_479 = arith.constant 0 : i32
      %dma_start3A_480 = arith.constant 0 : i32
      %dma_start3A_481 = tpu.memref_slice %arg3[%add3A, %dma_start3A_479, %dma_start3A_480] : memref<32x20x128xi32, #tpu.memory_space<hbm>> -> memref<1x20x128xi32, #tpu.memory_space<hbm>>
      %dma_start3A_482 = tpu.memref_squeeze %dma_start3A_481 : memref<1x20x128xi32, #tpu.memory_space<hbm>> -> memref<20x128xi32, #tpu.memory_space<hbm>>
      %dma_start3A_483 = arith.constant 0 : i32
      %dma_start3A_484 = arith.constant 0 : i32
      %dma_start3A_485 = tpu.memref_slice %arg3[%add3A, %dma_start3A_483, %dma_start3A_484] : memref<32x20x128xi32, #tpu.memory_space<hbm>> -> memref<1x20x128xi32, #tpu.memory_space<hbm>>
      %dma_start3A_486 = tpu.memref_squeeze %dma_start3A_485 : memref<1x20x128xi32, #tpu.memory_space<hbm>> -> memref<20x128xi32, #tpu.memory_space<hbm>>
      tpu.enqueue_dma source(%dma_start3A_486 : memref<20x128xi32, #tpu.memory_space<hbm>>) target(%arg5 : memref<20x128xi32, #tpu.memory_space<vmem>>) target_semaphore(%run_scoped3A : memref<!tpu.dma_semaphore, #tpu.memory_space<semaphore_mem>>)
      %dma_wait3A_487 = arith.constant 0 : i32
      %dma_wait3A_488 = arith.constant 0 : i32
      %dma_wait3A_489 = tpu.memref_slice %arg3[%add3A, %dma_wait3A_487, %dma_wait3A_488] : memref<32x20x128xi32, #tpu.memory_space<hbm>> -> memref<1x20x128xi32, #tpu.memory_space<hbm>>
      %dma_wait3A_490 = tpu.memref_squeeze %dma_wait3A_489 : memref<1x20x128xi32, #tpu.memory_space<hbm>> -> memref<20x128xi32, #tpu.memory_space<hbm>>
      %dma_wait3A_491 = arith.constant 0 : i32
      %dma_wait3A_492 = arith.constant 0 : i32
      %dma_wait3A_493 = tpu.memref_slice %arg3[%add3A, %dma_wait3A_491, %dma_wait3A_492] : memref<32x20x128xi32, #tpu.memory_space<hbm>> -> memref<1x20x128xi32, #tpu.memory_space<hbm>>
      %dma_wait3A_494 = tpu.memref_squeeze %dma_wait3A_493 : memref<1x20x128xi32, #tpu.memory_space<hbm>> -> memref<20x128xi32, #tpu.memory_space<hbm>>
      tpu.wait_dma2 semaphore(%run_scoped3A : memref<!tpu.dma_semaphore, #tpu.memory_space<semaphore_mem>>) src(%dma_wait3A_494 : memref<20x128xi32, #tpu.memory_space<hbm>>) dst(%arg5 : memref<20x128xi32, #tpu.memory_space<vmem>>)
      tpu.yield
    }) : () -> ()
    %dma_start3A = arith.constant 0 : i32
    %dma_start3A_1 = arith.constant 0 : i32
    %dma_start3A_2 = arith.constant 0 : i32
    %dma_start3A_3 = arith.constant 0 : i32
    %dma_start3A_4 = tpu.memref_slice %arg6[%dma_start3A_1, %dma_start3A_2, %dma_start3A_3] : memref<20x128x32xf32, #tpu.memory_space<vmem>> -> memref<1x128x32xf32, #tpu.memory_space<vmem>>
    %dma_start3A_5 = tpu.memref_squeeze %dma_start3A_4 : memref<1x128x32xf32, #tpu.memory_space<vmem>> -> memref<128x32xf32, #tpu.memory_space<vmem>>
    %dma_start3A_6 = arith.constant 0 : i32
    %dma_start3A_7 = tpu.memref_slice %arg5[%dma_start3A, %dma_start3A_6] : memref<20x128xi32, #tpu.memory_space<vmem>> -> memref<1x128xi32, #tpu.memory_space<vmem>>
    %dma_start3A_8 = tpu.memref_squeeze %dma_start3A_7 : memref<1x128xi32, #tpu.memory_space<vmem>> -> memref<128xi32, #tpu.memory_space<vmem>>
    %dma_start3A_9 = arith.constant 0 : i32
    %dma_start3A_10 = arith.constant 0 : i32
    %dma_start3A_11 = tpu.memref_slice %arg2[%dma_start3A_9, %dma_start3A_10] : memref<10000x32xf32, #tpu.memory_space<hbm>> -> memref<10000x32xf32, #tpu.memory_space<hbm>>
    tpu.enqueue_indirect_dma source(%dma_start3A_11 : memref<10000x32xf32, #tpu.memory_space<hbm>>) target(%dma_start3A_5 : memref<128x32xf32, #tpu.memory_space<vmem>>) offsets(%dma_start3A_8 : memref<128xi32, #tpu.memory_space<vmem>>) semaphore(%arg7 : memref<!tpu.dma_semaphore, #tpu.memory_space<semaphore_mem>>)
    %dma_start3A_12 = arith.constant 1 : i32
    %dma_start3A_13 = arith.constant 1 : i32
    %dma_start3A_14 = arith.constant 0 : i32
    %dma_start3A_15 = arith.constant 0 : i32
    %dma_start3A_16 = tpu.memref_slice %arg6[%dma_start3A_13, %dma_start3A_14, %dma_start3A_15] : memref<20x128x32xf32, #tpu.memory_space<vmem>> -> memref<1x128x32xf32, #tpu.memory_space<vmem>>
    %dma_start3A_17 = tpu.memref_squeeze %dma_start3A_16 : memref<1x128x32xf32, #tpu.memory_space<vmem>> -> memref<128x32xf32, #tpu.memory_space<vmem>>
    %dma_start3A_18 = arith.constant 0 : i32
    %dma_start3A_19 = tpu.memref_slice %arg5[%dma_start3A_12, %dma_start3A_18] : memref<20x128xi32, #tpu.memory_space<vmem>> -> memref<1x128xi32, #tpu.memory_space<vmem>>
    %dma_start3A_20 = tpu.memref_squeeze %dma_start3A_19 : memref<1x128xi32, #tpu.memory_space<vmem>> -> memref<128xi32, #tpu.memory_space<vmem>>
    %dma_start3A_21 = arith.constant 0 : i32
    %dma_start3A_22 = arith.constant 0 : i32
    %dma_start3A_23 = tpu.memref_slice %arg2[%dma_start3A_21, %dma_start3A_22] : memref<10000x32xf32, #tpu.memory_space<hbm>> -> memref<10000x32xf32, #tpu.memory_space<hbm>>
    tpu.enqueue_indirect_dma source(%dma_start3A_23 : memref<10000x32xf32, #tpu.memory_space<hbm>>) target(%dma_start3A_17 : memref<128x32xf32, #tpu.memory_space<vmem>>) offsets(%dma_start3A_20 : memref<128xi32, #tpu.memory_space<vmem>>) semaphore(%arg7 : memref<!tpu.dma_semaphore, #tpu.memory_space<semaphore_mem>>)
    %dma_start3A_24 = arith.constant 2 : i32
    %dma_start3A_25 = arith.constant 2 : i32
    %dma_start3A_26 = arith.constant 0 : i32
    %dma_start3A_27 = arith.constant 0 : i32
    %dma_start3A_28 = tpu.memref_slice %arg6[%dma_start3A_25, %dma_start3A_26, %dma_start3A_27] : memref<20x128x32xf32, #tpu.memory_space<vmem>> -> memref<1x128x32xf32, #tpu.memory_space<vmem>>
    %dma_start3A_29 = tpu.memref_squeeze %dma_start3A_28 : memref<1x128x32xf32, #tpu.memory_space<vmem>> -> memref<128x32xf32, #tpu.memory_space<vmem>>
    %dma_start3A_30 = arith.constant 0 : i32
    %dma_start3A_31 = tpu.memref_slice %arg5[%dma_start3A_24, %dma_start3A_30] : memref<20x128xi32, #tpu.memory_space<vmem>> -> memref<1x128xi32, #tpu.memory_space<vmem>>
    %dma_start3A_32 = tpu.memref_squeeze %dma_start3A_31 : memref<1x128xi32, #tpu.memory_space<vmem>> -> memref<128xi32, #tpu.memory_space<vmem>>
    %dma_start3A_33 = arith.constant 0 : i32
    %dma_start3A_34 = arith.constant 0 : i32
    %dma_start3A_35 = tpu.memref_slice %arg2[%dma_start3A_33, %dma_start3A_34] : memref<10000x32xf32, #tpu.memory_space<hbm>> -> memref<10000x32xf32, #tpu.memory_space<hbm>>
    tpu.enqueue_indirect_dma source(%dma_start3A_35 : memref<10000x32xf32, #tpu.memory_space<hbm>>) target(%dma_start3A_29 : memref<128x32xf32, #tpu.memory_space<vmem>>) offsets(%dma_start3A_32 : memref<128xi32, #tpu.memory_space<vmem>>) semaphore(%arg7 : memref<!tpu.dma_semaphore, #tpu.memory_space<semaphore_mem>>)
    %dma_start3A_36 = arith.constant 3 : i32
    %dma_start3A_37 = arith.constant 3 : i32
    %dma_start3A_38 = arith.constant 0 : i32
    %dma_start3A_39 = arith.constant 0 : i32
    %dma_start3A_40 = tpu.memref_slice %arg6[%dma_start3A_37, %dma_start3A_38, %dma_start3A_39] : memref<20x128x32xf32, #tpu.memory_space<vmem>> -> memref<1x128x32xf32, #tpu.memory_space<vmem>>
    %dma_start3A_41 = tpu.memref_squeeze %dma_start3A_40 : memref<1x128x32xf32, #tpu.memory_space<vmem>> -> memref<128x32xf32, #tpu.memory_space<vmem>>
    %dma_start3A_42 = arith.constant 0 : i32
    %dma_start3A_43 = tpu.memref_slice %arg5[%dma_start3A_36, %dma_start3A_42] : memref<20x128xi32, #tpu.memory_space<vmem>> -> memref<1x128xi32, #tpu.memory_space<vmem>>
    %dma_start3A_44 = tpu.memref_squeeze %dma_start3A_43 : memref<1x128xi32, #tpu.memory_space<vmem>> -> memref<128xi32, #tpu.memory_space<vmem>>
    %dma_start3A_45 = arith.constant 0 : i32
    %dma_start3A_46 = arith.constant 0 : i32
    %dma_start3A_47 = tpu.memref_slice %arg2[%dma_start3A_45, %dma_start3A_46] : memref<10000x32xf32, #tpu.memory_space<hbm>> -> memref<10000x32xf32, #tpu.memory_space<hbm>>
    tpu.enqueue_indirect_dma source(%dma_start3A_47 : memref<10000x32xf32, #tpu.memory_space<hbm>>) target(%dma_start3A_41 : memref<128x32xf32, #tpu.memory_space<vmem>>) offsets(%dma_start3A_44 : memref<128xi32, #tpu.memory_space<vmem>>) semaphore(%arg7 : memref<!tpu.dma_semaphore, #tpu.memory_space<semaphore_mem>>)
    %dma_start3A_48 = arith.constant 4 : i32
    %dma_start3A_49 = arith.constant 4 : i32
    %dma_start3A_50 = arith.constant 0 : i32
    %dma_start3A_51 = arith.constant 0 : i32
    %dma_start3A_52 = tpu.memref_slice %arg6[%dma_start3A_49, %dma_start3A_50, %dma_start3A_51] : memref<20x128x32xf32, #tpu.memory_space<vmem>> -> memref<1x128x32xf32, #tpu.memory_space<vmem>>
    %dma_start3A_53 = tpu.memref_squeeze %dma_start3A_52 : memref<1x128x32xf32, #tpu.memory_space<vmem>> -> memref<128x32xf32, #tpu.memory_space<vmem>>
    %dma_start3A_54 = arith.constant 0 : i32
    %dma_start3A_55 = tpu.memref_slice %arg5[%dma_start3A_48, %dma_start3A_54] : memref<20x128xi32, #tpu.memory_space<vmem>> -> memref<1x128xi32, #tpu.memory_space<vmem>>
    %dma_start3A_56 = tpu.memref_squeeze %dma_start3A_55 : memref<1x128xi32, #tpu.memory_space<vmem>> -> memref<128xi32, #tpu.memory_space<vmem>>
    %dma_start3A_57 = arith.constant 0 : i32
    %dma_start3A_58 = arith.constant 0 : i32
    %dma_start3A_59 = tpu.memref_slice %arg2[%dma_start3A_57, %dma_start3A_58] : memref<10000x32xf32, #tpu.memory_space<hbm>> -> memref<10000x32xf32, #tpu.memory_space<hbm>>
    tpu.enqueue_indirect_dma source(%dma_start3A_59 : memref<10000x32xf32, #tpu.memory_space<hbm>>) target(%dma_start3A_53 : memref<128x32xf32, #tpu.memory_space<vmem>>) offsets(%dma_start3A_56 : memref<128xi32, #tpu.memory_space<vmem>>) semaphore(%arg7 : memref<!tpu.dma_semaphore, #tpu.memory_space<semaphore_mem>>)
    %dma_start3A_60 = arith.constant 5 : i32
    %dma_start3A_61 = arith.constant 5 : i32
    %dma_start3A_62 = arith.constant 0 : i32
    %dma_start3A_63 = arith.constant 0 : i32
    %dma_start3A_64 = tpu.memref_slice %arg6[%dma_start3A_61, %dma_start3A_62, %dma_start3A_63] : memref<20x128x32xf32, #tpu.memory_space<vmem>> -> memref<1x128x32xf32, #tpu.memory_space<vmem>>
    %dma_start3A_65 = tpu.memref_squeeze %dma_start3A_64 : memref<1x128x32xf32, #tpu.memory_space<vmem>> -> memref<128x32xf32, #tpu.memory_space<vmem>>
    %dma_start3A_66 = arith.constant 0 : i32
    %dma_start3A_67 = tpu.memref_slice %arg5[%dma_start3A_60, %dma_start3A_66] : memref<20x128xi32, #tpu.memory_space<vmem>> -> memref<1x128xi32, #tpu.memory_space<vmem>>
    %dma_start3A_68 = tpu.memref_squeeze %dma_start3A_67 : memref<1x128xi32, #tpu.memory_space<vmem>> -> memref<128xi32, #tpu.memory_space<vmem>>
    %dma_start3A_69 = arith.constant 0 : i32
    %dma_start3A_70 = arith.constant 0 : i32
    %dma_start3A_71 = tpu.memref_slice %arg2[%dma_start3A_69, %dma_start3A_70] : memref<10000x32xf32, #tpu.memory_space<hbm>> -> memref<10000x32xf32, #tpu.memory_space<hbm>>
    tpu.enqueue_indirect_dma source(%dma_start3A_71 : memref<10000x32xf32, #tpu.memory_space<hbm>>) target(%dma_start3A_65 : memref<128x32xf32, #tpu.memory_space<vmem>>) offsets(%dma_start3A_68 : memref<128xi32, #tpu.memory_space<vmem>>) semaphore(%arg7 : memref<!tpu.dma_semaphore, #tpu.memory_space<semaphore_mem>>)
    %dma_start3A_72 = arith.constant 6 : i32
    %dma_start3A_73 = arith.constant 6 : i32
    %dma_start3A_74 = arith.constant 0 : i32
    %dma_start3A_75 = arith.constant 0 : i32
    %dma_start3A_76 = tpu.memref_slice %arg6[%dma_start3A_73, %dma_start3A_74, %dma_start3A_75] : memref<20x128x32xf32, #tpu.memory_space<vmem>> -> memref<1x128x32xf32, #tpu.memory_space<vmem>>
    %dma_start3A_77 = tpu.memref_squeeze %dma_start3A_76 : memref<1x128x32xf32, #tpu.memory_space<vmem>> -> memref<128x32xf32, #tpu.memory_space<vmem>>
    %dma_start3A_78 = arith.constant 0 : i32
    %dma_start3A_79 = tpu.memref_slice %arg5[%dma_start3A_72, %dma_start3A_78] : memref<20x128xi32, #tpu.memory_space<vmem>> -> memref<1x128xi32, #tpu.memory_space<vmem>>
    %dma_start3A_80 = tpu.memref_squeeze %dma_start3A_79 : memref<1x128xi32, #tpu.memory_space<vmem>> -> memref<128xi32, #tpu.memory_space<vmem>>
    %dma_start3A_81 = arith.constant 0 : i32
    %dma_start3A_82 = arith.constant 0 : i32
    %dma_start3A_83 = tpu.memref_slice %arg2[%dma_start3A_81, %dma_start3A_82] : memref<10000x32xf32, #tpu.memory_space<hbm>> -> memref<10000x32xf32, #tpu.memory_space<hbm>>
    tpu.enqueue_indirect_dma source(%dma_start3A_83 : memref<10000x32xf32, #tpu.memory_space<hbm>>) target(%dma_start3A_77 : memref<128x32xf32, #tpu.memory_space<vmem>>) offsets(%dma_start3A_80 : memref<128xi32, #tpu.memory_space<vmem>>) semaphore(%arg7 : memref<!tpu.dma_semaphore, #tpu.memory_space<semaphore_mem>>)
    %dma_start3A_84 = arith.constant 7 : i32
    %dma_start3A_85 = arith.constant 7 : i32
    %dma_start3A_86 = arith.constant 0 : i32
    %dma_start3A_87 = arith.constant 0 : i32
    %dma_start3A_88 = tpu.memref_slice %arg6[%dma_start3A_85, %dma_start3A_86, %dma_start3A_87] : memref<20x128x32xf32, #tpu.memory_space<vmem>> -> memref<1x128x32xf32, #tpu.memory_space<vmem>>
    %dma_start3A_89 = tpu.memref_squeeze %dma_start3A_88 : memref<1x128x32xf32, #tpu.memory_space<vmem>> -> memref<128x32xf32, #tpu.memory_space<vmem>>
    %dma_start3A_90 = arith.constant 0 : i32
    %dma_start3A_91 = tpu.memref_slice %arg5[%dma_start3A_84, %dma_start3A_90] : memref<20x128xi32, #tpu.memory_space<vmem>> -> memref<1x128xi32, #tpu.memory_space<vmem>>
    %dma_start3A_92 = tpu.memref_squeeze %dma_start3A_91 : memref<1x128xi32, #tpu.memory_space<vmem>> -> memref<128xi32, #tpu.memory_space<vmem>>
    %dma_start3A_93 = arith.constant 0 : i32
    %dma_start3A_94 = arith.constant 0 : i32
    %dma_start3A_95 = tpu.memref_slice %arg2[%dma_start3A_93, %dma_start3A_94] : memref<10000x32xf32, #tpu.memory_space<hbm>> -> memref<10000x32xf32, #tpu.memory_space<hbm>>
    tpu.enqueue_indirect_dma source(%dma_start3A_95 : memref<10000x32xf32, #tpu.memory_space<hbm>>) target(%dma_start3A_89 : memref<128x32xf32, #tpu.memory_space<vmem>>) offsets(%dma_start3A_92 : memref<128xi32, #tpu.memory_space<vmem>>) semaphore(%arg7 : memref<!tpu.dma_semaphore, #tpu.memory_space<semaphore_mem>>)
    %dma_start3A_96 = arith.constant 8 : i32
    %dma_start3A_97 = arith.constant 8 : i32
    %dma_start3A_98 = arith.constant 0 : i32
    %dma_start3A_99 = arith.constant 0 : i32
    %dma_start3A_100 = tpu.memref_slice %arg6[%dma_start3A_97, %dma_start3A_98, %dma_start3A_99] : memref<20x128x32xf32, #tpu.memory_space<vmem>> -> memref<1x128x32xf32, #tpu.memory_space<vmem>>
    %dma_start3A_101 = tpu.memref_squeeze %dma_start3A_100 : memref<1x128x32xf32, #tpu.memory_space<vmem>> -> memref<128x32xf32, #tpu.memory_space<vmem>>
    %dma_start3A_102 = arith.constant 0 : i32
    %dma_start3A_103 = tpu.memref_slice %arg5[%dma_start3A_96, %dma_start3A_102] : memref<20x128xi32, #tpu.memory_space<vmem>> -> memref<1x128xi32, #tpu.memory_space<vmem>>
    %dma_start3A_104 = tpu.memref_squeeze %dma_start3A_103 : memref<1x128xi32, #tpu.memory_space<vmem>> -> memref<128xi32, #tpu.memory_space<vmem>>
    %dma_start3A_105 = arith.constant 0 : i32
    %dma_start3A_106 = arith.constant 0 : i32
    %dma_start3A_107 = tpu.memref_slice %arg2[%dma_start3A_105, %dma_start3A_106] : memref<10000x32xf32, #tpu.memory_space<hbm>> -> memref<10000x32xf32, #tpu.memory_space<hbm>>
    tpu.enqueue_indirect_dma source(%dma_start3A_107 : memref<10000x32xf32, #tpu.memory_space<hbm>>) target(%dma_start3A_101 : memref<128x32xf32, #tpu.memory_space<vmem>>) offsets(%dma_start3A_104 : memref<128xi32, #tpu.memory_space<vmem>>) semaphore(%arg7 : memref<!tpu.dma_semaphore, #tpu.memory_space<semaphore_mem>>)
    %dma_start3A_108 = arith.constant 9 : i32
    %dma_start3A_109 = arith.constant 9 : i32
    %dma_start3A_110 = arith.constant 0 : i32
    %dma_start3A_111 = arith.constant 0 : i32
    %dma_start3A_112 = tpu.memref_slice %arg6[%dma_start3A_109, %dma_start3A_110, %dma_start3A_111] : memref<20x128x32xf32, #tpu.memory_space<vmem>> -> memref<1x128x32xf32, #tpu.memory_space<vmem>>
    %dma_start3A_113 = tpu.memref_squeeze %dma_start3A_112 : memref<1x128x32xf32, #tpu.memory_space<vmem>> -> memref<128x32xf32, #tpu.memory_space<vmem>>
    %dma_start3A_114 = arith.constant 0 : i32
    %dma_start3A_115 = tpu.memref_slice %arg5[%dma_start3A_108, %dma_start3A_114] : memref<20x128xi32, #tpu.memory_space<vmem>> -> memref<1x128xi32, #tpu.memory_space<vmem>>
    %dma_start3A_116 = tpu.memref_squeeze %dma_start3A_115 : memref<1x128xi32, #tpu.memory_space<vmem>> -> memref<128xi32, #tpu.memory_space<vmem>>
    %dma_start3A_117 = arith.constant 0 : i32
    %dma_start3A_118 = arith.constant 0 : i32
    %dma_start3A_119 = tpu.memref_slice %arg2[%dma_start3A_117, %dma_start3A_118] : memref<10000x32xf32, #tpu.memory_space<hbm>> -> memref<10000x32xf32, #tpu.memory_space<hbm>>
    tpu.enqueue_indirect_dma source(%dma_start3A_119 : memref<10000x32xf32, #tpu.memory_space<hbm>>) target(%dma_start3A_113 : memref<128x32xf32, #tpu.memory_space<vmem>>) offsets(%dma_start3A_116 : memref<128xi32, #tpu.memory_space<vmem>>) semaphore(%arg7 : memref<!tpu.dma_semaphore, #tpu.memory_space<semaphore_mem>>)
    %dma_start3A_120 = arith.constant 10 : i32
    %dma_start3A_121 = arith.constant 10 : i32
    %dma_start3A_122 = arith.constant 0 : i32
    %dma_start3A_123 = arith.constant 0 : i32
    %dma_start3A_124 = tpu.memref_slice %arg6[%dma_start3A_121, %dma_start3A_122, %dma_start3A_123] : memref<20x128x32xf32, #tpu.memory_space<vmem>> -> memref<1x128x32xf32, #tpu.memory_space<vmem>>
    %dma_start3A_125 = tpu.memref_squeeze %dma_start3A_124 : memref<1x128x32xf32, #tpu.memory_space<vmem>> -> memref<128x32xf32, #tpu.memory_space<vmem>>
    %dma_start3A_126 = arith.constant 0 : i32
    %dma_start3A_127 = tpu.memref_slice %arg5[%dma_start3A_120, %dma_start3A_126] : memref<20x128xi32, #tpu.memory_space<vmem>> -> memref<1x128xi32, #tpu.memory_space<vmem>>
    %dma_start3A_128 = tpu.memref_squeeze %dma_start3A_127 : memref<1x128xi32, #tpu.memory_space<vmem>> -> memref<128xi32, #tpu.memory_space<vmem>>
    %dma_start3A_129 = arith.constant 0 : i32
    %dma_start3A_130 = arith.constant 0 : i32
    %dma_start3A_131 = tpu.memref_slice %arg2[%dma_start3A_129, %dma_start3A_130] : memref<10000x32xf32, #tpu.memory_space<hbm>> -> memref<10000x32xf32, #tpu.memory_space<hbm>>
    tpu.enqueue_indirect_dma source(%dma_start3A_131 : memref<10000x32xf32, #tpu.memory_space<hbm>>) target(%dma_start3A_125 : memref<128x32xf32, #tpu.memory_space<vmem>>) offsets(%dma_start3A_128 : memref<128xi32, #tpu.memory_space<vmem>>) semaphore(%arg7 : memref<!tpu.dma_semaphore, #tpu.memory_space<semaphore_mem>>)
    %dma_start3A_132 = arith.constant 11 : i32
    %dma_start3A_133 = arith.constant 11 : i32
    %dma_start3A_134 = arith.constant 0 : i32
    %dma_start3A_135 = arith.constant 0 : i32
    %dma_start3A_136 = tpu.memref_slice %arg6[%dma_start3A_133, %dma_start3A_134, %dma_start3A_135] : memref<20x128x32xf32, #tpu.memory_space<vmem>> -> memref<1x128x32xf32, #tpu.memory_space<vmem>>
    %dma_start3A_137 = tpu.memref_squeeze %dma_start3A_136 : memref<1x128x32xf32, #tpu.memory_space<vmem>> -> memref<128x32xf32, #tpu.memory_space<vmem>>
    %dma_start3A_138 = arith.constant 0 : i32
    %dma_start3A_139 = tpu.memref_slice %arg5[%dma_start3A_132, %dma_start3A_138] : memref<20x128xi32, #tpu.memory_space<vmem>> -> memref<1x128xi32, #tpu.memory_space<vmem>>
    %dma_start3A_140 = tpu.memref_squeeze %dma_start3A_139 : memref<1x128xi32, #tpu.memory_space<vmem>> -> memref<128xi32, #tpu.memory_space<vmem>>
    %dma_start3A_141 = arith.constant 0 : i32
    %dma_start3A_142 = arith.constant 0 : i32
    %dma_start3A_143 = tpu.memref_slice %arg2[%dma_start3A_141, %dma_start3A_142] : memref<10000x32xf32, #tpu.memory_space<hbm>> -> memref<10000x32xf32, #tpu.memory_space<hbm>>
    tpu.enqueue_indirect_dma source(%dma_start3A_143 : memref<10000x32xf32, #tpu.memory_space<hbm>>) target(%dma_start3A_137 : memref<128x32xf32, #tpu.memory_space<vmem>>) offsets(%dma_start3A_140 : memref<128xi32, #tpu.memory_space<vmem>>) semaphore(%arg7 : memref<!tpu.dma_semaphore, #tpu.memory_space<semaphore_mem>>)
    %dma_start3A_144 = arith.constant 12 : i32
    %dma_start3A_145 = arith.constant 12 : i32
    %dma_start3A_146 = arith.constant 0 : i32
    %dma_start3A_147 = arith.constant 0 : i32
    %dma_start3A_148 = tpu.memref_slice %arg6[%dma_start3A_145, %dma_start3A_146, %dma_start3A_147] : memref<20x128x32xf32, #tpu.memory_space<vmem>> -> memref<1x128x32xf32, #tpu.memory_space<vmem>>
    %dma_start3A_149 = tpu.memref_squeeze %dma_start3A_148 : memref<1x128x32xf32, #tpu.memory_space<vmem>> -> memref<128x32xf32, #tpu.memory_space<vmem>>
    %dma_start3A_150 = arith.constant 0 : i32
    %dma_start3A_151 = tpu.memref_slice %arg5[%dma_start3A_144, %dma_start3A_150] : memref<20x128xi32, #tpu.memory_space<vmem>> -> memref<1x128xi32, #tpu.memory_space<vmem>>
    %dma_start3A_152 = tpu.memref_squeeze %dma_start3A_151 : memref<1x128xi32, #tpu.memory_space<vmem>> -> memref<128xi32, #tpu.memory_space<vmem>>
    %dma_start3A_153 = arith.constant 0 : i32
    %dma_start3A_154 = arith.constant 0 : i32
    %dma_start3A_155 = tpu.memref_slice %arg2[%dma_start3A_153, %dma_start3A_154] : memref<10000x32xf32, #tpu.memory_space<hbm>> -> memref<10000x32xf32, #tpu.memory_space<hbm>>
    tpu.enqueue_indirect_dma source(%dma_start3A_155 : memref<10000x32xf32, #tpu.memory_space<hbm>>) target(%dma_start3A_149 : memref<128x32xf32, #tpu.memory_space<vmem>>) offsets(%dma_start3A_152 : memref<128xi32, #tpu.memory_space<vmem>>) semaphore(%arg7 : memref<!tpu.dma_semaphore, #tpu.memory_space<semaphore_mem>>)
    %dma_start3A_156 = arith.constant 13 : i32
    %dma_start3A_157 = arith.constant 13 : i32
    %dma_start3A_158 = arith.constant 0 : i32
    %dma_start3A_159 = arith.constant 0 : i32
    %dma_start3A_160 = tpu.memref_slice %arg6[%dma_start3A_157, %dma_start3A_158, %dma_start3A_159] : memref<20x128x32xf32, #tpu.memory_space<vmem>> -> memref<1x128x32xf32, #tpu.memory_space<vmem>>
    %dma_start3A_161 = tpu.memref_squeeze %dma_start3A_160 : memref<1x128x32xf32, #tpu.memory_space<vmem>> -> memref<128x32xf32, #tpu.memory_space<vmem>>
    %dma_start3A_162 = arith.constant 0 : i32
    %dma_start3A_163 = tpu.memref_slice %arg5[%dma_start3A_156, %dma_start3A_162] : memref<20x128xi32, #tpu.memory_space<vmem>> -> memref<1x128xi32, #tpu.memory_space<vmem>>
    %dma_start3A_164 = tpu.memref_squeeze %dma_start3A_163 : memref<1x128xi32, #tpu.memory_space<vmem>> -> memref<128xi32, #tpu.memory_space<vmem>>
    %dma_start3A_165 = arith.constant 0 : i32
    %dma_start3A_166 = arith.constant 0 : i32
    %dma_start3A_167 = tpu.memref_slice %arg2[%dma_start3A_165, %dma_start3A_166] : memref<10000x32xf32, #tpu.memory_space<hbm>> -> memref<10000x32xf32, #tpu.memory_space<hbm>>
    tpu.enqueue_indirect_dma source(%dma_start3A_167 : memref<10000x32xf32, #tpu.memory_space<hbm>>) target(%dma_start3A_161 : memref<128x32xf32, #tpu.memory_space<vmem>>) offsets(%dma_start3A_164 : memref<128xi32, #tpu.memory_space<vmem>>) semaphore(%arg7 : memref<!tpu.dma_semaphore, #tpu.memory_space<semaphore_mem>>)
    %dma_start3A_168 = arith.constant 14 : i32
    %dma_start3A_169 = arith.constant 14 : i32
    %dma_start3A_170 = arith.constant 0 : i32
    %dma_start3A_171 = arith.constant 0 : i32
    %dma_start3A_172 = tpu.memref_slice %arg6[%dma_start3A_169, %dma_start3A_170, %dma_start3A_171] : memref<20x128x32xf32, #tpu.memory_space<vmem>> -> memref<1x128x32xf32, #tpu.memory_space<vmem>>
    %dma_start3A_173 = tpu.memref_squeeze %dma_start3A_172 : memref<1x128x32xf32, #tpu.memory_space<vmem>> -> memref<128x32xf32, #tpu.memory_space<vmem>>
    %dma_start3A_174 = arith.constant 0 : i32
    %dma_start3A_175 = tpu.memref_slice %arg5[%dma_start3A_168, %dma_start3A_174] : memref<20x128xi32, #tpu.memory_space<vmem>> -> memref<1x128xi32, #tpu.memory_space<vmem>>
    %dma_start3A_176 = tpu.memref_squeeze %dma_start3A_175 : memref<1x128xi32, #tpu.memory_space<vmem>> -> memref<128xi32, #tpu.memory_space<vmem>>
    %dma_start3A_177 = arith.constant 0 : i32
    %dma_start3A_178 = arith.constant 0 : i32
    %dma_start3A_179 = tpu.memref_slice %arg2[%dma_start3A_177, %dma_start3A_178] : memref<10000x32xf32, #tpu.memory_space<hbm>> -> memref<10000x32xf32, #tpu.memory_space<hbm>>
    tpu.enqueue_indirect_dma source(%dma_start3A_179 : memref<10000x32xf32, #tpu.memory_space<hbm>>) target(%dma_start3A_173 : memref<128x32xf32, #tpu.memory_space<vmem>>) offsets(%dma_start3A_176 : memref<128xi32, #tpu.memory_space<vmem>>) semaphore(%arg7 : memref<!tpu.dma_semaphore, #tpu.memory_space<semaphore_mem>>)
    %dma_start3A_180 = arith.constant 15 : i32
    %dma_start3A_181 = arith.constant 15 : i32
    %dma_start3A_182 = arith.constant 0 : i32
    %dma_start3A_183 = arith.constant 0 : i32
    %dma_start3A_184 = tpu.memref_slice %arg6[%dma_start3A_181, %dma_start3A_182, %dma_start3A_183] : memref<20x128x32xf32, #tpu.memory_space<vmem>> -> memref<1x128x32xf32, #tpu.memory_space<vmem>>
    %dma_start3A_185 = tpu.memref_squeeze %dma_start3A_184 : memref<1x128x32xf32, #tpu.memory_space<vmem>> -> memref<128x32xf32, #tpu.memory_space<vmem>>
    %dma_start3A_186 = arith.constant 0 : i32
    %dma_start3A_187 = tpu.memref_slice %arg5[%dma_start3A_180, %dma_start3A_186] : memref<20x128xi32, #tpu.memory_space<vmem>> -> memref<1x128xi32, #tpu.memory_space<vmem>>
    %dma_start3A_188 = tpu.memref_squeeze %dma_start3A_187 : memref<1x128xi32, #tpu.memory_space<vmem>> -> memref<128xi32, #tpu.memory_space<vmem>>
    %dma_start3A_189 = arith.constant 0 : i32
    %dma_start3A_190 = arith.constant 0 : i32
    %dma_start3A_191 = tpu.memref_slice %arg2[%dma_start3A_189, %dma_start3A_190] : memref<10000x32xf32, #tpu.memory_space<hbm>> -> memref<10000x32xf32, #tpu.memory_space<hbm>>
    tpu.enqueue_indirect_dma source(%dma_start3A_191 : memref<10000x32xf32, #tpu.memory_space<hbm>>) target(%dma_start3A_185 : memref<128x32xf32, #tpu.memory_space<vmem>>) offsets(%dma_start3A_188 : memref<128xi32, #tpu.memory_space<vmem>>) semaphore(%arg7 : memref<!tpu.dma_semaphore, #tpu.memory_space<semaphore_mem>>)
    %dma_start3A_192 = arith.constant 16 : i32
    %dma_start3A_193 = arith.constant 16 : i32
    %dma_start3A_194 = arith.constant 0 : i32
    %dma_start3A_195 = arith.constant 0 : i32
    %dma_start3A_196 = tpu.memref_slice %arg6[%dma_start3A_193, %dma_start3A_194, %dma_start3A_195] : memref<20x128x32xf32, #tpu.memory_space<vmem>> -> memref<1x128x32xf32, #tpu.memory_space<vmem>>
    %dma_start3A_197 = tpu.memref_squeeze %dma_start3A_196 : memref<1x128x32xf32, #tpu.memory_space<vmem>> -> memref<128x32xf32, #tpu.memory_space<vmem>>
    %dma_start3A_198 = arith.constant 0 : i32
    %dma_start3A_199 = tpu.memref_slice %arg5[%dma_start3A_192, %dma_start3A_198] : memref<20x128xi32, #tpu.memory_space<vmem>> -> memref<1x128xi32, #tpu.memory_space<vmem>>
    %dma_start3A_200 = tpu.memref_squeeze %dma_start3A_199 : memref<1x128xi32, #tpu.memory_space<vmem>> -> memref<128xi32, #tpu.memory_space<vmem>>
    %dma_start3A_201 = arith.constant 0 : i32
    %dma_start3A_202 = arith.constant 0 : i32
    %dma_start3A_203 = tpu.memref_slice %arg2[%dma_start3A_201, %dma_start3A_202] : memref<10000x32xf32, #tpu.memory_space<hbm>> -> memref<10000x32xf32, #tpu.memory_space<hbm>>
    tpu.enqueue_indirect_dma source(%dma_start3A_203 : memref<10000x32xf32, #tpu.memory_space<hbm>>) target(%dma_start3A_197 : memref<128x32xf32, #tpu.memory_space<vmem>>) offsets(%dma_start3A_200 : memref<128xi32, #tpu.memory_space<vmem>>) semaphore(%arg7 : memref<!tpu.dma_semaphore, #tpu.memory_space<semaphore_mem>>)
    %dma_start3A_204 = arith.constant 17 : i32
    %dma_start3A_205 = arith.constant 17 : i32
    %dma_start3A_206 = arith.constant 0 : i32
    %dma_start3A_207 = arith.constant 0 : i32
    %dma_start3A_208 = tpu.memref_slice %arg6[%dma_start3A_205, %dma_start3A_206, %dma_start3A_207] : memref<20x128x32xf32, #tpu.memory_space<vmem>> -> memref<1x128x32xf32, #tpu.memory_space<vmem>>
    %dma_start3A_209 = tpu.memref_squeeze %dma_start3A_208 : memref<1x128x32xf32, #tpu.memory_space<vmem>> -> memref<128x32xf32, #tpu.memory_space<vmem>>
    %dma_start3A_210 = arith.constant 0 : i32
    %dma_start3A_211 = tpu.memref_slice %arg5[%dma_start3A_204, %dma_start3A_210] : memref<20x128xi32, #tpu.memory_space<vmem>> -> memref<1x128xi32, #tpu.memory_space<vmem>>
    %dma_start3A_212 = tpu.memref_squeeze %dma_start3A_211 : memref<1x128xi32, #tpu.memory_space<vmem>> -> memref<128xi32, #tpu.memory_space<vmem>>
    %dma_start3A_213 = arith.constant 0 : i32
    %dma_start3A_214 = arith.constant 0 : i32
    %dma_start3A_215 = tpu.memref_slice %arg2[%dma_start3A_213, %dma_start3A_214] : memref<10000x32xf32, #tpu.memory_space<hbm>> -> memref<10000x32xf32, #tpu.memory_space<hbm>>
    tpu.enqueue_indirect_dma source(%dma_start3A_215 : memref<10000x32xf32, #tpu.memory_space<hbm>>) target(%dma_start3A_209 : memref<128x32xf32, #tpu.memory_space<vmem>>) offsets(%dma_start3A_212 : memref<128xi32, #tpu.memory_space<vmem>>) semaphore(%arg7 : memref<!tpu.dma_semaphore, #tpu.memory_space<semaphore_mem>>)
    %dma_start3A_216 = arith.constant 18 : i32
    %dma_start3A_217 = arith.constant 18 : i32
    %dma_start3A_218 = arith.constant 0 : i32
    %dma_start3A_219 = arith.constant 0 : i32
    %dma_start3A_220 = tpu.memref_slice %arg6[%dma_start3A_217, %dma_start3A_218, %dma_start3A_219] : memref<20x128x32xf32, #tpu.memory_space<vmem>> -> memref<1x128x32xf32, #tpu.memory_space<vmem>>
    %dma_start3A_221 = tpu.memref_squeeze %dma_start3A_220 : memref<1x128x32xf32, #tpu.memory_space<vmem>> -> memref<128x32xf32, #tpu.memory_space<vmem>>
    %dma_start3A_222 = arith.constant 0 : i32
    %dma_start3A_223 = tpu.memref_slice %arg5[%dma_start3A_216, %dma_start3A_222] : memref<20x128xi32, #tpu.memory_space<vmem>> -> memref<1x128xi32, #tpu.memory_space<vmem>>
    %dma_start3A_224 = tpu.memref_squeeze %dma_start3A_223 : memref<1x128xi32, #tpu.memory_space<vmem>> -> memref<128xi32, #tpu.memory_space<vmem>>
    %dma_start3A_225 = arith.constant 0 : i32
    %dma_start3A_226 = arith.constant 0 : i32
    %dma_start3A_227 = tpu.memref_slice %arg2[%dma_start3A_225, %dma_start3A_226] : memref<10000x32xf32, #tpu.memory_space<hbm>> -> memref<10000x32xf32, #tpu.memory_space<hbm>>
    tpu.enqueue_indirect_dma source(%dma_start3A_227 : memref<10000x32xf32, #tpu.memory_space<hbm>>) target(%dma_start3A_221 : memref<128x32xf32, #tpu.memory_space<vmem>>) offsets(%dma_start3A_224 : memref<128xi32, #tpu.memory_space<vmem>>) semaphore(%arg7 : memref<!tpu.dma_semaphore, #tpu.memory_space<semaphore_mem>>)
    %dma_start3A_228 = arith.constant 19 : i32
    %dma_start3A_229 = arith.constant 19 : i32
    %dma_start3A_230 = arith.constant 0 : i32
    %dma_start3A_231 = arith.constant 0 : i32
    %dma_start3A_232 = tpu.memref_slice %arg6[%dma_start3A_229, %dma_start3A_230, %dma_start3A_231] : memref<20x128x32xf32, #tpu.memory_space<vmem>> -> memref<1x128x32xf32, #tpu.memory_space<vmem>>
    %dma_start3A_233 = tpu.memref_squeeze %dma_start3A_232 : memref<1x128x32xf32, #tpu.memory_space<vmem>> -> memref<128x32xf32, #tpu.memory_space<vmem>>
    %dma_start3A_234 = arith.constant 0 : i32
    %dma_start3A_235 = tpu.memref_slice %arg5[%dma_start3A_228, %dma_start3A_234] : memref<20x128xi32, #tpu.memory_space<vmem>> -> memref<1x128xi32, #tpu.memory_space<vmem>>
    %dma_start3A_236 = tpu.memref_squeeze %dma_start3A_235 : memref<1x128xi32, #tpu.memory_space<vmem>> -> memref<128xi32, #tpu.memory_space<vmem>>
    %dma_start3A_237 = arith.constant 0 : i32
    %dma_start3A_238 = arith.constant 0 : i32
    %dma_start3A_239 = tpu.memref_slice %arg2[%dma_start3A_237, %dma_start3A_238] : memref<10000x32xf32, #tpu.memory_space<hbm>> -> memref<10000x32xf32, #tpu.memory_space<hbm>>
    tpu.enqueue_indirect_dma source(%dma_start3A_239 : memref<10000x32xf32, #tpu.memory_space<hbm>>) target(%dma_start3A_233 : memref<128x32xf32, #tpu.memory_space<vmem>>) offsets(%dma_start3A_236 : memref<128xi32, #tpu.memory_space<vmem>>) semaphore(%arg7 : memref<!tpu.dma_semaphore, #tpu.memory_space<semaphore_mem>>)
    %dma_wait3A = arith.constant 0 : i32
    %dma_wait3A_240 = arith.constant 0 : i32
    %dma_wait3A_241 = arith.constant 0 : i32
    %dma_wait3A_242 = arith.constant 0 : i32
    %dma_wait3A_243 = tpu.memref_slice %arg6[%dma_wait3A_240, %dma_wait3A_241, %dma_wait3A_242] : memref<20x128x32xf32, #tpu.memory_space<vmem>> -> memref<1x128x32xf32, #tpu.memory_space<vmem>>
    %dma_wait3A_244 = tpu.memref_squeeze %dma_wait3A_243 : memref<1x128x32xf32, #tpu.memory_space<vmem>> -> memref<128x32xf32, #tpu.memory_space<vmem>>
    %dma_wait3A_245 = arith.constant 0 : i32
    %dma_wait3A_246 = tpu.memref_slice %arg5[%dma_wait3A, %dma_wait3A_245] : memref<20x128xi32, #tpu.memory_space<vmem>> -> memref<1x128xi32, #tpu.memory_space<vmem>>
    %dma_wait3A_247 = tpu.memref_squeeze %dma_wait3A_246 : memref<1x128xi32, #tpu.memory_space<vmem>> -> memref<128xi32, #tpu.memory_space<vmem>>
    %dma_wait3A_248 = arith.constant 0 : i32
    %dma_wait3A_249 = arith.constant 0 : i32
    %dma_wait3A_250 = tpu.memref_slice %arg2[%dma_wait3A_248, %dma_wait3A_249] : memref<10000x32xf32, #tpu.memory_space<hbm>> -> memref<10000x32xf32, #tpu.memory_space<hbm>>
    tpu.wait_indirect_dma semaphore(%arg7 : memref<!tpu.dma_semaphore, #tpu.memory_space<semaphore_mem>>) src(%dma_wait3A_250 : memref<10000x32xf32, #tpu.memory_space<hbm>>) dst(%dma_wait3A_244 : memref<128x32xf32, #tpu.memory_space<vmem>>)
    %dma_wait3A_251 = arith.constant 1 : i32
    %dma_wait3A_252 = arith.constant 1 : i32
    %dma_wait3A_253 = arith.constant 0 : i32
    %dma_wait3A_254 = arith.constant 0 : i32
    %dma_wait3A_255 = tpu.memref_slice %arg6[%dma_wait3A_252, %dma_wait3A_253, %dma_wait3A_254] : memref<20x128x32xf32, #tpu.memory_space<vmem>> -> memref<1x128x32xf32, #tpu.memory_space<vmem>>
    %dma_wait3A_256 = tpu.memref_squeeze %dma_wait3A_255 : memref<1x128x32xf32, #tpu.memory_space<vmem>> -> memref<128x32xf32, #tpu.memory_space<vmem>>
    %dma_wait3A_257 = arith.constant 0 : i32
    %dma_wait3A_258 = tpu.memref_slice %arg5[%dma_wait3A_251, %dma_wait3A_257] : memref<20x128xi32, #tpu.memory_space<vmem>> -> memref<1x128xi32, #tpu.memory_space<vmem>>
    %dma_wait3A_259 = tpu.memref_squeeze %dma_wait3A_258 : memref<1x128xi32, #tpu.memory_space<vmem>> -> memref<128xi32, #tpu.memory_space<vmem>>
    %dma_wait3A_260 = arith.constant 0 : i32
    %dma_wait3A_261 = arith.constant 0 : i32
    %dma_wait3A_262 = tpu.memref_slice %arg2[%dma_wait3A_260, %dma_wait3A_261] : memref<10000x32xf32, #tpu.memory_space<hbm>> -> memref<10000x32xf32, #tpu.memory_space<hbm>>
    tpu.wait_indirect_dma semaphore(%arg7 : memref<!tpu.dma_semaphore, #tpu.memory_space<semaphore_mem>>) src(%dma_wait3A_262 : memref<10000x32xf32, #tpu.memory_space<hbm>>) dst(%dma_wait3A_256 : memref<128x32xf32, #tpu.memory_space<vmem>>)
    %dma_wait3A_263 = arith.constant 2 : i32
    %dma_wait3A_264 = arith.constant 2 : i32
    %dma_wait3A_265 = arith.constant 0 : i32
    %dma_wait3A_266 = arith.constant 0 : i32
    %dma_wait3A_267 = tpu.memref_slice %arg6[%dma_wait3A_264, %dma_wait3A_265, %dma_wait3A_266] : memref<20x128x32xf32, #tpu.memory_space<vmem>> -> memref<1x128x32xf32, #tpu.memory_space<vmem>>
    %dma_wait3A_268 = tpu.memref_squeeze %dma_wait3A_267 : memref<1x128x32xf32, #tpu.memory_space<vmem>> -> memref<128x32xf32, #tpu.memory_space<vmem>>
    %dma_wait3A_269 = arith.constant 0 : i32
    %dma_wait3A_270 = tpu.memref_slice %arg5[%dma_wait3A_263, %dma_wait3A_269] : memref<20x128xi32, #tpu.memory_space<vmem>> -> memref<1x128xi32, #tpu.memory_space<vmem>>
    %dma_wait3A_271 = tpu.memref_squeeze %dma_wait3A_270 : memref<1x128xi32, #tpu.memory_space<vmem>> -> memref<128xi32, #tpu.memory_space<vmem>>
    %dma_wait3A_272 = arith.constant 0 : i32
    %dma_wait3A_273 = arith.constant 0 : i32
    %dma_wait3A_274 = tpu.memref_slice %arg2[%dma_wait3A_272, %dma_wait3A_273] : memref<10000x32xf32, #tpu.memory_space<hbm>> -> memref<10000x32xf32, #tpu.memory_space<hbm>>
    tpu.wait_indirect_dma semaphore(%arg7 : memref<!tpu.dma_semaphore, #tpu.memory_space<semaphore_mem>>) src(%dma_wait3A_274 : memref<10000x32xf32, #tpu.memory_space<hbm>>) dst(%dma_wait3A_268 : memref<128x32xf32, #tpu.memory_space<vmem>>)
    %dma_wait3A_275 = arith.constant 3 : i32
    %dma_wait3A_276 = arith.constant 3 : i32
    %dma_wait3A_277 = arith.constant 0 : i32
    %dma_wait3A_278 = arith.constant 0 : i32
    %dma_wait3A_279 = tpu.memref_slice %arg6[%dma_wait3A_276, %dma_wait3A_277, %dma_wait3A_278] : memref<20x128x32xf32, #tpu.memory_space<vmem>> -> memref<1x128x32xf32, #tpu.memory_space<vmem>>
    %dma_wait3A_280 = tpu.memref_squeeze %dma_wait3A_279 : memref<1x128x32xf32, #tpu.memory_space<vmem>> -> memref<128x32xf32, #tpu.memory_space<vmem>>
    %dma_wait3A_281 = arith.constant 0 : i32
    %dma_wait3A_282 = tpu.memref_slice %arg5[%dma_wait3A_275, %dma_wait3A_281] : memref<20x128xi32, #tpu.memory_space<vmem>> -> memref<1x128xi32, #tpu.memory_space<vmem>>
    %dma_wait3A_283 = tpu.memref_squeeze %dma_wait3A_282 : memref<1x128xi32, #tpu.memory_space<vmem>> -> memref<128xi32, #tpu.memory_space<vmem>>
    %dma_wait3A_284 = arith.constant 0 : i32
    %dma_wait3A_285 = arith.constant 0 : i32
    %dma_wait3A_286 = tpu.memref_slice %arg2[%dma_wait3A_284, %dma_wait3A_285] : memref<10000x32xf32, #tpu.memory_space<hbm>> -> memref<10000x32xf32, #tpu.memory_space<hbm>>
    tpu.wait_indirect_dma semaphore(%arg7 : memref<!tpu.dma_semaphore, #tpu.memory_space<semaphore_mem>>) src(%dma_wait3A_286 : memref<10000x32xf32, #tpu.memory_space<hbm>>) dst(%dma_wait3A_280 : memref<128x32xf32, #tpu.memory_space<vmem>>)
    %dma_wait3A_287 = arith.constant 4 : i32
    %dma_wait3A_288 = arith.constant 4 : i32
    %dma_wait3A_289 = arith.constant 0 : i32
    %dma_wait3A_290 = arith.constant 0 : i32
    %dma_wait3A_291 = tpu.memref_slice %arg6[%dma_wait3A_288, %dma_wait3A_289, %dma_wait3A_290] : memref<20x128x32xf32, #tpu.memory_space<vmem>> -> memref<1x128x32xf32, #tpu.memory_space<vmem>>
    %dma_wait3A_292 = tpu.memref_squeeze %dma_wait3A_291 : memref<1x128x32xf32, #tpu.memory_space<vmem>> -> memref<128x32xf32, #tpu.memory_space<vmem>>
    %dma_wait3A_293 = arith.constant 0 : i32
    %dma_wait3A_294 = tpu.memref_slice %arg5[%dma_wait3A_287, %dma_wait3A_293] : memref<20x128xi32, #tpu.memory_space<vmem>> -> memref<1x128xi32, #tpu.memory_space<vmem>>
    %dma_wait3A_295 = tpu.memref_squeeze %dma_wait3A_294 : memref<1x128xi32, #tpu.memory_space<vmem>> -> memref<128xi32, #tpu.memory_space<vmem>>
    %dma_wait3A_296 = arith.constant 0 : i32
    %dma_wait3A_297 = arith.constant 0 : i32
    %dma_wait3A_298 = tpu.memref_slice %arg2[%dma_wait3A_296, %dma_wait3A_297] : memref<10000x32xf32, #tpu.memory_space<hbm>> -> memref<10000x32xf32, #tpu.memory_space<hbm>>
    tpu.wait_indirect_dma semaphore(%arg7 : memref<!tpu.dma_semaphore, #tpu.memory_space<semaphore_mem>>) src(%dma_wait3A_298 : memref<10000x32xf32, #tpu.memory_space<hbm>>) dst(%dma_wait3A_292 : memref<128x32xf32, #tpu.memory_space<vmem>>)
    %dma_wait3A_299 = arith.constant 5 : i32
    %dma_wait3A_300 = arith.constant 5 : i32
    %dma_wait3A_301 = arith.constant 0 : i32
    %dma_wait3A_302 = arith.constant 0 : i32
    %dma_wait3A_303 = tpu.memref_slice %arg6[%dma_wait3A_300, %dma_wait3A_301, %dma_wait3A_302] : memref<20x128x32xf32, #tpu.memory_space<vmem>> -> memref<1x128x32xf32, #tpu.memory_space<vmem>>
    %dma_wait3A_304 = tpu.memref_squeeze %dma_wait3A_303 : memref<1x128x32xf32, #tpu.memory_space<vmem>> -> memref<128x32xf32, #tpu.memory_space<vmem>>
    %dma_wait3A_305 = arith.constant 0 : i32
    %dma_wait3A_306 = tpu.memref_slice %arg5[%dma_wait3A_299, %dma_wait3A_305] : memref<20x128xi32, #tpu.memory_space<vmem>> -> memref<1x128xi32, #tpu.memory_space<vmem>>
    %dma_wait3A_307 = tpu.memref_squeeze %dma_wait3A_306 : memref<1x128xi32, #tpu.memory_space<vmem>> -> memref<128xi32, #tpu.memory_space<vmem>>
    %dma_wait3A_308 = arith.constant 0 : i32
    %dma_wait3A_309 = arith.constant 0 : i32
    %dma_wait3A_310 = tpu.memref_slice %arg2[%dma_wait3A_308, %dma_wait3A_309] : memref<10000x32xf32, #tpu.memory_space<hbm>> -> memref<10000x32xf32, #tpu.memory_space<hbm>>
    tpu.wait_indirect_dma semaphore(%arg7 : memref<!tpu.dma_semaphore, #tpu.memory_space<semaphore_mem>>) src(%dma_wait3A_310 : memref<10000x32xf32, #tpu.memory_space<hbm>>) dst(%dma_wait3A_304 : memref<128x32xf32, #tpu.memory_space<vmem>>)
    %dma_wait3A_311 = arith.constant 6 : i32
    %dma_wait3A_312 = arith.constant 6 : i32
    %dma_wait3A_313 = arith.constant 0 : i32
    %dma_wait3A_314 = arith.constant 0 : i32
    %dma_wait3A_315 = tpu.memref_slice %arg6[%dma_wait3A_312, %dma_wait3A_313, %dma_wait3A_314] : memref<20x128x32xf32, #tpu.memory_space<vmem>> -> memref<1x128x32xf32, #tpu.memory_space<vmem>>
    %dma_wait3A_316 = tpu.memref_squeeze %dma_wait3A_315 : memref<1x128x32xf32, #tpu.memory_space<vmem>> -> memref<128x32xf32, #tpu.memory_space<vmem>>
    %dma_wait3A_317 = arith.constant 0 : i32
    %dma_wait3A_318 = tpu.memref_slice %arg5[%dma_wait3A_311, %dma_wait3A_317] : memref<20x128xi32, #tpu.memory_space<vmem>> -> memref<1x128xi32, #tpu.memory_space<vmem>>
    %dma_wait3A_319 = tpu.memref_squeeze %dma_wait3A_318 : memref<1x128xi32, #tpu.memory_space<vmem>> -> memref<128xi32, #tpu.memory_space<vmem>>
    %dma_wait3A_320 = arith.constant 0 : i32
    %dma_wait3A_321 = arith.constant 0 : i32
    %dma_wait3A_322 = tpu.memref_slice %arg2[%dma_wait3A_320, %dma_wait3A_321] : memref<10000x32xf32, #tpu.memory_space<hbm>> -> memref<10000x32xf32, #tpu.memory_space<hbm>>
    tpu.wait_indirect_dma semaphore(%arg7 : memref<!tpu.dma_semaphore, #tpu.memory_space<semaphore_mem>>) src(%dma_wait3A_322 : memref<10000x32xf32, #tpu.memory_space<hbm>>) dst(%dma_wait3A_316 : memref<128x32xf32, #tpu.memory_space<vmem>>)
    %dma_wait3A_323 = arith.constant 7 : i32
    %dma_wait3A_324 = arith.constant 7 : i32
    %dma_wait3A_325 = arith.constant 0 : i32
    %dma_wait3A_326 = arith.constant 0 : i32
    %dma_wait3A_327 = tpu.memref_slice %arg6[%dma_wait3A_324, %dma_wait3A_325, %dma_wait3A_326] : memref<20x128x32xf32, #tpu.memory_space<vmem>> -> memref<1x128x32xf32, #tpu.memory_space<vmem>>
    %dma_wait3A_328 = tpu.memref_squeeze %dma_wait3A_327 : memref<1x128x32xf32, #tpu.memory_space<vmem>> -> memref<128x32xf32, #tpu.memory_space<vmem>>
    %dma_wait3A_329 = arith.constant 0 : i32
    %dma_wait3A_330 = tpu.memref_slice %arg5[%dma_wait3A_323, %dma_wait3A_329] : memref<20x128xi32, #tpu.memory_space<vmem>> -> memref<1x128xi32, #tpu.memory_space<vmem>>
    %dma_wait3A_331 = tpu.memref_squeeze %dma_wait3A_330 : memref<1x128xi32, #tpu.memory_space<vmem>> -> memref<128xi32, #tpu.memory_space<vmem>>
    %dma_wait3A_332 = arith.constant 0 : i32
    %dma_wait3A_333 = arith.constant 0 : i32
    %dma_wait3A_334 = tpu.memref_slice %arg2[%dma_wait3A_332, %dma_wait3A_333] : memref<10000x32xf32, #tpu.memory_space<hbm>> -> memref<10000x32xf32, #tpu.memory_space<hbm>>
    tpu.wait_indirect_dma semaphore(%arg7 : memref<!tpu.dma_semaphore, #tpu.memory_space<semaphore_mem>>) src(%dma_wait3A_334 : memref<10000x32xf32, #tpu.memory_space<hbm>>) dst(%dma_wait3A_328 : memref<128x32xf32, #tpu.memory_space<vmem>>)
    %dma_wait3A_335 = arith.constant 8 : i32
    %dma_wait3A_336 = arith.constant 8 : i32
    %dma_wait3A_337 = arith.constant 0 : i32
    %dma_wait3A_338 = arith.constant 0 : i32
    %dma_wait3A_339 = tpu.memref_slice %arg6[%dma_wait3A_336, %dma_wait3A_337, %dma_wait3A_338] : memref<20x128x32xf32, #tpu.memory_space<vmem>> -> memref<1x128x32xf32, #tpu.memory_space<vmem>>
    %dma_wait3A_340 = tpu.memref_squeeze %dma_wait3A_339 : memref<1x128x32xf32, #tpu.memory_space<vmem>> -> memref<128x32xf32, #tpu.memory_space<vmem>>
    %dma_wait3A_341 = arith.constant 0 : i32
    %dma_wait3A_342 = tpu.memref_slice %arg5[%dma_wait3A_335, %dma_wait3A_341] : memref<20x128xi32, #tpu.memory_space<vmem>> -> memref<1x128xi32, #tpu.memory_space<vmem>>
    %dma_wait3A_343 = tpu.memref_squeeze %dma_wait3A_342 : memref<1x128xi32, #tpu.memory_space<vmem>> -> memref<128xi32, #tpu.memory_space<vmem>>
    %dma_wait3A_344 = arith.constant 0 : i32
    %dma_wait3A_345 = arith.constant 0 : i32
    %dma_wait3A_346 = tpu.memref_slice %arg2[%dma_wait3A_344, %dma_wait3A_345] : memref<10000x32xf32, #tpu.memory_space<hbm>> -> memref<10000x32xf32, #tpu.memory_space<hbm>>
    tpu.wait_indirect_dma semaphore(%arg7 : memref<!tpu.dma_semaphore, #tpu.memory_space<semaphore_mem>>) src(%dma_wait3A_346 : memref<10000x32xf32, #tpu.memory_space<hbm>>) dst(%dma_wait3A_340 : memref<128x32xf32, #tpu.memory_space<vmem>>)
    %dma_wait3A_347 = arith.constant 9 : i32
    %dma_wait3A_348 = arith.constant 9 : i32
    %dma_wait3A_349 = arith.constant 0 : i32
    %dma_wait3A_350 = arith.constant 0 : i32
    %dma_wait3A_351 = tpu.memref_slice %arg6[%dma_wait3A_348, %dma_wait3A_349, %dma_wait3A_350] : memref<20x128x32xf32, #tpu.memory_space<vmem>> -> memref<1x128x32xf32, #tpu.memory_space<vmem>>
    %dma_wait3A_352 = tpu.memref_squeeze %dma_wait3A_351 : memref<1x128x32xf32, #tpu.memory_space<vmem>> -> memref<128x32xf32, #tpu.memory_space<vmem>>
    %dma_wait3A_353 = arith.constant 0 : i32
    %dma_wait3A_354 = tpu.memref_slice %arg5[%dma_wait3A_347, %dma_wait3A_353] : memref<20x128xi32, #tpu.memory_space<vmem>> -> memref<1x128xi32, #tpu.memory_space<vmem>>
    %dma_wait3A_355 = tpu.memref_squeeze %dma_wait3A_354 : memref<1x128xi32, #tpu.memory_space<vmem>> -> memref<128xi32, #tpu.memory_space<vmem>>
    %dma_wait3A_356 = arith.constant 0 : i32
    %dma_wait3A_357 = arith.constant 0 : i32
    %dma_wait3A_358 = tpu.memref_slice %arg2[%dma_wait3A_356, %dma_wait3A_357] : memref<10000x32xf32, #tpu.memory_space<hbm>> -> memref<10000x32xf32, #tpu.memory_space<hbm>>
    tpu.wait_indirect_dma semaphore(%arg7 : memref<!tpu.dma_semaphore, #tpu.memory_space<semaphore_mem>>) src(%dma_wait3A_358 : memref<10000x32xf32, #tpu.memory_space<hbm>>) dst(%dma_wait3A_352 : memref<128x32xf32, #tpu.memory_space<vmem>>)
    %dma_wait3A_359 = arith.constant 10 : i32
    %dma_wait3A_360 = arith.constant 10 : i32
    %dma_wait3A_361 = arith.constant 0 : i32
    %dma_wait3A_362 = arith.constant 0 : i32
    %dma_wait3A_363 = tpu.memref_slice %arg6[%dma_wait3A_360, %dma_wait3A_361, %dma_wait3A_362] : memref<20x128x32xf32, #tpu.memory_space<vmem>> -> memref<1x128x32xf32, #tpu.memory_space<vmem>>
    %dma_wait3A_364 = tpu.memref_squeeze %dma_wait3A_363 : memref<1x128x32xf32, #tpu.memory_space<vmem>> -> memref<128x32xf32, #tpu.memory_space<vmem>>
    %dma_wait3A_365 = arith.constant 0 : i32
    %dma_wait3A_366 = tpu.memref_slice %arg5[%dma_wait3A_359, %dma_wait3A_365] : memref<20x128xi32, #tpu.memory_space<vmem>> -> memref<1x128xi32, #tpu.memory_space<vmem>>
    %dma_wait3A_367 = tpu.memref_squeeze %dma_wait3A_366 : memref<1x128xi32, #tpu.memory_space<vmem>> -> memref<128xi32, #tpu.memory_space<vmem>>
    %dma_wait3A_368 = arith.constant 0 : i32
    %dma_wait3A_369 = arith.constant 0 : i32
    %dma_wait3A_370 = tpu.memref_slice %arg2[%dma_wait3A_368, %dma_wait3A_369] : memref<10000x32xf32, #tpu.memory_space<hbm>> -> memref<10000x32xf32, #tpu.memory_space<hbm>>
    tpu.wait_indirect_dma semaphore(%arg7 : memref<!tpu.dma_semaphore, #tpu.memory_space<semaphore_mem>>) src(%dma_wait3A_370 : memref<10000x32xf32, #tpu.memory_space<hbm>>) dst(%dma_wait3A_364 : memref<128x32xf32, #tpu.memory_space<vmem>>)
    %dma_wait3A_371 = arith.constant 11 : i32
    %dma_wait3A_372 = arith.constant 11 : i32
    %dma_wait3A_373 = arith.constant 0 : i32
    %dma_wait3A_374 = arith.constant 0 : i32
    %dma_wait3A_375 = tpu.memref_slice %arg6[%dma_wait3A_372, %dma_wait3A_373, %dma_wait3A_374] : memref<20x128x32xf32, #tpu.memory_space<vmem>> -> memref<1x128x32xf32, #tpu.memory_space<vmem>>
    %dma_wait3A_376 = tpu.memref_squeeze %dma_wait3A_375 : memref<1x128x32xf32, #tpu.memory_space<vmem>> -> memref<128x32xf32, #tpu.memory_space<vmem>>
    %dma_wait3A_377 = arith.constant 0 : i32
    %dma_wait3A_378 = tpu.memref_slice %arg5[%dma_wait3A_371, %dma_wait3A_377] : memref<20x128xi32, #tpu.memory_space<vmem>> -> memref<1x128xi32, #tpu.memory_space<vmem>>
    %dma_wait3A_379 = tpu.memref_squeeze %dma_wait3A_378 : memref<1x128xi32, #tpu.memory_space<vmem>> -> memref<128xi32, #tpu.memory_space<vmem>>
    %dma_wait3A_380 = arith.constant 0 : i32
    %dma_wait3A_381 = arith.constant 0 : i32
    %dma_wait3A_382 = tpu.memref_slice %arg2[%dma_wait3A_380, %dma_wait3A_381] : memref<10000x32xf32, #tpu.memory_space<hbm>> -> memref<10000x32xf32, #tpu.memory_space<hbm>>
    tpu.wait_indirect_dma semaphore(%arg7 : memref<!tpu.dma_semaphore, #tpu.memory_space<semaphore_mem>>) src(%dma_wait3A_382 : memref<10000x32xf32, #tpu.memory_space<hbm>>) dst(%dma_wait3A_376 : memref<128x32xf32, #tpu.memory_space<vmem>>)
    %dma_wait3A_383 = arith.constant 12 : i32
    %dma_wait3A_384 = arith.constant 12 : i32
    %dma_wait3A_385 = arith.constant 0 : i32
    %dma_wait3A_386 = arith.constant 0 : i32
    %dma_wait3A_387 = tpu.memref_slice %arg6[%dma_wait3A_384, %dma_wait3A_385, %dma_wait3A_386] : memref<20x128x32xf32, #tpu.memory_space<vmem>> -> memref<1x128x32xf32, #tpu.memory_space<vmem>>
    %dma_wait3A_388 = tpu.memref_squeeze %dma_wait3A_387 : memref<1x128x32xf32, #tpu.memory_space<vmem>> -> memref<128x32xf32, #tpu.memory_space<vmem>>
    %dma_wait3A_389 = arith.constant 0 : i32
    %dma_wait3A_390 = tpu.memref_slice %arg5[%dma_wait3A_383, %dma_wait3A_389] : memref<20x128xi32, #tpu.memory_space<vmem>> -> memref<1x128xi32, #tpu.memory_space<vmem>>
    %dma_wait3A_391 = tpu.memref_squeeze %dma_wait3A_390 : memref<1x128xi32, #tpu.memory_space<vmem>> -> memref<128xi32, #tpu.memory_space<vmem>>
    %dma_wait3A_392 = arith.constant 0 : i32
    %dma_wait3A_393 = arith.constant 0 : i32
    %dma_wait3A_394 = tpu.memref_slice %arg2[%dma_wait3A_392, %dma_wait3A_393] : memref<10000x32xf32, #tpu.memory_space<hbm>> -> memref<10000x32xf32, #tpu.memory_space<hbm>>
    tpu.wait_indirect_dma semaphore(%arg7 : memref<!tpu.dma_semaphore, #tpu.memory_space<semaphore_mem>>) src(%dma_wait3A_394 : memref<10000x32xf32, #tpu.memory_space<hbm>>) dst(%dma_wait3A_388 : memref<128x32xf32, #tpu.memory_space<vmem>>)
    %dma_wait3A_395 = arith.constant 13 : i32
    %dma_wait3A_396 = arith.constant 13 : i32
    %dma_wait3A_397 = arith.constant 0 : i32
    %dma_wait3A_398 = arith.constant 0 : i32
    %dma_wait3A_399 = tpu.memref_slice %arg6[%dma_wait3A_396, %dma_wait3A_397, %dma_wait3A_398] : memref<20x128x32xf32, #tpu.memory_space<vmem>> -> memref<1x128x32xf32, #tpu.memory_space<vmem>>
    %dma_wait3A_400 = tpu.memref_squeeze %dma_wait3A_399 : memref<1x128x32xf32, #tpu.memory_space<vmem>> -> memref<128x32xf32, #tpu.memory_space<vmem>>
    %dma_wait3A_401 = arith.constant 0 : i32
    %dma_wait3A_402 = tpu.memref_slice %arg5[%dma_wait3A_395, %dma_wait3A_401] : memref<20x128xi32, #tpu.memory_space<vmem>> -> memref<1x128xi32, #tpu.memory_space<vmem>>
    %dma_wait3A_403 = tpu.memref_squeeze %dma_wait3A_402 : memref<1x128xi32, #tpu.memory_space<vmem>> -> memref<128xi32, #tpu.memory_space<vmem>>
    %dma_wait3A_404 = arith.constant 0 : i32
    %dma_wait3A_405 = arith.constant 0 : i32
    %dma_wait3A_406 = tpu.memref_slice %arg2[%dma_wait3A_404, %dma_wait3A_405] : memref<10000x32xf32, #tpu.memory_space<hbm>> -> memref<10000x32xf32, #tpu.memory_space<hbm>>
    tpu.wait_indirect_dma semaphore(%arg7 : memref<!tpu.dma_semaphore, #tpu.memory_space<semaphore_mem>>) src(%dma_wait3A_406 : memref<10000x32xf32, #tpu.memory_space<hbm>>) dst(%dma_wait3A_400 : memref<128x32xf32, #tpu.memory_space<vmem>>)
    %dma_wait3A_407 = arith.constant 14 : i32
    %dma_wait3A_408 = arith.constant 14 : i32
    %dma_wait3A_409 = arith.constant 0 : i32
    %dma_wait3A_410 = arith.constant 0 : i32
    %dma_wait3A_411 = tpu.memref_slice %arg6[%dma_wait3A_408, %dma_wait3A_409, %dma_wait3A_410] : memref<20x128x32xf32, #tpu.memory_space<vmem>> -> memref<1x128x32xf32, #tpu.memory_space<vmem>>
    %dma_wait3A_412 = tpu.memref_squeeze %dma_wait3A_411 : memref<1x128x32xf32, #tpu.memory_space<vmem>> -> memref<128x32xf32, #tpu.memory_space<vmem>>
    %dma_wait3A_413 = arith.constant 0 : i32
    %dma_wait3A_414 = tpu.memref_slice %arg5[%dma_wait3A_407, %dma_wait3A_413] : memref<20x128xi32, #tpu.memory_space<vmem>> -> memref<1x128xi32, #tpu.memory_space<vmem>>
    %dma_wait3A_415 = tpu.memref_squeeze %dma_wait3A_414 : memref<1x128xi32, #tpu.memory_space<vmem>> -> memref<128xi32, #tpu.memory_space<vmem>>
    %dma_wait3A_416 = arith.constant 0 : i32
    %dma_wait3A_417 = arith.constant 0 : i32
    %dma_wait3A_418 = tpu.memref_slice %arg2[%dma_wait3A_416, %dma_wait3A_417] : memref<10000x32xf32, #tpu.memory_space<hbm>> -> memref<10000x32xf32, #tpu.memory_space<hbm>>
    tpu.wait_indirect_dma semaphore(%arg7 : memref<!tpu.dma_semaphore, #tpu.memory_space<semaphore_mem>>) src(%dma_wait3A_418 : memref<10000x32xf32, #tpu.memory_space<hbm>>) dst(%dma_wait3A_412 : memref<128x32xf32, #tpu.memory_space<vmem>>)
    %dma_wait3A_419 = arith.constant 15 : i32
    %dma_wait3A_420 = arith.constant 15 : i32
    %dma_wait3A_421 = arith.constant 0 : i32
    %dma_wait3A_422 = arith.constant 0 : i32
    %dma_wait3A_423 = tpu.memref_slice %arg6[%dma_wait3A_420, %dma_wait3A_421, %dma_wait3A_422] : memref<20x128x32xf32, #tpu.memory_space<vmem>> -> memref<1x128x32xf32, #tpu.memory_space<vmem>>
    %dma_wait3A_424 = tpu.memref_squeeze %dma_wait3A_423 : memref<1x128x32xf32, #tpu.memory_space<vmem>> -> memref<128x32xf32, #tpu.memory_space<vmem>>
    %dma_wait3A_425 = arith.constant 0 : i32
    %dma_wait3A_426 = tpu.memref_slice %arg5[%dma_wait3A_419, %dma_wait3A_425] : memref<20x128xi32, #tpu.memory_space<vmem>> -> memref<1x128xi32, #tpu.memory_space<vmem>>
    %dma_wait3A_427 = tpu.memref_squeeze %dma_wait3A_426 : memref<1x128xi32, #tpu.memory_space<vmem>> -> memref<128xi32, #tpu.memory_space<vmem>>
    %dma_wait3A_428 = arith.constant 0 : i32
    %dma_wait3A_429 = arith.constant 0 : i32
    %dma_wait3A_430 = tpu.memref_slice %arg2[%dma_wait3A_428, %dma_wait3A_429] : memref<10000x32xf32, #tpu.memory_space<hbm>> -> memref<10000x32xf32, #tpu.memory_space<hbm>>
    tpu.wait_indirect_dma semaphore(%arg7 : memref<!tpu.dma_semaphore, #tpu.memory_space<semaphore_mem>>) src(%dma_wait3A_430 : memref<10000x32xf32, #tpu.memory_space<hbm>>) dst(%dma_wait3A_424 : memref<128x32xf32, #tpu.memory_space<vmem>>)
    %dma_wait3A_431 = arith.constant 16 : i32
    %dma_wait3A_432 = arith.constant 16 : i32
    %dma_wait3A_433 = arith.constant 0 : i32
    %dma_wait3A_434 = arith.constant 0 : i32
    %dma_wait3A_435 = tpu.memref_slice %arg6[%dma_wait3A_432, %dma_wait3A_433, %dma_wait3A_434] : memref<20x128x32xf32, #tpu.memory_space<vmem>> -> memref<1x128x32xf32, #tpu.memory_space<vmem>>
    %dma_wait3A_436 = tpu.memref_squeeze %dma_wait3A_435 : memref<1x128x32xf32, #tpu.memory_space<vmem>> -> memref<128x32xf32, #tpu.memory_space<vmem>>
    %dma_wait3A_437 = arith.constant 0 : i32
    %dma_wait3A_438 = tpu.memref_slice %arg5[%dma_wait3A_431, %dma_wait3A_437] : memref<20x128xi32, #tpu.memory_space<vmem>> -> memref<1x128xi32, #tpu.memory_space<vmem>>
    %dma_wait3A_439 = tpu.memref_squeeze %dma_wait3A_438 : memref<1x128xi32, #tpu.memory_space<vmem>> -> memref<128xi32, #tpu.memory_space<vmem>>
    %dma_wait3A_440 = arith.constant 0 : i32
    %dma_wait3A_441 = arith.constant 0 : i32
    %dma_wait3A_442 = tpu.memref_slice %arg2[%dma_wait3A_440, %dma_wait3A_441] : memref<10000x32xf32, #tpu.memory_space<hbm>> -> memref<10000x32xf32, #tpu.memory_space<hbm>>
    tpu.wait_indirect_dma semaphore(%arg7 : memref<!tpu.dma_semaphore, #tpu.memory_space<semaphore_mem>>) src(%dma_wait3A_442 : memref<10000x32xf32, #tpu.memory_space<hbm>>) dst(%dma_wait3A_436 : memref<128x32xf32, #tpu.memory_space<vmem>>)
    %dma_wait3A_443 = arith.constant 17 : i32
    %dma_wait3A_444 = arith.constant 17 : i32
    %dma_wait3A_445 = arith.constant 0 : i32
    %dma_wait3A_446 = arith.constant 0 : i32
    %dma_wait3A_447 = tpu.memref_slice %arg6[%dma_wait3A_444, %dma_wait3A_445, %dma_wait3A_446] : memref<20x128x32xf32, #tpu.memory_space<vmem>> -> memref<1x128x32xf32, #tpu.memory_space<vmem>>
    %dma_wait3A_448 = tpu.memref_squeeze %dma_wait3A_447 : memref<1x128x32xf32, #tpu.memory_space<vmem>> -> memref<128x32xf32, #tpu.memory_space<vmem>>
    %dma_wait3A_449 = arith.constant 0 : i32
    %dma_wait3A_450 = tpu.memref_slice %arg5[%dma_wait3A_443, %dma_wait3A_449] : memref<20x128xi32, #tpu.memory_space<vmem>> -> memref<1x128xi32, #tpu.memory_space<vmem>>
    %dma_wait3A_451 = tpu.memref_squeeze %dma_wait3A_450 : memref<1x128xi32, #tpu.memory_space<vmem>> -> memref<128xi32, #tpu.memory_space<vmem>>
    %dma_wait3A_452 = arith.constant 0 : i32
    %dma_wait3A_453 = arith.constant 0 : i32
    %dma_wait3A_454 = tpu.memref_slice %arg2[%dma_wait3A_452, %dma_wait3A_453] : memref<10000x32xf32, #tpu.memory_space<hbm>> -> memref<10000x32xf32, #tpu.memory_space<hbm>>
    tpu.wait_indirect_dma semaphore(%arg7 : memref<!tpu.dma_semaphore, #tpu.memory_space<semaphore_mem>>) src(%dma_wait3A_454 : memref<10000x32xf32, #tpu.memory_space<hbm>>) dst(%dma_wait3A_448 : memref<128x32xf32, #tpu.memory_space<vmem>>)
    %dma_wait3A_455 = arith.constant 18 : i32
    %dma_wait3A_456 = arith.constant 18 : i32
    %dma_wait3A_457 = arith.constant 0 : i32
    %dma_wait3A_458 = arith.constant 0 : i32
    %dma_wait3A_459 = tpu.memref_slice %arg6[%dma_wait3A_456, %dma_wait3A_457, %dma_wait3A_458] : memref<20x128x32xf32, #tpu.memory_space<vmem>> -> memref<1x128x32xf32, #tpu.memory_space<vmem>>
    %dma_wait3A_460 = tpu.memref_squeeze %dma_wait3A_459 : memref<1x128x32xf32, #tpu.memory_space<vmem>> -> memref<128x32xf32, #tpu.memory_space<vmem>>
    %dma_wait3A_461 = arith.constant 0 : i32
    %dma_wait3A_462 = tpu.memref_slice %arg5[%dma_wait3A_455, %dma_wait3A_461] : memref<20x128xi32, #tpu.memory_space<vmem>> -> memref<1x128xi32, #tpu.memory_space<vmem>>
    %dma_wait3A_463 = tpu.memref_squeeze %dma_wait3A_462 : memref<1x128xi32, #tpu.memory_space<vmem>> -> memref<128xi32, #tpu.memory_space<vmem>>
    %dma_wait3A_464 = arith.constant 0 : i32
    %dma_wait3A_465 = arith.constant 0 : i32
    %dma_wait3A_466 = tpu.memref_slice %arg2[%dma_wait3A_464, %dma_wait3A_465] : memref<10000x32xf32, #tpu.memory_space<hbm>> -> memref<10000x32xf32, #tpu.memory_space<hbm>>
    tpu.wait_indirect_dma semaphore(%arg7 : memref<!tpu.dma_semaphore, #tpu.memory_space<semaphore_mem>>) src(%dma_wait3A_466 : memref<10000x32xf32, #tpu.memory_space<hbm>>) dst(%dma_wait3A_460 : memref<128x32xf32, #tpu.memory_space<vmem>>)
    %dma_wait3A_467 = arith.constant 19 : i32
    %dma_wait3A_468 = arith.constant 19 : i32
    %dma_wait3A_469 = arith.constant 0 : i32
    %dma_wait3A_470 = arith.constant 0 : i32
    %dma_wait3A_471 = tpu.memref_slice %arg6[%dma_wait3A_468, %dma_wait3A_469, %dma_wait3A_470] : memref<20x128x32xf32, #tpu.memory_space<vmem>> -> memref<1x128x32xf32, #tpu.memory_space<vmem>>
    %dma_wait3A_472 = tpu.memref_squeeze %dma_wait3A_471 : memref<1x128x32xf32, #tpu.memory_space<vmem>> -> memref<128x32xf32, #tpu.memory_space<vmem>>
    %dma_wait3A_473 = arith.constant 0 : i32
    %dma_wait3A_474 = tpu.memref_slice %arg5[%dma_wait3A_467, %dma_wait3A_473] : memref<20x128xi32, #tpu.memory_space<vmem>> -> memref<1x128xi32, #tpu.memory_space<vmem>>
    %dma_wait3A_475 = tpu.memref_squeeze %dma_wait3A_474 : memref<1x128xi32, #tpu.memory_space<vmem>> -> memref<128xi32, #tpu.memory_space<vmem>>
    %dma_wait3A_476 = arith.constant 0 : i32
    %dma_wait3A_477 = arith.constant 0 : i32
    %dma_wait3A_478 = tpu.memref_slice %arg2[%dma_wait3A_476, %dma_wait3A_477] : memref<10000x32xf32, #tpu.memory_space<hbm>> -> memref<10000x32xf32, #tpu.memory_space<hbm>>
    tpu.wait_indirect_dma semaphore(%arg7 : memref<!tpu.dma_semaphore, #tpu.memory_space<semaphore_mem>>) src(%dma_wait3A_478 : memref<10000x32xf32, #tpu.memory_space<hbm>>) dst(%dma_wait3A_472 : memref<128x32xf32, #tpu.memory_space<vmem>>)
    "tpu.region"() ({
      %run_scoped3A = tpu.sem_alloc : memref<!tpu.dma_semaphore, #tpu.memory_space<semaphore_mem>>
      %dma_start3A_479 = arith.constant 0 : i32
      %dma_start3A_480 = arith.constant 0 : i32
      %dma_start3A_481 = arith.constant 0 : i32
      %dma_start3A_482 = tpu.memref_slice %arg4[%add3A, %dma_start3A_479, %dma_start3A_480, %dma_start3A_481] : memref<32x20x128x32xf32, #tpu.memory_space<hbm>> -> memref<1x20x128x32xf32, #tpu.memory_space<hbm>>
      %dma_start3A_483 = tpu.memref_squeeze %dma_start3A_482 : memref<1x20x128x32xf32, #tpu.memory_space<hbm>> -> memref<20x128x32xf32, #tpu.memory_space<hbm>>
      %dma_start3A_484 = arith.constant 0 : i32
      %dma_start3A_485 = arith.constant 0 : i32
      %dma_start3A_486 = arith.constant 0 : i32
      %dma_start3A_487 = tpu.memref_slice %arg4[%add3A, %dma_start3A_484, %dma_start3A_485, %dma_start3A_486] : memref<32x20x128x32xf32, #tpu.memory_space<hbm>> -> memref<1x20x128x32xf32, #tpu.memory_space<hbm>>
      %dma_start3A_488 = tpu.memref_squeeze %dma_start3A_487 : memref<1x20x128x32xf32, #tpu.memory_space<hbm>> -> memref<20x128x32xf32, #tpu.memory_space<hbm>>
      tpu.enqueue_dma source(%arg6 : memref<20x128x32xf32, #tpu.memory_space<vmem>>) target(%dma_start3A_488 : memref<20x128x32xf32, #tpu.memory_space<hbm>>) target_semaphore(%run_scoped3A : memref<!tpu.dma_semaphore, #tpu.memory_space<semaphore_mem>>)
      %dma_wait3A_489 = arith.constant 0 : i32
      %dma_wait3A_490 = arith.constant 0 : i32
      %dma_wait3A_491 = arith.constant 0 : i32
      %dma_wait3A_492 = tpu.memref_slice %arg4[%add3A, %dma_wait3A_489, %dma_wait3A_490, %dma_wait3A_491] : memref<32x20x128x32xf32, #tpu.memory_space<hbm>> -> memref<1x20x128x32xf32, #tpu.memory_space<hbm>>
      %dma_wait3A_493 = tpu.memref_squeeze %dma_wait3A_492 : memref<1x20x128x32xf32, #tpu.memory_space<hbm>> -> memref<20x128x32xf32, #tpu.memory_space<hbm>>
      %dma_wait3A_494 = arith.constant 0 : i32
      %dma_wait3A_495 = arith.constant 0 : i32
      %dma_wait3A_496 = arith.constant 0 : i32
      %dma_wait3A_497 = tpu.memref_slice %arg4[%add3A, %dma_wait3A_494, %dma_wait3A_495, %dma_wait3A_496] : memref<32x20x128x32xf32, #tpu.memory_space<hbm>> -> memref<1x20x128x32xf32, #tpu.memory_space<hbm>>
      %dma_wait3A_498 = tpu.memref_squeeze %dma_wait3A_497 : memref<1x20x128x32xf32, #tpu.memory_space<hbm>> -> memref<20x128x32xf32, #tpu.memory_space<hbm>>
      tpu.wait_dma2 semaphore(%run_scoped3A : memref<!tpu.dma_semaphore, #tpu.memory_space<semaphore_mem>>) src(%arg6 : memref<20x128x32xf32, #tpu.memory_space<vmem>>) dst(%dma_wait3A_498 : memref<20x128x32xf32, #tpu.memory_space<hbm>>)
      tpu.yield
    }) : () -> ()
    return
  }
}

#map = affine_map<(d0, d1) -> (0, 0, 0, 0)>
#map1 = affine_map<(d0, d1) -> (0, 0, 0)>
#map2 = affine_map<(d0, d1) -> (0, 0)>
module attributes {stable_mosaic.version = 14 : i64} {
  func.func @sc_scatter(%arg0: i32, %arg1: i32, %arg2: memref<32x20x128x32xf32, #tpu.memory_space<hbm>>, %arg3: memref<32x20x128xi32, #tpu.memory_space<hbm>>, %arg4: memref<10752x32xf32, #tpu.memory_space<hbm>>, %arg5: memref<2x10752x32xf32, #tpu.memory_space<hbm>>, %arg6: memref<20x128xi32, #tpu.memory_space<vmem>>, %arg7: memref<20x128x32xf32, #tpu.memory_space<vmem>>, %arg8: memref<10752x32xf32, #tpu.memory_space<vmem_shared>>, %arg9: memref<!tpu.dma_semaphore, #tpu.memory_space<semaphore_mem>>) attributes {dimension_semantics = [#tpu.dimension_semantics<core_parallel>, #tpu.dimension_semantics<subcore_parallel>], iteration_bounds = array<i64: 2, 16>, scalar_prefetch = 0 : i64, scratch_operands = 4 : i64, tpu.core_type = #tpu.core_type<sc_vector_subcore>, window_params = [{transform_indices = #map}, {transform_indices = #map1}, {transform_indices = #map2}, {transform_indices = #map1}]} {
    %mul3A = arith.constant 2 : i32
    %mul3A_0 = arith.muli %arg1, %mul3A : i32
    %add3A = arith.addi %mul3A_0, %arg0 : i32
    %mul3A_1 = arith.constant 672 : i32
    %mul3A_2 = arith.muli %arg1, %mul3A_1 : i32
    "tpu.region"() ({
      %run_scoped3A_43 = tpu.sem_alloc : memref<!tpu.dma_semaphore, #tpu.memory_space<semaphore_mem>>
      %dma_start3A = arith.constant 0 : i32
      %dma_start3A_44 = tpu.memref_slice %arg8[%mul3A_2, %dma_start3A] : memref<10752x32xf32, #tpu.memory_space<vmem_shared>> -> memref<672x32xf32, #tpu.memory_space<vmem_shared>>
      %dma_start3A_45 = arith.constant 0 : i32
      %dma_start3A_46 = tpu.memref_slice %arg4[%mul3A_2, %dma_start3A_45] : memref<10752x32xf32, #tpu.memory_space<hbm>> -> memref<672x32xf32, #tpu.memory_space<hbm>>
      tpu.enqueue_dma source(%dma_start3A_46 : memref<672x32xf32, #tpu.memory_space<hbm>>) target(%dma_start3A_44 : memref<672x32xf32, #tpu.memory_space<vmem_shared>>) target_semaphore(%run_scoped3A_43 : memref<!tpu.dma_semaphore, #tpu.memory_space<semaphore_mem>>)
      %dma_wait3A = arith.constant 0 : i32
      %dma_wait3A_47 = tpu.memref_slice %arg8[%mul3A_2, %dma_wait3A] : memref<10752x32xf32, #tpu.memory_space<vmem_shared>> -> memref<672x32xf32, #tpu.memory_space<vmem_shared>>
      %dma_wait3A_48 = arith.constant 0 : i32
      %dma_wait3A_49 = tpu.memref_slice %arg4[%mul3A_2, %dma_wait3A_48] : memref<10752x32xf32, #tpu.memory_space<hbm>> -> memref<672x32xf32, #tpu.memory_space<hbm>>
      tpu.wait_dma2 semaphore(%run_scoped3A_43 : memref<!tpu.dma_semaphore, #tpu.memory_space<semaphore_mem>>) src(%dma_wait3A_49 : memref<672x32xf32, #tpu.memory_space<hbm>>) dst(%dma_wait3A_47 : memref<672x32xf32, #tpu.memory_space<vmem_shared>>)
      tpu.yield
    }) : () -> ()
    "tpu.region"() ({
      %run_scoped3A_43 = tpu.sem_alloc : memref<!tpu.dma_semaphore, #tpu.memory_space<semaphore_mem>>
      %dma_start3A = arith.constant 0 : i32
      %dma_start3A_44 = arith.constant 0 : i32
      %dma_start3A_45 = tpu.memref_slice %arg3[%add3A, %dma_start3A, %dma_start3A_44] : memref<32x20x128xi32, #tpu.memory_space<hbm>> -> memref<1x20x128xi32, #tpu.memory_space<hbm>>
      %dma_start3A_46 = tpu.memref_squeeze %dma_start3A_45 : memref<1x20x128xi32, #tpu.memory_space<hbm>> -> memref<20x128xi32, #tpu.memory_space<hbm>>
      %dma_start3A_47 = arith.constant 0 : i32
      %dma_start3A_48 = arith.constant 0 : i32
      %dma_start3A_49 = tpu.memref_slice %arg3[%add3A, %dma_start3A_47, %dma_start3A_48] : memref<32x20x128xi32, #tpu.memory_space<hbm>> -> memref<1x20x128xi32, #tpu.memory_space<hbm>>
      %dma_start3A_50 = tpu.memref_squeeze %dma_start3A_49 : memref<1x20x128xi32, #tpu.memory_space<hbm>> -> memref<20x128xi32, #tpu.memory_space<hbm>>
      tpu.enqueue_dma source(%dma_start3A_50 : memref<20x128xi32, #tpu.memory_space<hbm>>) target(%arg6 : memref<20x128xi32, #tpu.memory_space<vmem>>) target_semaphore(%run_scoped3A_43 : memref<!tpu.dma_semaphore, #tpu.memory_space<semaphore_mem>>)
      %dma_wait3A = arith.constant 0 : i32
      %dma_wait3A_51 = arith.constant 0 : i32
      %dma_wait3A_52 = tpu.memref_slice %arg3[%add3A, %dma_wait3A, %dma_wait3A_51] : memref<32x20x128xi32, #tpu.memory_space<hbm>> -> memref<1x20x128xi32, #tpu.memory_space<hbm>>
      %dma_wait3A_53 = tpu.memref_squeeze %dma_wait3A_52 : memref<1x20x128xi32, #tpu.memory_space<hbm>> -> memref<20x128xi32, #tpu.memory_space<hbm>>
      %dma_wait3A_54 = arith.constant 0 : i32
      %dma_wait3A_55 = arith.constant 0 : i32
      %dma_wait3A_56 = tpu.memref_slice %arg3[%add3A, %dma_wait3A_54, %dma_wait3A_55] : memref<32x20x128xi32, #tpu.memory_space<hbm>> -> memref<1x20x128xi32, #tpu.memory_space<hbm>>
      %dma_wait3A_57 = tpu.memref_squeeze %dma_wait3A_56 : memref<1x20x128xi32, #tpu.memory_space<hbm>> -> memref<20x128xi32, #tpu.memory_space<hbm>>
      tpu.wait_dma2 semaphore(%run_scoped3A_43 : memref<!tpu.dma_semaphore, #tpu.memory_space<semaphore_mem>>) src(%dma_wait3A_57 : memref<20x128xi32, #tpu.memory_space<hbm>>) dst(%arg6 : memref<20x128xi32, #tpu.memory_space<vmem>>)
      tpu.yield
    }) : () -> ()
    "tpu.region"() ({
      %run_scoped3A_43 = tpu.sem_alloc : memref<!tpu.dma_semaphore, #tpu.memory_space<semaphore_mem>>
      %dma_start3A = arith.constant 0 : i32
      %dma_start3A_44 = arith.constant 0 : i32
      %dma_start3A_45 = arith.constant 0 : i32
      %dma_start3A_46 = tpu.memref_slice %arg2[%add3A, %dma_start3A, %dma_start3A_44, %dma_start3A_45] : memref<32x20x128x32xf32, #tpu.memory_space<hbm>> -> memref<1x20x128x32xf32, #tpu.memory_space<hbm>>
      %dma_start3A_47 = tpu.memref_squeeze %dma_start3A_46 : memref<1x20x128x32xf32, #tpu.memory_space<hbm>> -> memref<20x128x32xf32, #tpu.memory_space<hbm>>
      %dma_start3A_48 = arith.constant 0 : i32
      %dma_start3A_49 = arith.constant 0 : i32
      %dma_start3A_50 = arith.constant 0 : i32
      %dma_start3A_51 = tpu.memref_slice %arg2[%add3A, %dma_start3A_48, %dma_start3A_49, %dma_start3A_50] : memref<32x20x128x32xf32, #tpu.memory_space<hbm>> -> memref<1x20x128x32xf32, #tpu.memory_space<hbm>>
      %dma_start3A_52 = tpu.memref_squeeze %dma_start3A_51 : memref<1x20x128x32xf32, #tpu.memory_space<hbm>> -> memref<20x128x32xf32, #tpu.memory_space<hbm>>
      tpu.enqueue_dma source(%dma_start3A_52 : memref<20x128x32xf32, #tpu.memory_space<hbm>>) target(%arg7 : memref<20x128x32xf32, #tpu.memory_space<vmem>>) target_semaphore(%run_scoped3A_43 : memref<!tpu.dma_semaphore, #tpu.memory_space<semaphore_mem>>)
      %dma_wait3A = arith.constant 0 : i32
      %dma_wait3A_53 = arith.constant 0 : i32
      %dma_wait3A_54 = arith.constant 0 : i32
      %dma_wait3A_55 = tpu.memref_slice %arg2[%add3A, %dma_wait3A, %dma_wait3A_53, %dma_wait3A_54] : memref<32x20x128x32xf32, #tpu.memory_space<hbm>> -> memref<1x20x128x32xf32, #tpu.memory_space<hbm>>
      %dma_wait3A_56 = tpu.memref_squeeze %dma_wait3A_55 : memref<1x20x128x32xf32, #tpu.memory_space<hbm>> -> memref<20x128x32xf32, #tpu.memory_space<hbm>>
      %dma_wait3A_57 = arith.constant 0 : i32
      %dma_wait3A_58 = arith.constant 0 : i32
      %dma_wait3A_59 = arith.constant 0 : i32
      %dma_wait3A_60 = tpu.memref_slice %arg2[%add3A, %dma_wait3A_57, %dma_wait3A_58, %dma_wait3A_59] : memref<32x20x128x32xf32, #tpu.memory_space<hbm>> -> memref<1x20x128x32xf32, #tpu.memory_space<hbm>>
      %dma_wait3A_61 = tpu.memref_squeeze %dma_wait3A_60 : memref<1x20x128x32xf32, #tpu.memory_space<hbm>> -> memref<20x128x32xf32, #tpu.memory_space<hbm>>
      tpu.wait_dma2 semaphore(%run_scoped3A_43 : memref<!tpu.dma_semaphore, #tpu.memory_space<semaphore_mem>>) src(%dma_wait3A_61 : memref<20x128x32xf32, #tpu.memory_space<hbm>>) dst(%arg7 : memref<20x128x32xf32, #tpu.memory_space<vmem>>)
      tpu.yield
    }) : () -> ()
    %barrier3A = arith.constant 0 : index
    tpu.barrier barrier_id(%barrier3A)
    %run_scoped3A = arith.constant 0 : i32
    %run_scoped3A_3 = arith.constant 0 : i32
    "tpu.region"() ({
      %run_scoped3A_43 = tpu.sem_alloc : memref<!tpu.dma_semaphore, #tpu.memory_space<semaphore_mem>>
      %dma_start3A = arith.constant 0 : i32
      %dma_start3A_44 = arith.constant 0 : i32
      %dma_start3A_45 = tpu.memref_slice %arg7[%run_scoped3A, %dma_start3A, %dma_start3A_44] : memref<20x128x32xf32, #tpu.memory_space<vmem>> -> memref<1x128x32xf32, #tpu.memory_space<vmem>>
      %dma_start3A_46 = tpu.memref_squeeze %dma_start3A_45 : memref<1x128x32xf32, #tpu.memory_space<vmem>> -> memref<128x32xf32, #tpu.memory_space<vmem>>
      %dma_start3A_47 = arith.constant 0 : i32
      %dma_start3A_48 = tpu.memref_slice %arg6[%run_scoped3A_3, %dma_start3A_47] : memref<20x128xi32, #tpu.memory_space<vmem>> -> memref<1x128xi32, #tpu.memory_space<vmem>>
      %dma_start3A_49 = tpu.memref_squeeze %dma_start3A_48 : memref<1x128xi32, #tpu.memory_space<vmem>> -> memref<128xi32, #tpu.memory_space<vmem>>
      %dma_start3A_50 = arith.constant 0 : i32
      %dma_start3A_51 = arith.constant 0 : i32
      %dma_start3A_52 = tpu.memref_slice %arg8[%dma_start3A_50, %dma_start3A_51] : memref<10752x32xf32, #tpu.memory_space<vmem_shared>> -> memref<10752x32xf32, #tpu.memory_space<vmem_shared>>
      tpu.enqueue_indirect_dma source(%dma_start3A_46 : memref<128x32xf32, #tpu.memory_space<vmem>>) target(%dma_start3A_52 : memref<10752x32xf32, #tpu.memory_space<vmem_shared>>) offsets(%dma_start3A_49 : memref<128xi32, #tpu.memory_space<vmem>>) semaphore(%run_scoped3A_43 : memref<!tpu.dma_semaphore, #tpu.memory_space<semaphore_mem>>) {add = true}
      %dma_wait3A = arith.constant 0 : i32
      %dma_wait3A_53 = arith.constant 0 : i32
      %dma_wait3A_54 = tpu.memref_slice %arg7[%run_scoped3A, %dma_wait3A, %dma_wait3A_53] : memref<20x128x32xf32, #tpu.memory_space<vmem>> -> memref<1x128x32xf32, #tpu.memory_space<vmem>>
      %dma_wait3A_55 = tpu.memref_squeeze %dma_wait3A_54 : memref<1x128x32xf32, #tpu.memory_space<vmem>> -> memref<128x32xf32, #tpu.memory_space<vmem>>
      %dma_wait3A_56 = arith.constant 0 : i32
      %dma_wait3A_57 = tpu.memref_slice %arg6[%run_scoped3A_3, %dma_wait3A_56] : memref<20x128xi32, #tpu.memory_space<vmem>> -> memref<1x128xi32, #tpu.memory_space<vmem>>
      %dma_wait3A_58 = tpu.memref_squeeze %dma_wait3A_57 : memref<1x128xi32, #tpu.memory_space<vmem>> -> memref<128xi32, #tpu.memory_space<vmem>>
      %dma_wait3A_59 = arith.constant 0 : i32
      %dma_wait3A_60 = arith.constant 0 : i32
      %dma_wait3A_61 = tpu.memref_slice %arg8[%dma_wait3A_59, %dma_wait3A_60] : memref<10752x32xf32, #tpu.memory_space<vmem_shared>> -> memref<10752x32xf32, #tpu.memory_space<vmem_shared>>
      tpu.wait_indirect_dma semaphore(%run_scoped3A_43 : memref<!tpu.dma_semaphore, #tpu.memory_space<semaphore_mem>>) src(%dma_wait3A_55 : memref<128x32xf32, #tpu.memory_space<vmem>>) dst(%dma_wait3A_61 : memref<10752x32xf32, #tpu.memory_space<vmem_shared>>)
      tpu.yield
    }) : () -> ()
    %run_scoped3A_4 = arith.constant 1 : i32
    %run_scoped3A_5 = arith.constant 1 : i32
    "tpu.region"() ({
      %run_scoped3A_43 = tpu.sem_alloc : memref<!tpu.dma_semaphore, #tpu.memory_space<semaphore_mem>>
      %dma_start3A = arith.constant 0 : i32
      %dma_start3A_44 = arith.constant 0 : i32
      %dma_start3A_45 = tpu.memref_slice %arg7[%run_scoped3A_4, %dma_start3A, %dma_start3A_44] : memref<20x128x32xf32, #tpu.memory_space<vmem>> -> memref<1x128x32xf32, #tpu.memory_space<vmem>>
      %dma_start3A_46 = tpu.memref_squeeze %dma_start3A_45 : memref<1x128x32xf32, #tpu.memory_space<vmem>> -> memref<128x32xf32, #tpu.memory_space<vmem>>
      %dma_start3A_47 = arith.constant 0 : i32
      %dma_start3A_48 = tpu.memref_slice %arg6[%run_scoped3A_5, %dma_start3A_47] : memref<20x128xi32, #tpu.memory_space<vmem>> -> memref<1x128xi32, #tpu.memory_space<vmem>>
      %dma_start3A_49 = tpu.memref_squeeze %dma_start3A_48 : memref<1x128xi32, #tpu.memory_space<vmem>> -> memref<128xi32, #tpu.memory_space<vmem>>
      %dma_start3A_50 = arith.constant 0 : i32
      %dma_start3A_51 = arith.constant 0 : i32
      %dma_start3A_52 = tpu.memref_slice %arg8[%dma_start3A_50, %dma_start3A_51] : memref<10752x32xf32, #tpu.memory_space<vmem_shared>> -> memref<10752x32xf32, #tpu.memory_space<vmem_shared>>
      tpu.enqueue_indirect_dma source(%dma_start3A_46 : memref<128x32xf32, #tpu.memory_space<vmem>>) target(%dma_start3A_52 : memref<10752x32xf32, #tpu.memory_space<vmem_shared>>) offsets(%dma_start3A_49 : memref<128xi32, #tpu.memory_space<vmem>>) semaphore(%run_scoped3A_43 : memref<!tpu.dma_semaphore, #tpu.memory_space<semaphore_mem>>) {add = true}
      %dma_wait3A = arith.constant 0 : i32
      %dma_wait3A_53 = arith.constant 0 : i32
      %dma_wait3A_54 = tpu.memref_slice %arg7[%run_scoped3A_4, %dma_wait3A, %dma_wait3A_53] : memref<20x128x32xf32, #tpu.memory_space<vmem>> -> memref<1x128x32xf32, #tpu.memory_space<vmem>>
      %dma_wait3A_55 = tpu.memref_squeeze %dma_wait3A_54 : memref<1x128x32xf32, #tpu.memory_space<vmem>> -> memref<128x32xf32, #tpu.memory_space<vmem>>
      %dma_wait3A_56 = arith.constant 0 : i32
      %dma_wait3A_57 = tpu.memref_slice %arg6[%run_scoped3A_5, %dma_wait3A_56] : memref<20x128xi32, #tpu.memory_space<vmem>> -> memref<1x128xi32, #tpu.memory_space<vmem>>
      %dma_wait3A_58 = tpu.memref_squeeze %dma_wait3A_57 : memref<1x128xi32, #tpu.memory_space<vmem>> -> memref<128xi32, #tpu.memory_space<vmem>>
      %dma_wait3A_59 = arith.constant 0 : i32
      %dma_wait3A_60 = arith.constant 0 : i32
      %dma_wait3A_61 = tpu.memref_slice %arg8[%dma_wait3A_59, %dma_wait3A_60] : memref<10752x32xf32, #tpu.memory_space<vmem_shared>> -> memref<10752x32xf32, #tpu.memory_space<vmem_shared>>
      tpu.wait_indirect_dma semaphore(%run_scoped3A_43 : memref<!tpu.dma_semaphore, #tpu.memory_space<semaphore_mem>>) src(%dma_wait3A_55 : memref<128x32xf32, #tpu.memory_space<vmem>>) dst(%dma_wait3A_61 : memref<10752x32xf32, #tpu.memory_space<vmem_shared>>)
      tpu.yield
    }) : () -> ()
    %run_scoped3A_6 = arith.constant 2 : i32
    %run_scoped3A_7 = arith.constant 2 : i32
    "tpu.region"() ({
      %run_scoped3A_43 = tpu.sem_alloc : memref<!tpu.dma_semaphore, #tpu.memory_space<semaphore_mem>>
      %dma_start3A = arith.constant 0 : i32
      %dma_start3A_44 = arith.constant 0 : i32
      %dma_start3A_45 = tpu.memref_slice %arg7[%run_scoped3A_6, %dma_start3A, %dma_start3A_44] : memref<20x128x32xf32, #tpu.memory_space<vmem>> -> memref<1x128x32xf32, #tpu.memory_space<vmem>>
      %dma_start3A_46 = tpu.memref_squeeze %dma_start3A_45 : memref<1x128x32xf32, #tpu.memory_space<vmem>> -> memref<128x32xf32, #tpu.memory_space<vmem>>
      %dma_start3A_47 = arith.constant 0 : i32
      %dma_start3A_48 = tpu.memref_slice %arg6[%run_scoped3A_7, %dma_start3A_47] : memref<20x128xi32, #tpu.memory_space<vmem>> -> memref<1x128xi32, #tpu.memory_space<vmem>>
      %dma_start3A_49 = tpu.memref_squeeze %dma_start3A_48 : memref<1x128xi32, #tpu.memory_space<vmem>> -> memref<128xi32, #tpu.memory_space<vmem>>
      %dma_start3A_50 = arith.constant 0 : i32
      %dma_start3A_51 = arith.constant 0 : i32
      %dma_start3A_52 = tpu.memref_slice %arg8[%dma_start3A_50, %dma_start3A_51] : memref<10752x32xf32, #tpu.memory_space<vmem_shared>> -> memref<10752x32xf32, #tpu.memory_space<vmem_shared>>
      tpu.enqueue_indirect_dma source(%dma_start3A_46 : memref<128x32xf32, #tpu.memory_space<vmem>>) target(%dma_start3A_52 : memref<10752x32xf32, #tpu.memory_space<vmem_shared>>) offsets(%dma_start3A_49 : memref<128xi32, #tpu.memory_space<vmem>>) semaphore(%run_scoped3A_43 : memref<!tpu.dma_semaphore, #tpu.memory_space<semaphore_mem>>) {add = true}
      %dma_wait3A = arith.constant 0 : i32
      %dma_wait3A_53 = arith.constant 0 : i32
      %dma_wait3A_54 = tpu.memref_slice %arg7[%run_scoped3A_6, %dma_wait3A, %dma_wait3A_53] : memref<20x128x32xf32, #tpu.memory_space<vmem>> -> memref<1x128x32xf32, #tpu.memory_space<vmem>>
      %dma_wait3A_55 = tpu.memref_squeeze %dma_wait3A_54 : memref<1x128x32xf32, #tpu.memory_space<vmem>> -> memref<128x32xf32, #tpu.memory_space<vmem>>
      %dma_wait3A_56 = arith.constant 0 : i32
      %dma_wait3A_57 = tpu.memref_slice %arg6[%run_scoped3A_7, %dma_wait3A_56] : memref<20x128xi32, #tpu.memory_space<vmem>> -> memref<1x128xi32, #tpu.memory_space<vmem>>
      %dma_wait3A_58 = tpu.memref_squeeze %dma_wait3A_57 : memref<1x128xi32, #tpu.memory_space<vmem>> -> memref<128xi32, #tpu.memory_space<vmem>>
      %dma_wait3A_59 = arith.constant 0 : i32
      %dma_wait3A_60 = arith.constant 0 : i32
      %dma_wait3A_61 = tpu.memref_slice %arg8[%dma_wait3A_59, %dma_wait3A_60] : memref<10752x32xf32, #tpu.memory_space<vmem_shared>> -> memref<10752x32xf32, #tpu.memory_space<vmem_shared>>
      tpu.wait_indirect_dma semaphore(%run_scoped3A_43 : memref<!tpu.dma_semaphore, #tpu.memory_space<semaphore_mem>>) src(%dma_wait3A_55 : memref<128x32xf32, #tpu.memory_space<vmem>>) dst(%dma_wait3A_61 : memref<10752x32xf32, #tpu.memory_space<vmem_shared>>)
      tpu.yield
    }) : () -> ()
    %run_scoped3A_8 = arith.constant 3 : i32
    %run_scoped3A_9 = arith.constant 3 : i32
    "tpu.region"() ({
      %run_scoped3A_43 = tpu.sem_alloc : memref<!tpu.dma_semaphore, #tpu.memory_space<semaphore_mem>>
      %dma_start3A = arith.constant 0 : i32
      %dma_start3A_44 = arith.constant 0 : i32
      %dma_start3A_45 = tpu.memref_slice %arg7[%run_scoped3A_8, %dma_start3A, %dma_start3A_44] : memref<20x128x32xf32, #tpu.memory_space<vmem>> -> memref<1x128x32xf32, #tpu.memory_space<vmem>>
      %dma_start3A_46 = tpu.memref_squeeze %dma_start3A_45 : memref<1x128x32xf32, #tpu.memory_space<vmem>> -> memref<128x32xf32, #tpu.memory_space<vmem>>
      %dma_start3A_47 = arith.constant 0 : i32
      %dma_start3A_48 = tpu.memref_slice %arg6[%run_scoped3A_9, %dma_start3A_47] : memref<20x128xi32, #tpu.memory_space<vmem>> -> memref<1x128xi32, #tpu.memory_space<vmem>>
      %dma_start3A_49 = tpu.memref_squeeze %dma_start3A_48 : memref<1x128xi32, #tpu.memory_space<vmem>> -> memref<128xi32, #tpu.memory_space<vmem>>
      %dma_start3A_50 = arith.constant 0 : i32
      %dma_start3A_51 = arith.constant 0 : i32
      %dma_start3A_52 = tpu.memref_slice %arg8[%dma_start3A_50, %dma_start3A_51] : memref<10752x32xf32, #tpu.memory_space<vmem_shared>> -> memref<10752x32xf32, #tpu.memory_space<vmem_shared>>
      tpu.enqueue_indirect_dma source(%dma_start3A_46 : memref<128x32xf32, #tpu.memory_space<vmem>>) target(%dma_start3A_52 : memref<10752x32xf32, #tpu.memory_space<vmem_shared>>) offsets(%dma_start3A_49 : memref<128xi32, #tpu.memory_space<vmem>>) semaphore(%run_scoped3A_43 : memref<!tpu.dma_semaphore, #tpu.memory_space<semaphore_mem>>) {add = true}
      %dma_wait3A = arith.constant 0 : i32
      %dma_wait3A_53 = arith.constant 0 : i32
      %dma_wait3A_54 = tpu.memref_slice %arg7[%run_scoped3A_8, %dma_wait3A, %dma_wait3A_53] : memref<20x128x32xf32, #tpu.memory_space<vmem>> -> memref<1x128x32xf32, #tpu.memory_space<vmem>>
      %dma_wait3A_55 = tpu.memref_squeeze %dma_wait3A_54 : memref<1x128x32xf32, #tpu.memory_space<vmem>> -> memref<128x32xf32, #tpu.memory_space<vmem>>
      %dma_wait3A_56 = arith.constant 0 : i32
      %dma_wait3A_57 = tpu.memref_slice %arg6[%run_scoped3A_9, %dma_wait3A_56] : memref<20x128xi32, #tpu.memory_space<vmem>> -> memref<1x128xi32, #tpu.memory_space<vmem>>
      %dma_wait3A_58 = tpu.memref_squeeze %dma_wait3A_57 : memref<1x128xi32, #tpu.memory_space<vmem>> -> memref<128xi32, #tpu.memory_space<vmem>>
      %dma_wait3A_59 = arith.constant 0 : i32
      %dma_wait3A_60 = arith.constant 0 : i32
      %dma_wait3A_61 = tpu.memref_slice %arg8[%dma_wait3A_59, %dma_wait3A_60] : memref<10752x32xf32, #tpu.memory_space<vmem_shared>> -> memref<10752x32xf32, #tpu.memory_space<vmem_shared>>
      tpu.wait_indirect_dma semaphore(%run_scoped3A_43 : memref<!tpu.dma_semaphore, #tpu.memory_space<semaphore_mem>>) src(%dma_wait3A_55 : memref<128x32xf32, #tpu.memory_space<vmem>>) dst(%dma_wait3A_61 : memref<10752x32xf32, #tpu.memory_space<vmem_shared>>)
      tpu.yield
    }) : () -> ()
    %run_scoped3A_10 = arith.constant 4 : i32
    %run_scoped3A_11 = arith.constant 4 : i32
    "tpu.region"() ({
      %run_scoped3A_43 = tpu.sem_alloc : memref<!tpu.dma_semaphore, #tpu.memory_space<semaphore_mem>>
      %dma_start3A = arith.constant 0 : i32
      %dma_start3A_44 = arith.constant 0 : i32
      %dma_start3A_45 = tpu.memref_slice %arg7[%run_scoped3A_10, %dma_start3A, %dma_start3A_44] : memref<20x128x32xf32, #tpu.memory_space<vmem>> -> memref<1x128x32xf32, #tpu.memory_space<vmem>>
      %dma_start3A_46 = tpu.memref_squeeze %dma_start3A_45 : memref<1x128x32xf32, #tpu.memory_space<vmem>> -> memref<128x32xf32, #tpu.memory_space<vmem>>
      %dma_start3A_47 = arith.constant 0 : i32
      %dma_start3A_48 = tpu.memref_slice %arg6[%run_scoped3A_11, %dma_start3A_47] : memref<20x128xi32, #tpu.memory_space<vmem>> -> memref<1x128xi32, #tpu.memory_space<vmem>>
      %dma_start3A_49 = tpu.memref_squeeze %dma_start3A_48 : memref<1x128xi32, #tpu.memory_space<vmem>> -> memref<128xi32, #tpu.memory_space<vmem>>
      %dma_start3A_50 = arith.constant 0 : i32
      %dma_start3A_51 = arith.constant 0 : i32
      %dma_start3A_52 = tpu.memref_slice %arg8[%dma_start3A_50, %dma_start3A_51] : memref<10752x32xf32, #tpu.memory_space<vmem_shared>> -> memref<10752x32xf32, #tpu.memory_space<vmem_shared>>
      tpu.enqueue_indirect_dma source(%dma_start3A_46 : memref<128x32xf32, #tpu.memory_space<vmem>>) target(%dma_start3A_52 : memref<10752x32xf32, #tpu.memory_space<vmem_shared>>) offsets(%dma_start3A_49 : memref<128xi32, #tpu.memory_space<vmem>>) semaphore(%run_scoped3A_43 : memref<!tpu.dma_semaphore, #tpu.memory_space<semaphore_mem>>) {add = true}
      %dma_wait3A = arith.constant 0 : i32
      %dma_wait3A_53 = arith.constant 0 : i32
      %dma_wait3A_54 = tpu.memref_slice %arg7[%run_scoped3A_10, %dma_wait3A, %dma_wait3A_53] : memref<20x128x32xf32, #tpu.memory_space<vmem>> -> memref<1x128x32xf32, #tpu.memory_space<vmem>>
      %dma_wait3A_55 = tpu.memref_squeeze %dma_wait3A_54 : memref<1x128x32xf32, #tpu.memory_space<vmem>> -> memref<128x32xf32, #tpu.memory_space<vmem>>
      %dma_wait3A_56 = arith.constant 0 : i32
      %dma_wait3A_57 = tpu.memref_slice %arg6[%run_scoped3A_11, %dma_wait3A_56] : memref<20x128xi32, #tpu.memory_space<vmem>> -> memref<1x128xi32, #tpu.memory_space<vmem>>
      %dma_wait3A_58 = tpu.memref_squeeze %dma_wait3A_57 : memref<1x128xi32, #tpu.memory_space<vmem>> -> memref<128xi32, #tpu.memory_space<vmem>>
      %dma_wait3A_59 = arith.constant 0 : i32
      %dma_wait3A_60 = arith.constant 0 : i32
      %dma_wait3A_61 = tpu.memref_slice %arg8[%dma_wait3A_59, %dma_wait3A_60] : memref<10752x32xf32, #tpu.memory_space<vmem_shared>> -> memref<10752x32xf32, #tpu.memory_space<vmem_shared>>
      tpu.wait_indirect_dma semaphore(%run_scoped3A_43 : memref<!tpu.dma_semaphore, #tpu.memory_space<semaphore_mem>>) src(%dma_wait3A_55 : memref<128x32xf32, #tpu.memory_space<vmem>>) dst(%dma_wait3A_61 : memref<10752x32xf32, #tpu.memory_space<vmem_shared>>)
      tpu.yield
    }) : () -> ()
    %run_scoped3A_12 = arith.constant 5 : i32
    %run_scoped3A_13 = arith.constant 5 : i32
    "tpu.region"() ({
      %run_scoped3A_43 = tpu.sem_alloc : memref<!tpu.dma_semaphore, #tpu.memory_space<semaphore_mem>>
      %dma_start3A = arith.constant 0 : i32
      %dma_start3A_44 = arith.constant 0 : i32
      %dma_start3A_45 = tpu.memref_slice %arg7[%run_scoped3A_12, %dma_start3A, %dma_start3A_44] : memref<20x128x32xf32, #tpu.memory_space<vmem>> -> memref<1x128x32xf32, #tpu.memory_space<vmem>>
      %dma_start3A_46 = tpu.memref_squeeze %dma_start3A_45 : memref<1x128x32xf32, #tpu.memory_space<vmem>> -> memref<128x32xf32, #tpu.memory_space<vmem>>
      %dma_start3A_47 = arith.constant 0 : i32
      %dma_start3A_48 = tpu.memref_slice %arg6[%run_scoped3A_13, %dma_start3A_47] : memref<20x128xi32, #tpu.memory_space<vmem>> -> memref<1x128xi32, #tpu.memory_space<vmem>>
      %dma_start3A_49 = tpu.memref_squeeze %dma_start3A_48 : memref<1x128xi32, #tpu.memory_space<vmem>> -> memref<128xi32, #tpu.memory_space<vmem>>
      %dma_start3A_50 = arith.constant 0 : i32
      %dma_start3A_51 = arith.constant 0 : i32
      %dma_start3A_52 = tpu.memref_slice %arg8[%dma_start3A_50, %dma_start3A_51] : memref<10752x32xf32, #tpu.memory_space<vmem_shared>> -> memref<10752x32xf32, #tpu.memory_space<vmem_shared>>
      tpu.enqueue_indirect_dma source(%dma_start3A_46 : memref<128x32xf32, #tpu.memory_space<vmem>>) target(%dma_start3A_52 : memref<10752x32xf32, #tpu.memory_space<vmem_shared>>) offsets(%dma_start3A_49 : memref<128xi32, #tpu.memory_space<vmem>>) semaphore(%run_scoped3A_43 : memref<!tpu.dma_semaphore, #tpu.memory_space<semaphore_mem>>) {add = true}
      %dma_wait3A = arith.constant 0 : i32
      %dma_wait3A_53 = arith.constant 0 : i32
      %dma_wait3A_54 = tpu.memref_slice %arg7[%run_scoped3A_12, %dma_wait3A, %dma_wait3A_53] : memref<20x128x32xf32, #tpu.memory_space<vmem>> -> memref<1x128x32xf32, #tpu.memory_space<vmem>>
      %dma_wait3A_55 = tpu.memref_squeeze %dma_wait3A_54 : memref<1x128x32xf32, #tpu.memory_space<vmem>> -> memref<128x32xf32, #tpu.memory_space<vmem>>
      %dma_wait3A_56 = arith.constant 0 : i32
      %dma_wait3A_57 = tpu.memref_slice %arg6[%run_scoped3A_13, %dma_wait3A_56] : memref<20x128xi32, #tpu.memory_space<vmem>> -> memref<1x128xi32, #tpu.memory_space<vmem>>
      %dma_wait3A_58 = tpu.memref_squeeze %dma_wait3A_57 : memref<1x128xi32, #tpu.memory_space<vmem>> -> memref<128xi32, #tpu.memory_space<vmem>>
      %dma_wait3A_59 = arith.constant 0 : i32
      %dma_wait3A_60 = arith.constant 0 : i32
      %dma_wait3A_61 = tpu.memref_slice %arg8[%dma_wait3A_59, %dma_wait3A_60] : memref<10752x32xf32, #tpu.memory_space<vmem_shared>> -> memref<10752x32xf32, #tpu.memory_space<vmem_shared>>
      tpu.wait_indirect_dma semaphore(%run_scoped3A_43 : memref<!tpu.dma_semaphore, #tpu.memory_space<semaphore_mem>>) src(%dma_wait3A_55 : memref<128x32xf32, #tpu.memory_space<vmem>>) dst(%dma_wait3A_61 : memref<10752x32xf32, #tpu.memory_space<vmem_shared>>)
      tpu.yield
    }) : () -> ()
    %run_scoped3A_14 = arith.constant 6 : i32
    %run_scoped3A_15 = arith.constant 6 : i32
    "tpu.region"() ({
      %run_scoped3A_43 = tpu.sem_alloc : memref<!tpu.dma_semaphore, #tpu.memory_space<semaphore_mem>>
      %dma_start3A = arith.constant 0 : i32
      %dma_start3A_44 = arith.constant 0 : i32
      %dma_start3A_45 = tpu.memref_slice %arg7[%run_scoped3A_14, %dma_start3A, %dma_start3A_44] : memref<20x128x32xf32, #tpu.memory_space<vmem>> -> memref<1x128x32xf32, #tpu.memory_space<vmem>>
      %dma_start3A_46 = tpu.memref_squeeze %dma_start3A_45 : memref<1x128x32xf32, #tpu.memory_space<vmem>> -> memref<128x32xf32, #tpu.memory_space<vmem>>
      %dma_start3A_47 = arith.constant 0 : i32
      %dma_start3A_48 = tpu.memref_slice %arg6[%run_scoped3A_15, %dma_start3A_47] : memref<20x128xi32, #tpu.memory_space<vmem>> -> memref<1x128xi32, #tpu.memory_space<vmem>>
      %dma_start3A_49 = tpu.memref_squeeze %dma_start3A_48 : memref<1x128xi32, #tpu.memory_space<vmem>> -> memref<128xi32, #tpu.memory_space<vmem>>
      %dma_start3A_50 = arith.constant 0 : i32
      %dma_start3A_51 = arith.constant 0 : i32
      %dma_start3A_52 = tpu.memref_slice %arg8[%dma_start3A_50, %dma_start3A_51] : memref<10752x32xf32, #tpu.memory_space<vmem_shared>> -> memref<10752x32xf32, #tpu.memory_space<vmem_shared>>
      tpu.enqueue_indirect_dma source(%dma_start3A_46 : memref<128x32xf32, #tpu.memory_space<vmem>>) target(%dma_start3A_52 : memref<10752x32xf32, #tpu.memory_space<vmem_shared>>) offsets(%dma_start3A_49 : memref<128xi32, #tpu.memory_space<vmem>>) semaphore(%run_scoped3A_43 : memref<!tpu.dma_semaphore, #tpu.memory_space<semaphore_mem>>) {add = true}
      %dma_wait3A = arith.constant 0 : i32
      %dma_wait3A_53 = arith.constant 0 : i32
      %dma_wait3A_54 = tpu.memref_slice %arg7[%run_scoped3A_14, %dma_wait3A, %dma_wait3A_53] : memref<20x128x32xf32, #tpu.memory_space<vmem>> -> memref<1x128x32xf32, #tpu.memory_space<vmem>>
      %dma_wait3A_55 = tpu.memref_squeeze %dma_wait3A_54 : memref<1x128x32xf32, #tpu.memory_space<vmem>> -> memref<128x32xf32, #tpu.memory_space<vmem>>
      %dma_wait3A_56 = arith.constant 0 : i32
      %dma_wait3A_57 = tpu.memref_slice %arg6[%run_scoped3A_15, %dma_wait3A_56] : memref<20x128xi32, #tpu.memory_space<vmem>> -> memref<1x128xi32, #tpu.memory_space<vmem>>
      %dma_wait3A_58 = tpu.memref_squeeze %dma_wait3A_57 : memref<1x128xi32, #tpu.memory_space<vmem>> -> memref<128xi32, #tpu.memory_space<vmem>>
      %dma_wait3A_59 = arith.constant 0 : i32
      %dma_wait3A_60 = arith.constant 0 : i32
      %dma_wait3A_61 = tpu.memref_slice %arg8[%dma_wait3A_59, %dma_wait3A_60] : memref<10752x32xf32, #tpu.memory_space<vmem_shared>> -> memref<10752x32xf32, #tpu.memory_space<vmem_shared>>
      tpu.wait_indirect_dma semaphore(%run_scoped3A_43 : memref<!tpu.dma_semaphore, #tpu.memory_space<semaphore_mem>>) src(%dma_wait3A_55 : memref<128x32xf32, #tpu.memory_space<vmem>>) dst(%dma_wait3A_61 : memref<10752x32xf32, #tpu.memory_space<vmem_shared>>)
      tpu.yield
    }) : () -> ()
    %run_scoped3A_16 = arith.constant 7 : i32
    %run_scoped3A_17 = arith.constant 7 : i32
    "tpu.region"() ({
      %run_scoped3A_43 = tpu.sem_alloc : memref<!tpu.dma_semaphore, #tpu.memory_space<semaphore_mem>>
      %dma_start3A = arith.constant 0 : i32
      %dma_start3A_44 = arith.constant 0 : i32
      %dma_start3A_45 = tpu.memref_slice %arg7[%run_scoped3A_16, %dma_start3A, %dma_start3A_44] : memref<20x128x32xf32, #tpu.memory_space<vmem>> -> memref<1x128x32xf32, #tpu.memory_space<vmem>>
      %dma_start3A_46 = tpu.memref_squeeze %dma_start3A_45 : memref<1x128x32xf32, #tpu.memory_space<vmem>> -> memref<128x32xf32, #tpu.memory_space<vmem>>
      %dma_start3A_47 = arith.constant 0 : i32
      %dma_start3A_48 = tpu.memref_slice %arg6[%run_scoped3A_17, %dma_start3A_47] : memref<20x128xi32, #tpu.memory_space<vmem>> -> memref<1x128xi32, #tpu.memory_space<vmem>>
      %dma_start3A_49 = tpu.memref_squeeze %dma_start3A_48 : memref<1x128xi32, #tpu.memory_space<vmem>> -> memref<128xi32, #tpu.memory_space<vmem>>
      %dma_start3A_50 = arith.constant 0 : i32
      %dma_start3A_51 = arith.constant 0 : i32
      %dma_start3A_52 = tpu.memref_slice %arg8[%dma_start3A_50, %dma_start3A_51] : memref<10752x32xf32, #tpu.memory_space<vmem_shared>> -> memref<10752x32xf32, #tpu.memory_space<vmem_shared>>
      tpu.enqueue_indirect_dma source(%dma_start3A_46 : memref<128x32xf32, #tpu.memory_space<vmem>>) target(%dma_start3A_52 : memref<10752x32xf32, #tpu.memory_space<vmem_shared>>) offsets(%dma_start3A_49 : memref<128xi32, #tpu.memory_space<vmem>>) semaphore(%run_scoped3A_43 : memref<!tpu.dma_semaphore, #tpu.memory_space<semaphore_mem>>) {add = true}
      %dma_wait3A = arith.constant 0 : i32
      %dma_wait3A_53 = arith.constant 0 : i32
      %dma_wait3A_54 = tpu.memref_slice %arg7[%run_scoped3A_16, %dma_wait3A, %dma_wait3A_53] : memref<20x128x32xf32, #tpu.memory_space<vmem>> -> memref<1x128x32xf32, #tpu.memory_space<vmem>>
      %dma_wait3A_55 = tpu.memref_squeeze %dma_wait3A_54 : memref<1x128x32xf32, #tpu.memory_space<vmem>> -> memref<128x32xf32, #tpu.memory_space<vmem>>
      %dma_wait3A_56 = arith.constant 0 : i32
      %dma_wait3A_57 = tpu.memref_slice %arg6[%run_scoped3A_17, %dma_wait3A_56] : memref<20x128xi32, #tpu.memory_space<vmem>> -> memref<1x128xi32, #tpu.memory_space<vmem>>
      %dma_wait3A_58 = tpu.memref_squeeze %dma_wait3A_57 : memref<1x128xi32, #tpu.memory_space<vmem>> -> memref<128xi32, #tpu.memory_space<vmem>>
      %dma_wait3A_59 = arith.constant 0 : i32
      %dma_wait3A_60 = arith.constant 0 : i32
      %dma_wait3A_61 = tpu.memref_slice %arg8[%dma_wait3A_59, %dma_wait3A_60] : memref<10752x32xf32, #tpu.memory_space<vmem_shared>> -> memref<10752x32xf32, #tpu.memory_space<vmem_shared>>
      tpu.wait_indirect_dma semaphore(%run_scoped3A_43 : memref<!tpu.dma_semaphore, #tpu.memory_space<semaphore_mem>>) src(%dma_wait3A_55 : memref<128x32xf32, #tpu.memory_space<vmem>>) dst(%dma_wait3A_61 : memref<10752x32xf32, #tpu.memory_space<vmem_shared>>)
      tpu.yield
    }) : () -> ()
    %run_scoped3A_18 = arith.constant 8 : i32
    %run_scoped3A_19 = arith.constant 8 : i32
    "tpu.region"() ({
      %run_scoped3A_43 = tpu.sem_alloc : memref<!tpu.dma_semaphore, #tpu.memory_space<semaphore_mem>>
      %dma_start3A = arith.constant 0 : i32
      %dma_start3A_44 = arith.constant 0 : i32
      %dma_start3A_45 = tpu.memref_slice %arg7[%run_scoped3A_18, %dma_start3A, %dma_start3A_44] : memref<20x128x32xf32, #tpu.memory_space<vmem>> -> memref<1x128x32xf32, #tpu.memory_space<vmem>>
      %dma_start3A_46 = tpu.memref_squeeze %dma_start3A_45 : memref<1x128x32xf32, #tpu.memory_space<vmem>> -> memref<128x32xf32, #tpu.memory_space<vmem>>
      %dma_start3A_47 = arith.constant 0 : i32
      %dma_start3A_48 = tpu.memref_slice %arg6[%run_scoped3A_19, %dma_start3A_47] : memref<20x128xi32, #tpu.memory_space<vmem>> -> memref<1x128xi32, #tpu.memory_space<vmem>>
      %dma_start3A_49 = tpu.memref_squeeze %dma_start3A_48 : memref<1x128xi32, #tpu.memory_space<vmem>> -> memref<128xi32, #tpu.memory_space<vmem>>
      %dma_start3A_50 = arith.constant 0 : i32
      %dma_start3A_51 = arith.constant 0 : i32
      %dma_start3A_52 = tpu.memref_slice %arg8[%dma_start3A_50, %dma_start3A_51] : memref<10752x32xf32, #tpu.memory_space<vmem_shared>> -> memref<10752x32xf32, #tpu.memory_space<vmem_shared>>
      tpu.enqueue_indirect_dma source(%dma_start3A_46 : memref<128x32xf32, #tpu.memory_space<vmem>>) target(%dma_start3A_52 : memref<10752x32xf32, #tpu.memory_space<vmem_shared>>) offsets(%dma_start3A_49 : memref<128xi32, #tpu.memory_space<vmem>>) semaphore(%run_scoped3A_43 : memref<!tpu.dma_semaphore, #tpu.memory_space<semaphore_mem>>) {add = true}
      %dma_wait3A = arith.constant 0 : i32
      %dma_wait3A_53 = arith.constant 0 : i32
      %dma_wait3A_54 = tpu.memref_slice %arg7[%run_scoped3A_18, %dma_wait3A, %dma_wait3A_53] : memref<20x128x32xf32, #tpu.memory_space<vmem>> -> memref<1x128x32xf32, #tpu.memory_space<vmem>>
      %dma_wait3A_55 = tpu.memref_squeeze %dma_wait3A_54 : memref<1x128x32xf32, #tpu.memory_space<vmem>> -> memref<128x32xf32, #tpu.memory_space<vmem>>
      %dma_wait3A_56 = arith.constant 0 : i32
      %dma_wait3A_57 = tpu.memref_slice %arg6[%run_scoped3A_19, %dma_wait3A_56] : memref<20x128xi32, #tpu.memory_space<vmem>> -> memref<1x128xi32, #tpu.memory_space<vmem>>
      %dma_wait3A_58 = tpu.memref_squeeze %dma_wait3A_57 : memref<1x128xi32, #tpu.memory_space<vmem>> -> memref<128xi32, #tpu.memory_space<vmem>>
      %dma_wait3A_59 = arith.constant 0 : i32
      %dma_wait3A_60 = arith.constant 0 : i32
      %dma_wait3A_61 = tpu.memref_slice %arg8[%dma_wait3A_59, %dma_wait3A_60] : memref<10752x32xf32, #tpu.memory_space<vmem_shared>> -> memref<10752x32xf32, #tpu.memory_space<vmem_shared>>
      tpu.wait_indirect_dma semaphore(%run_scoped3A_43 : memref<!tpu.dma_semaphore, #tpu.memory_space<semaphore_mem>>) src(%dma_wait3A_55 : memref<128x32xf32, #tpu.memory_space<vmem>>) dst(%dma_wait3A_61 : memref<10752x32xf32, #tpu.memory_space<vmem_shared>>)
      tpu.yield
    }) : () -> ()
    %run_scoped3A_20 = arith.constant 9 : i32
    %run_scoped3A_21 = arith.constant 9 : i32
    "tpu.region"() ({
      %run_scoped3A_43 = tpu.sem_alloc : memref<!tpu.dma_semaphore, #tpu.memory_space<semaphore_mem>>
      %dma_start3A = arith.constant 0 : i32
      %dma_start3A_44 = arith.constant 0 : i32
      %dma_start3A_45 = tpu.memref_slice %arg7[%run_scoped3A_20, %dma_start3A, %dma_start3A_44] : memref<20x128x32xf32, #tpu.memory_space<vmem>> -> memref<1x128x32xf32, #tpu.memory_space<vmem>>
      %dma_start3A_46 = tpu.memref_squeeze %dma_start3A_45 : memref<1x128x32xf32, #tpu.memory_space<vmem>> -> memref<128x32xf32, #tpu.memory_space<vmem>>
      %dma_start3A_47 = arith.constant 0 : i32
      %dma_start3A_48 = tpu.memref_slice %arg6[%run_scoped3A_21, %dma_start3A_47] : memref<20x128xi32, #tpu.memory_space<vmem>> -> memref<1x128xi32, #tpu.memory_space<vmem>>
      %dma_start3A_49 = tpu.memref_squeeze %dma_start3A_48 : memref<1x128xi32, #tpu.memory_space<vmem>> -> memref<128xi32, #tpu.memory_space<vmem>>
      %dma_start3A_50 = arith.constant 0 : i32
      %dma_start3A_51 = arith.constant 0 : i32
      %dma_start3A_52 = tpu.memref_slice %arg8[%dma_start3A_50, %dma_start3A_51] : memref<10752x32xf32, #tpu.memory_space<vmem_shared>> -> memref<10752x32xf32, #tpu.memory_space<vmem_shared>>
      tpu.enqueue_indirect_dma source(%dma_start3A_46 : memref<128x32xf32, #tpu.memory_space<vmem>>) target(%dma_start3A_52 : memref<10752x32xf32, #tpu.memory_space<vmem_shared>>) offsets(%dma_start3A_49 : memref<128xi32, #tpu.memory_space<vmem>>) semaphore(%run_scoped3A_43 : memref<!tpu.dma_semaphore, #tpu.memory_space<semaphore_mem>>) {add = true}
      %dma_wait3A = arith.constant 0 : i32
      %dma_wait3A_53 = arith.constant 0 : i32
      %dma_wait3A_54 = tpu.memref_slice %arg7[%run_scoped3A_20, %dma_wait3A, %dma_wait3A_53] : memref<20x128x32xf32, #tpu.memory_space<vmem>> -> memref<1x128x32xf32, #tpu.memory_space<vmem>>
      %dma_wait3A_55 = tpu.memref_squeeze %dma_wait3A_54 : memref<1x128x32xf32, #tpu.memory_space<vmem>> -> memref<128x32xf32, #tpu.memory_space<vmem>>
      %dma_wait3A_56 = arith.constant 0 : i32
      %dma_wait3A_57 = tpu.memref_slice %arg6[%run_scoped3A_21, %dma_wait3A_56] : memref<20x128xi32, #tpu.memory_space<vmem>> -> memref<1x128xi32, #tpu.memory_space<vmem>>
      %dma_wait3A_58 = tpu.memref_squeeze %dma_wait3A_57 : memref<1x128xi32, #tpu.memory_space<vmem>> -> memref<128xi32, #tpu.memory_space<vmem>>
      %dma_wait3A_59 = arith.constant 0 : i32
      %dma_wait3A_60 = arith.constant 0 : i32
      %dma_wait3A_61 = tpu.memref_slice %arg8[%dma_wait3A_59, %dma_wait3A_60] : memref<10752x32xf32, #tpu.memory_space<vmem_shared>> -> memref<10752x32xf32, #tpu.memory_space<vmem_shared>>
      tpu.wait_indirect_dma semaphore(%run_scoped3A_43 : memref<!tpu.dma_semaphore, #tpu.memory_space<semaphore_mem>>) src(%dma_wait3A_55 : memref<128x32xf32, #tpu.memory_space<vmem>>) dst(%dma_wait3A_61 : memref<10752x32xf32, #tpu.memory_space<vmem_shared>>)
      tpu.yield
    }) : () -> ()
    %run_scoped3A_22 = arith.constant 10 : i32
    %run_scoped3A_23 = arith.constant 10 : i32
    "tpu.region"() ({
      %run_scoped3A_43 = tpu.sem_alloc : memref<!tpu.dma_semaphore, #tpu.memory_space<semaphore_mem>>
      %dma_start3A = arith.constant 0 : i32
      %dma_start3A_44 = arith.constant 0 : i32
      %dma_start3A_45 = tpu.memref_slice %arg7[%run_scoped3A_22, %dma_start3A, %dma_start3A_44] : memref<20x128x32xf32, #tpu.memory_space<vmem>> -> memref<1x128x32xf32, #tpu.memory_space<vmem>>
      %dma_start3A_46 = tpu.memref_squeeze %dma_start3A_45 : memref<1x128x32xf32, #tpu.memory_space<vmem>> -> memref<128x32xf32, #tpu.memory_space<vmem>>
      %dma_start3A_47 = arith.constant 0 : i32
      %dma_start3A_48 = tpu.memref_slice %arg6[%run_scoped3A_23, %dma_start3A_47] : memref<20x128xi32, #tpu.memory_space<vmem>> -> memref<1x128xi32, #tpu.memory_space<vmem>>
      %dma_start3A_49 = tpu.memref_squeeze %dma_start3A_48 : memref<1x128xi32, #tpu.memory_space<vmem>> -> memref<128xi32, #tpu.memory_space<vmem>>
      %dma_start3A_50 = arith.constant 0 : i32
      %dma_start3A_51 = arith.constant 0 : i32
      %dma_start3A_52 = tpu.memref_slice %arg8[%dma_start3A_50, %dma_start3A_51] : memref<10752x32xf32, #tpu.memory_space<vmem_shared>> -> memref<10752x32xf32, #tpu.memory_space<vmem_shared>>
      tpu.enqueue_indirect_dma source(%dma_start3A_46 : memref<128x32xf32, #tpu.memory_space<vmem>>) target(%dma_start3A_52 : memref<10752x32xf32, #tpu.memory_space<vmem_shared>>) offsets(%dma_start3A_49 : memref<128xi32, #tpu.memory_space<vmem>>) semaphore(%run_scoped3A_43 : memref<!tpu.dma_semaphore, #tpu.memory_space<semaphore_mem>>) {add = true}
      %dma_wait3A = arith.constant 0 : i32
      %dma_wait3A_53 = arith.constant 0 : i32
      %dma_wait3A_54 = tpu.memref_slice %arg7[%run_scoped3A_22, %dma_wait3A, %dma_wait3A_53] : memref<20x128x32xf32, #tpu.memory_space<vmem>> -> memref<1x128x32xf32, #tpu.memory_space<vmem>>
      %dma_wait3A_55 = tpu.memref_squeeze %dma_wait3A_54 : memref<1x128x32xf32, #tpu.memory_space<vmem>> -> memref<128x32xf32, #tpu.memory_space<vmem>>
      %dma_wait3A_56 = arith.constant 0 : i32
      %dma_wait3A_57 = tpu.memref_slice %arg6[%run_scoped3A_23, %dma_wait3A_56] : memref<20x128xi32, #tpu.memory_space<vmem>> -> memref<1x128xi32, #tpu.memory_space<vmem>>
      %dma_wait3A_58 = tpu.memref_squeeze %dma_wait3A_57 : memref<1x128xi32, #tpu.memory_space<vmem>> -> memref<128xi32, #tpu.memory_space<vmem>>
      %dma_wait3A_59 = arith.constant 0 : i32
      %dma_wait3A_60 = arith.constant 0 : i32
      %dma_wait3A_61 = tpu.memref_slice %arg8[%dma_wait3A_59, %dma_wait3A_60] : memref<10752x32xf32, #tpu.memory_space<vmem_shared>> -> memref<10752x32xf32, #tpu.memory_space<vmem_shared>>
      tpu.wait_indirect_dma semaphore(%run_scoped3A_43 : memref<!tpu.dma_semaphore, #tpu.memory_space<semaphore_mem>>) src(%dma_wait3A_55 : memref<128x32xf32, #tpu.memory_space<vmem>>) dst(%dma_wait3A_61 : memref<10752x32xf32, #tpu.memory_space<vmem_shared>>)
      tpu.yield
    }) : () -> ()
    %run_scoped3A_24 = arith.constant 11 : i32
    %run_scoped3A_25 = arith.constant 11 : i32
    "tpu.region"() ({
      %run_scoped3A_43 = tpu.sem_alloc : memref<!tpu.dma_semaphore, #tpu.memory_space<semaphore_mem>>
      %dma_start3A = arith.constant 0 : i32
      %dma_start3A_44 = arith.constant 0 : i32
      %dma_start3A_45 = tpu.memref_slice %arg7[%run_scoped3A_24, %dma_start3A, %dma_start3A_44] : memref<20x128x32xf32, #tpu.memory_space<vmem>> -> memref<1x128x32xf32, #tpu.memory_space<vmem>>
      %dma_start3A_46 = tpu.memref_squeeze %dma_start3A_45 : memref<1x128x32xf32, #tpu.memory_space<vmem>> -> memref<128x32xf32, #tpu.memory_space<vmem>>
      %dma_start3A_47 = arith.constant 0 : i32
      %dma_start3A_48 = tpu.memref_slice %arg6[%run_scoped3A_25, %dma_start3A_47] : memref<20x128xi32, #tpu.memory_space<vmem>> -> memref<1x128xi32, #tpu.memory_space<vmem>>
      %dma_start3A_49 = tpu.memref_squeeze %dma_start3A_48 : memref<1x128xi32, #tpu.memory_space<vmem>> -> memref<128xi32, #tpu.memory_space<vmem>>
      %dma_start3A_50 = arith.constant 0 : i32
      %dma_start3A_51 = arith.constant 0 : i32
      %dma_start3A_52 = tpu.memref_slice %arg8[%dma_start3A_50, %dma_start3A_51] : memref<10752x32xf32, #tpu.memory_space<vmem_shared>> -> memref<10752x32xf32, #tpu.memory_space<vmem_shared>>
      tpu.enqueue_indirect_dma source(%dma_start3A_46 : memref<128x32xf32, #tpu.memory_space<vmem>>) target(%dma_start3A_52 : memref<10752x32xf32, #tpu.memory_space<vmem_shared>>) offsets(%dma_start3A_49 : memref<128xi32, #tpu.memory_space<vmem>>) semaphore(%run_scoped3A_43 : memref<!tpu.dma_semaphore, #tpu.memory_space<semaphore_mem>>) {add = true}
      %dma_wait3A = arith.constant 0 : i32
      %dma_wait3A_53 = arith.constant 0 : i32
      %dma_wait3A_54 = tpu.memref_slice %arg7[%run_scoped3A_24, %dma_wait3A, %dma_wait3A_53] : memref<20x128x32xf32, #tpu.memory_space<vmem>> -> memref<1x128x32xf32, #tpu.memory_space<vmem>>
      %dma_wait3A_55 = tpu.memref_squeeze %dma_wait3A_54 : memref<1x128x32xf32, #tpu.memory_space<vmem>> -> memref<128x32xf32, #tpu.memory_space<vmem>>
      %dma_wait3A_56 = arith.constant 0 : i32
      %dma_wait3A_57 = tpu.memref_slice %arg6[%run_scoped3A_25, %dma_wait3A_56] : memref<20x128xi32, #tpu.memory_space<vmem>> -> memref<1x128xi32, #tpu.memory_space<vmem>>
      %dma_wait3A_58 = tpu.memref_squeeze %dma_wait3A_57 : memref<1x128xi32, #tpu.memory_space<vmem>> -> memref<128xi32, #tpu.memory_space<vmem>>
      %dma_wait3A_59 = arith.constant 0 : i32
      %dma_wait3A_60 = arith.constant 0 : i32
      %dma_wait3A_61 = tpu.memref_slice %arg8[%dma_wait3A_59, %dma_wait3A_60] : memref<10752x32xf32, #tpu.memory_space<vmem_shared>> -> memref<10752x32xf32, #tpu.memory_space<vmem_shared>>
      tpu.wait_indirect_dma semaphore(%run_scoped3A_43 : memref<!tpu.dma_semaphore, #tpu.memory_space<semaphore_mem>>) src(%dma_wait3A_55 : memref<128x32xf32, #tpu.memory_space<vmem>>) dst(%dma_wait3A_61 : memref<10752x32xf32, #tpu.memory_space<vmem_shared>>)
      tpu.yield
    }) : () -> ()
    %run_scoped3A_26 = arith.constant 12 : i32
    %run_scoped3A_27 = arith.constant 12 : i32
    "tpu.region"() ({
      %run_scoped3A_43 = tpu.sem_alloc : memref<!tpu.dma_semaphore, #tpu.memory_space<semaphore_mem>>
      %dma_start3A = arith.constant 0 : i32
      %dma_start3A_44 = arith.constant 0 : i32
      %dma_start3A_45 = tpu.memref_slice %arg7[%run_scoped3A_26, %dma_start3A, %dma_start3A_44] : memref<20x128x32xf32, #tpu.memory_space<vmem>> -> memref<1x128x32xf32, #tpu.memory_space<vmem>>
      %dma_start3A_46 = tpu.memref_squeeze %dma_start3A_45 : memref<1x128x32xf32, #tpu.memory_space<vmem>> -> memref<128x32xf32, #tpu.memory_space<vmem>>
      %dma_start3A_47 = arith.constant 0 : i32
      %dma_start3A_48 = tpu.memref_slice %arg6[%run_scoped3A_27, %dma_start3A_47] : memref<20x128xi32, #tpu.memory_space<vmem>> -> memref<1x128xi32, #tpu.memory_space<vmem>>
      %dma_start3A_49 = tpu.memref_squeeze %dma_start3A_48 : memref<1x128xi32, #tpu.memory_space<vmem>> -> memref<128xi32, #tpu.memory_space<vmem>>
      %dma_start3A_50 = arith.constant 0 : i32
      %dma_start3A_51 = arith.constant 0 : i32
      %dma_start3A_52 = tpu.memref_slice %arg8[%dma_start3A_50, %dma_start3A_51] : memref<10752x32xf32, #tpu.memory_space<vmem_shared>> -> memref<10752x32xf32, #tpu.memory_space<vmem_shared>>
      tpu.enqueue_indirect_dma source(%dma_start3A_46 : memref<128x32xf32, #tpu.memory_space<vmem>>) target(%dma_start3A_52 : memref<10752x32xf32, #tpu.memory_space<vmem_shared>>) offsets(%dma_start3A_49 : memref<128xi32, #tpu.memory_space<vmem>>) semaphore(%run_scoped3A_43 : memref<!tpu.dma_semaphore, #tpu.memory_space<semaphore_mem>>) {add = true}
      %dma_wait3A = arith.constant 0 : i32
      %dma_wait3A_53 = arith.constant 0 : i32
      %dma_wait3A_54 = tpu.memref_slice %arg7[%run_scoped3A_26, %dma_wait3A, %dma_wait3A_53] : memref<20x128x32xf32, #tpu.memory_space<vmem>> -> memref<1x128x32xf32, #tpu.memory_space<vmem>>
      %dma_wait3A_55 = tpu.memref_squeeze %dma_wait3A_54 : memref<1x128x32xf32, #tpu.memory_space<vmem>> -> memref<128x32xf32, #tpu.memory_space<vmem>>
      %dma_wait3A_56 = arith.constant 0 : i32
      %dma_wait3A_57 = tpu.memref_slice %arg6[%run_scoped3A_27, %dma_wait3A_56] : memref<20x128xi32, #tpu.memory_space<vmem>> -> memref<1x128xi32, #tpu.memory_space<vmem>>
      %dma_wait3A_58 = tpu.memref_squeeze %dma_wait3A_57 : memref<1x128xi32, #tpu.memory_space<vmem>> -> memref<128xi32, #tpu.memory_space<vmem>>
      %dma_wait3A_59 = arith.constant 0 : i32
      %dma_wait3A_60 = arith.constant 0 : i32
      %dma_wait3A_61 = tpu.memref_slice %arg8[%dma_wait3A_59, %dma_wait3A_60] : memref<10752x32xf32, #tpu.memory_space<vmem_shared>> -> memref<10752x32xf32, #tpu.memory_space<vmem_shared>>
      tpu.wait_indirect_dma semaphore(%run_scoped3A_43 : memref<!tpu.dma_semaphore, #tpu.memory_space<semaphore_mem>>) src(%dma_wait3A_55 : memref<128x32xf32, #tpu.memory_space<vmem>>) dst(%dma_wait3A_61 : memref<10752x32xf32, #tpu.memory_space<vmem_shared>>)
      tpu.yield
    }) : () -> ()
    %run_scoped3A_28 = arith.constant 13 : i32
    %run_scoped3A_29 = arith.constant 13 : i32
    "tpu.region"() ({
      %run_scoped3A_43 = tpu.sem_alloc : memref<!tpu.dma_semaphore, #tpu.memory_space<semaphore_mem>>
      %dma_start3A = arith.constant 0 : i32
      %dma_start3A_44 = arith.constant 0 : i32
      %dma_start3A_45 = tpu.memref_slice %arg7[%run_scoped3A_28, %dma_start3A, %dma_start3A_44] : memref<20x128x32xf32, #tpu.memory_space<vmem>> -> memref<1x128x32xf32, #tpu.memory_space<vmem>>
      %dma_start3A_46 = tpu.memref_squeeze %dma_start3A_45 : memref<1x128x32xf32, #tpu.memory_space<vmem>> -> memref<128x32xf32, #tpu.memory_space<vmem>>
      %dma_start3A_47 = arith.constant 0 : i32
      %dma_start3A_48 = tpu.memref_slice %arg6[%run_scoped3A_29, %dma_start3A_47] : memref<20x128xi32, #tpu.memory_space<vmem>> -> memref<1x128xi32, #tpu.memory_space<vmem>>
      %dma_start3A_49 = tpu.memref_squeeze %dma_start3A_48 : memref<1x128xi32, #tpu.memory_space<vmem>> -> memref<128xi32, #tpu.memory_space<vmem>>
      %dma_start3A_50 = arith.constant 0 : i32
      %dma_start3A_51 = arith.constant 0 : i32
      %dma_start3A_52 = tpu.memref_slice %arg8[%dma_start3A_50, %dma_start3A_51] : memref<10752x32xf32, #tpu.memory_space<vmem_shared>> -> memref<10752x32xf32, #tpu.memory_space<vmem_shared>>
      tpu.enqueue_indirect_dma source(%dma_start3A_46 : memref<128x32xf32, #tpu.memory_space<vmem>>) target(%dma_start3A_52 : memref<10752x32xf32, #tpu.memory_space<vmem_shared>>) offsets(%dma_start3A_49 : memref<128xi32, #tpu.memory_space<vmem>>) semaphore(%run_scoped3A_43 : memref<!tpu.dma_semaphore, #tpu.memory_space<semaphore_mem>>) {add = true}
      %dma_wait3A = arith.constant 0 : i32
      %dma_wait3A_53 = arith.constant 0 : i32
      %dma_wait3A_54 = tpu.memref_slice %arg7[%run_scoped3A_28, %dma_wait3A, %dma_wait3A_53] : memref<20x128x32xf32, #tpu.memory_space<vmem>> -> memref<1x128x32xf32, #tpu.memory_space<vmem>>
      %dma_wait3A_55 = tpu.memref_squeeze %dma_wait3A_54 : memref<1x128x32xf32, #tpu.memory_space<vmem>> -> memref<128x32xf32, #tpu.memory_space<vmem>>
      %dma_wait3A_56 = arith.constant 0 : i32
      %dma_wait3A_57 = tpu.memref_slice %arg6[%run_scoped3A_29, %dma_wait3A_56] : memref<20x128xi32, #tpu.memory_space<vmem>> -> memref<1x128xi32, #tpu.memory_space<vmem>>
      %dma_wait3A_58 = tpu.memref_squeeze %dma_wait3A_57 : memref<1x128xi32, #tpu.memory_space<vmem>> -> memref<128xi32, #tpu.memory_space<vmem>>
      %dma_wait3A_59 = arith.constant 0 : i32
      %dma_wait3A_60 = arith.constant 0 : i32
      %dma_wait3A_61 = tpu.memref_slice %arg8[%dma_wait3A_59, %dma_wait3A_60] : memref<10752x32xf32, #tpu.memory_space<vmem_shared>> -> memref<10752x32xf32, #tpu.memory_space<vmem_shared>>
      tpu.wait_indirect_dma semaphore(%run_scoped3A_43 : memref<!tpu.dma_semaphore, #tpu.memory_space<semaphore_mem>>) src(%dma_wait3A_55 : memref<128x32xf32, #tpu.memory_space<vmem>>) dst(%dma_wait3A_61 : memref<10752x32xf32, #tpu.memory_space<vmem_shared>>)
      tpu.yield
    }) : () -> ()
    %run_scoped3A_30 = arith.constant 14 : i32
    %run_scoped3A_31 = arith.constant 14 : i32
    "tpu.region"() ({
      %run_scoped3A_43 = tpu.sem_alloc : memref<!tpu.dma_semaphore, #tpu.memory_space<semaphore_mem>>
      %dma_start3A = arith.constant 0 : i32
      %dma_start3A_44 = arith.constant 0 : i32
      %dma_start3A_45 = tpu.memref_slice %arg7[%run_scoped3A_30, %dma_start3A, %dma_start3A_44] : memref<20x128x32xf32, #tpu.memory_space<vmem>> -> memref<1x128x32xf32, #tpu.memory_space<vmem>>
      %dma_start3A_46 = tpu.memref_squeeze %dma_start3A_45 : memref<1x128x32xf32, #tpu.memory_space<vmem>> -> memref<128x32xf32, #tpu.memory_space<vmem>>
      %dma_start3A_47 = arith.constant 0 : i32
      %dma_start3A_48 = tpu.memref_slice %arg6[%run_scoped3A_31, %dma_start3A_47] : memref<20x128xi32, #tpu.memory_space<vmem>> -> memref<1x128xi32, #tpu.memory_space<vmem>>
      %dma_start3A_49 = tpu.memref_squeeze %dma_start3A_48 : memref<1x128xi32, #tpu.memory_space<vmem>> -> memref<128xi32, #tpu.memory_space<vmem>>
      %dma_start3A_50 = arith.constant 0 : i32
      %dma_start3A_51 = arith.constant 0 : i32
      %dma_start3A_52 = tpu.memref_slice %arg8[%dma_start3A_50, %dma_start3A_51] : memref<10752x32xf32, #tpu.memory_space<vmem_shared>> -> memref<10752x32xf32, #tpu.memory_space<vmem_shared>>
      tpu.enqueue_indirect_dma source(%dma_start3A_46 : memref<128x32xf32, #tpu.memory_space<vmem>>) target(%dma_start3A_52 : memref<10752x32xf32, #tpu.memory_space<vmem_shared>>) offsets(%dma_start3A_49 : memref<128xi32, #tpu.memory_space<vmem>>) semaphore(%run_scoped3A_43 : memref<!tpu.dma_semaphore, #tpu.memory_space<semaphore_mem>>) {add = true}
      %dma_wait3A = arith.constant 0 : i32
      %dma_wait3A_53 = arith.constant 0 : i32
      %dma_wait3A_54 = tpu.memref_slice %arg7[%run_scoped3A_30, %dma_wait3A, %dma_wait3A_53] : memref<20x128x32xf32, #tpu.memory_space<vmem>> -> memref<1x128x32xf32, #tpu.memory_space<vmem>>
      %dma_wait3A_55 = tpu.memref_squeeze %dma_wait3A_54 : memref<1x128x32xf32, #tpu.memory_space<vmem>> -> memref<128x32xf32, #tpu.memory_space<vmem>>
      %dma_wait3A_56 = arith.constant 0 : i32
      %dma_wait3A_57 = tpu.memref_slice %arg6[%run_scoped3A_31, %dma_wait3A_56] : memref<20x128xi32, #tpu.memory_space<vmem>> -> memref<1x128xi32, #tpu.memory_space<vmem>>
      %dma_wait3A_58 = tpu.memref_squeeze %dma_wait3A_57 : memref<1x128xi32, #tpu.memory_space<vmem>> -> memref<128xi32, #tpu.memory_space<vmem>>
      %dma_wait3A_59 = arith.constant 0 : i32
      %dma_wait3A_60 = arith.constant 0 : i32
      %dma_wait3A_61 = tpu.memref_slice %arg8[%dma_wait3A_59, %dma_wait3A_60] : memref<10752x32xf32, #tpu.memory_space<vmem_shared>> -> memref<10752x32xf32, #tpu.memory_space<vmem_shared>>
      tpu.wait_indirect_dma semaphore(%run_scoped3A_43 : memref<!tpu.dma_semaphore, #tpu.memory_space<semaphore_mem>>) src(%dma_wait3A_55 : memref<128x32xf32, #tpu.memory_space<vmem>>) dst(%dma_wait3A_61 : memref<10752x32xf32, #tpu.memory_space<vmem_shared>>)
      tpu.yield
    }) : () -> ()
    %run_scoped3A_32 = arith.constant 15 : i32
    %run_scoped3A_33 = arith.constant 15 : i32
    "tpu.region"() ({
      %run_scoped3A_43 = tpu.sem_alloc : memref<!tpu.dma_semaphore, #tpu.memory_space<semaphore_mem>>
      %dma_start3A = arith.constant 0 : i32
      %dma_start3A_44 = arith.constant 0 : i32
      %dma_start3A_45 = tpu.memref_slice %arg7[%run_scoped3A_32, %dma_start3A, %dma_start3A_44] : memref<20x128x32xf32, #tpu.memory_space<vmem>> -> memref<1x128x32xf32, #tpu.memory_space<vmem>>
      %dma_start3A_46 = tpu.memref_squeeze %dma_start3A_45 : memref<1x128x32xf32, #tpu.memory_space<vmem>> -> memref<128x32xf32, #tpu.memory_space<vmem>>
      %dma_start3A_47 = arith.constant 0 : i32
      %dma_start3A_48 = tpu.memref_slice %arg6[%run_scoped3A_33, %dma_start3A_47] : memref<20x128xi32, #tpu.memory_space<vmem>> -> memref<1x128xi32, #tpu.memory_space<vmem>>
      %dma_start3A_49 = tpu.memref_squeeze %dma_start3A_48 : memref<1x128xi32, #tpu.memory_space<vmem>> -> memref<128xi32, #tpu.memory_space<vmem>>
      %dma_start3A_50 = arith.constant 0 : i32
      %dma_start3A_51 = arith.constant 0 : i32
      %dma_start3A_52 = tpu.memref_slice %arg8[%dma_start3A_50, %dma_start3A_51] : memref<10752x32xf32, #tpu.memory_space<vmem_shared>> -> memref<10752x32xf32, #tpu.memory_space<vmem_shared>>
      tpu.enqueue_indirect_dma source(%dma_start3A_46 : memref<128x32xf32, #tpu.memory_space<vmem>>) target(%dma_start3A_52 : memref<10752x32xf32, #tpu.memory_space<vmem_shared>>) offsets(%dma_start3A_49 : memref<128xi32, #tpu.memory_space<vmem>>) semaphore(%run_scoped3A_43 : memref<!tpu.dma_semaphore, #tpu.memory_space<semaphore_mem>>) {add = true}
      %dma_wait3A = arith.constant 0 : i32
      %dma_wait3A_53 = arith.constant 0 : i32
      %dma_wait3A_54 = tpu.memref_slice %arg7[%run_scoped3A_32, %dma_wait3A, %dma_wait3A_53] : memref<20x128x32xf32, #tpu.memory_space<vmem>> -> memref<1x128x32xf32, #tpu.memory_space<vmem>>
      %dma_wait3A_55 = tpu.memref_squeeze %dma_wait3A_54 : memref<1x128x32xf32, #tpu.memory_space<vmem>> -> memref<128x32xf32, #tpu.memory_space<vmem>>
      %dma_wait3A_56 = arith.constant 0 : i32
      %dma_wait3A_57 = tpu.memref_slice %arg6[%run_scoped3A_33, %dma_wait3A_56] : memref<20x128xi32, #tpu.memory_space<vmem>> -> memref<1x128xi32, #tpu.memory_space<vmem>>
      %dma_wait3A_58 = tpu.memref_squeeze %dma_wait3A_57 : memref<1x128xi32, #tpu.memory_space<vmem>> -> memref<128xi32, #tpu.memory_space<vmem>>
      %dma_wait3A_59 = arith.constant 0 : i32
      %dma_wait3A_60 = arith.constant 0 : i32
      %dma_wait3A_61 = tpu.memref_slice %arg8[%dma_wait3A_59, %dma_wait3A_60] : memref<10752x32xf32, #tpu.memory_space<vmem_shared>> -> memref<10752x32xf32, #tpu.memory_space<vmem_shared>>
      tpu.wait_indirect_dma semaphore(%run_scoped3A_43 : memref<!tpu.dma_semaphore, #tpu.memory_space<semaphore_mem>>) src(%dma_wait3A_55 : memref<128x32xf32, #tpu.memory_space<vmem>>) dst(%dma_wait3A_61 : memref<10752x32xf32, #tpu.memory_space<vmem_shared>>)
      tpu.yield
    }) : () -> ()
    %run_scoped3A_34 = arith.constant 16 : i32
    %run_scoped3A_35 = arith.constant 16 : i32
    "tpu.region"() ({
      %run_scoped3A_43 = tpu.sem_alloc : memref<!tpu.dma_semaphore, #tpu.memory_space<semaphore_mem>>
      %dma_start3A = arith.constant 0 : i32
      %dma_start3A_44 = arith.constant 0 : i32
      %dma_start3A_45 = tpu.memref_slice %arg7[%run_scoped3A_34, %dma_start3A, %dma_start3A_44] : memref<20x128x32xf32, #tpu.memory_space<vmem>> -> memref<1x128x32xf32, #tpu.memory_space<vmem>>
      %dma_start3A_46 = tpu.memref_squeeze %dma_start3A_45 : memref<1x128x32xf32, #tpu.memory_space<vmem>> -> memref<128x32xf32, #tpu.memory_space<vmem>>
      %dma_start3A_47 = arith.constant 0 : i32
      %dma_start3A_48 = tpu.memref_slice %arg6[%run_scoped3A_35, %dma_start3A_47] : memref<20x128xi32, #tpu.memory_space<vmem>> -> memref<1x128xi32, #tpu.memory_space<vmem>>
      %dma_start3A_49 = tpu.memref_squeeze %dma_start3A_48 : memref<1x128xi32, #tpu.memory_space<vmem>> -> memref<128xi32, #tpu.memory_space<vmem>>
      %dma_start3A_50 = arith.constant 0 : i32
      %dma_start3A_51 = arith.constant 0 : i32
      %dma_start3A_52 = tpu.memref_slice %arg8[%dma_start3A_50, %dma_start3A_51] : memref<10752x32xf32, #tpu.memory_space<vmem_shared>> -> memref<10752x32xf32, #tpu.memory_space<vmem_shared>>
      tpu.enqueue_indirect_dma source(%dma_start3A_46 : memref<128x32xf32, #tpu.memory_space<vmem>>) target(%dma_start3A_52 : memref<10752x32xf32, #tpu.memory_space<vmem_shared>>) offsets(%dma_start3A_49 : memref<128xi32, #tpu.memory_space<vmem>>) semaphore(%run_scoped3A_43 : memref<!tpu.dma_semaphore, #tpu.memory_space<semaphore_mem>>) {add = true}
      %dma_wait3A = arith.constant 0 : i32
      %dma_wait3A_53 = arith.constant 0 : i32
      %dma_wait3A_54 = tpu.memref_slice %arg7[%run_scoped3A_34, %dma_wait3A, %dma_wait3A_53] : memref<20x128x32xf32, #tpu.memory_space<vmem>> -> memref<1x128x32xf32, #tpu.memory_space<vmem>>
      %dma_wait3A_55 = tpu.memref_squeeze %dma_wait3A_54 : memref<1x128x32xf32, #tpu.memory_space<vmem>> -> memref<128x32xf32, #tpu.memory_space<vmem>>
      %dma_wait3A_56 = arith.constant 0 : i32
      %dma_wait3A_57 = tpu.memref_slice %arg6[%run_scoped3A_35, %dma_wait3A_56] : memref<20x128xi32, #tpu.memory_space<vmem>> -> memref<1x128xi32, #tpu.memory_space<vmem>>
      %dma_wait3A_58 = tpu.memref_squeeze %dma_wait3A_57 : memref<1x128xi32, #tpu.memory_space<vmem>> -> memref<128xi32, #tpu.memory_space<vmem>>
      %dma_wait3A_59 = arith.constant 0 : i32
      %dma_wait3A_60 = arith.constant 0 : i32
      %dma_wait3A_61 = tpu.memref_slice %arg8[%dma_wait3A_59, %dma_wait3A_60] : memref<10752x32xf32, #tpu.memory_space<vmem_shared>> -> memref<10752x32xf32, #tpu.memory_space<vmem_shared>>
      tpu.wait_indirect_dma semaphore(%run_scoped3A_43 : memref<!tpu.dma_semaphore, #tpu.memory_space<semaphore_mem>>) src(%dma_wait3A_55 : memref<128x32xf32, #tpu.memory_space<vmem>>) dst(%dma_wait3A_61 : memref<10752x32xf32, #tpu.memory_space<vmem_shared>>)
      tpu.yield
    }) : () -> ()
    %run_scoped3A_36 = arith.constant 17 : i32
    %run_scoped3A_37 = arith.constant 17 : i32
    "tpu.region"() ({
      %run_scoped3A_43 = tpu.sem_alloc : memref<!tpu.dma_semaphore, #tpu.memory_space<semaphore_mem>>
      %dma_start3A = arith.constant 0 : i32
      %dma_start3A_44 = arith.constant 0 : i32
      %dma_start3A_45 = tpu.memref_slice %arg7[%run_scoped3A_36, %dma_start3A, %dma_start3A_44] : memref<20x128x32xf32, #tpu.memory_space<vmem>> -> memref<1x128x32xf32, #tpu.memory_space<vmem>>
      %dma_start3A_46 = tpu.memref_squeeze %dma_start3A_45 : memref<1x128x32xf32, #tpu.memory_space<vmem>> -> memref<128x32xf32, #tpu.memory_space<vmem>>
      %dma_start3A_47 = arith.constant 0 : i32
      %dma_start3A_48 = tpu.memref_slice %arg6[%run_scoped3A_37, %dma_start3A_47] : memref<20x128xi32, #tpu.memory_space<vmem>> -> memref<1x128xi32, #tpu.memory_space<vmem>>
      %dma_start3A_49 = tpu.memref_squeeze %dma_start3A_48 : memref<1x128xi32, #tpu.memory_space<vmem>> -> memref<128xi32, #tpu.memory_space<vmem>>
      %dma_start3A_50 = arith.constant 0 : i32
      %dma_start3A_51 = arith.constant 0 : i32
      %dma_start3A_52 = tpu.memref_slice %arg8[%dma_start3A_50, %dma_start3A_51] : memref<10752x32xf32, #tpu.memory_space<vmem_shared>> -> memref<10752x32xf32, #tpu.memory_space<vmem_shared>>
      tpu.enqueue_indirect_dma source(%dma_start3A_46 : memref<128x32xf32, #tpu.memory_space<vmem>>) target(%dma_start3A_52 : memref<10752x32xf32, #tpu.memory_space<vmem_shared>>) offsets(%dma_start3A_49 : memref<128xi32, #tpu.memory_space<vmem>>) semaphore(%run_scoped3A_43 : memref<!tpu.dma_semaphore, #tpu.memory_space<semaphore_mem>>) {add = true}
      %dma_wait3A = arith.constant 0 : i32
      %dma_wait3A_53 = arith.constant 0 : i32
      %dma_wait3A_54 = tpu.memref_slice %arg7[%run_scoped3A_36, %dma_wait3A, %dma_wait3A_53] : memref<20x128x32xf32, #tpu.memory_space<vmem>> -> memref<1x128x32xf32, #tpu.memory_space<vmem>>
      %dma_wait3A_55 = tpu.memref_squeeze %dma_wait3A_54 : memref<1x128x32xf32, #tpu.memory_space<vmem>> -> memref<128x32xf32, #tpu.memory_space<vmem>>
      %dma_wait3A_56 = arith.constant 0 : i32
      %dma_wait3A_57 = tpu.memref_slice %arg6[%run_scoped3A_37, %dma_wait3A_56] : memref<20x128xi32, #tpu.memory_space<vmem>> -> memref<1x128xi32, #tpu.memory_space<vmem>>
      %dma_wait3A_58 = tpu.memref_squeeze %dma_wait3A_57 : memref<1x128xi32, #tpu.memory_space<vmem>> -> memref<128xi32, #tpu.memory_space<vmem>>
      %dma_wait3A_59 = arith.constant 0 : i32
      %dma_wait3A_60 = arith.constant 0 : i32
      %dma_wait3A_61 = tpu.memref_slice %arg8[%dma_wait3A_59, %dma_wait3A_60] : memref<10752x32xf32, #tpu.memory_space<vmem_shared>> -> memref<10752x32xf32, #tpu.memory_space<vmem_shared>>
      tpu.wait_indirect_dma semaphore(%run_scoped3A_43 : memref<!tpu.dma_semaphore, #tpu.memory_space<semaphore_mem>>) src(%dma_wait3A_55 : memref<128x32xf32, #tpu.memory_space<vmem>>) dst(%dma_wait3A_61 : memref<10752x32xf32, #tpu.memory_space<vmem_shared>>)
      tpu.yield
    }) : () -> ()
    %run_scoped3A_38 = arith.constant 18 : i32
    %run_scoped3A_39 = arith.constant 18 : i32
    "tpu.region"() ({
      %run_scoped3A_43 = tpu.sem_alloc : memref<!tpu.dma_semaphore, #tpu.memory_space<semaphore_mem>>
      %dma_start3A = arith.constant 0 : i32
      %dma_start3A_44 = arith.constant 0 : i32
      %dma_start3A_45 = tpu.memref_slice %arg7[%run_scoped3A_38, %dma_start3A, %dma_start3A_44] : memref<20x128x32xf32, #tpu.memory_space<vmem>> -> memref<1x128x32xf32, #tpu.memory_space<vmem>>
      %dma_start3A_46 = tpu.memref_squeeze %dma_start3A_45 : memref<1x128x32xf32, #tpu.memory_space<vmem>> -> memref<128x32xf32, #tpu.memory_space<vmem>>
      %dma_start3A_47 = arith.constant 0 : i32
      %dma_start3A_48 = tpu.memref_slice %arg6[%run_scoped3A_39, %dma_start3A_47] : memref<20x128xi32, #tpu.memory_space<vmem>> -> memref<1x128xi32, #tpu.memory_space<vmem>>
      %dma_start3A_49 = tpu.memref_squeeze %dma_start3A_48 : memref<1x128xi32, #tpu.memory_space<vmem>> -> memref<128xi32, #tpu.memory_space<vmem>>
      %dma_start3A_50 = arith.constant 0 : i32
      %dma_start3A_51 = arith.constant 0 : i32
      %dma_start3A_52 = tpu.memref_slice %arg8[%dma_start3A_50, %dma_start3A_51] : memref<10752x32xf32, #tpu.memory_space<vmem_shared>> -> memref<10752x32xf32, #tpu.memory_space<vmem_shared>>
      tpu.enqueue_indirect_dma source(%dma_start3A_46 : memref<128x32xf32, #tpu.memory_space<vmem>>) target(%dma_start3A_52 : memref<10752x32xf32, #tpu.memory_space<vmem_shared>>) offsets(%dma_start3A_49 : memref<128xi32, #tpu.memory_space<vmem>>) semaphore(%run_scoped3A_43 : memref<!tpu.dma_semaphore, #tpu.memory_space<semaphore_mem>>) {add = true}
      %dma_wait3A = arith.constant 0 : i32
      %dma_wait3A_53 = arith.constant 0 : i32
      %dma_wait3A_54 = tpu.memref_slice %arg7[%run_scoped3A_38, %dma_wait3A, %dma_wait3A_53] : memref<20x128x32xf32, #tpu.memory_space<vmem>> -> memref<1x128x32xf32, #tpu.memory_space<vmem>>
      %dma_wait3A_55 = tpu.memref_squeeze %dma_wait3A_54 : memref<1x128x32xf32, #tpu.memory_space<vmem>> -> memref<128x32xf32, #tpu.memory_space<vmem>>
      %dma_wait3A_56 = arith.constant 0 : i32
      %dma_wait3A_57 = tpu.memref_slice %arg6[%run_scoped3A_39, %dma_wait3A_56] : memref<20x128xi32, #tpu.memory_space<vmem>> -> memref<1x128xi32, #tpu.memory_space<vmem>>
      %dma_wait3A_58 = tpu.memref_squeeze %dma_wait3A_57 : memref<1x128xi32, #tpu.memory_space<vmem>> -> memref<128xi32, #tpu.memory_space<vmem>>
      %dma_wait3A_59 = arith.constant 0 : i32
      %dma_wait3A_60 = arith.constant 0 : i32
      %dma_wait3A_61 = tpu.memref_slice %arg8[%dma_wait3A_59, %dma_wait3A_60] : memref<10752x32xf32, #tpu.memory_space<vmem_shared>> -> memref<10752x32xf32, #tpu.memory_space<vmem_shared>>
      tpu.wait_indirect_dma semaphore(%run_scoped3A_43 : memref<!tpu.dma_semaphore, #tpu.memory_space<semaphore_mem>>) src(%dma_wait3A_55 : memref<128x32xf32, #tpu.memory_space<vmem>>) dst(%dma_wait3A_61 : memref<10752x32xf32, #tpu.memory_space<vmem_shared>>)
      tpu.yield
    }) : () -> ()
    %run_scoped3A_40 = arith.constant 19 : i32
    %run_scoped3A_41 = arith.constant 19 : i32
    "tpu.region"() ({
      %run_scoped3A_43 = tpu.sem_alloc : memref<!tpu.dma_semaphore, #tpu.memory_space<semaphore_mem>>
      %dma_start3A = arith.constant 0 : i32
      %dma_start3A_44 = arith.constant 0 : i32
      %dma_start3A_45 = tpu.memref_slice %arg7[%run_scoped3A_40, %dma_start3A, %dma_start3A_44] : memref<20x128x32xf32, #tpu.memory_space<vmem>> -> memref<1x128x32xf32, #tpu.memory_space<vmem>>
      %dma_start3A_46 = tpu.memref_squeeze %dma_start3A_45 : memref<1x128x32xf32, #tpu.memory_space<vmem>> -> memref<128x32xf32, #tpu.memory_space<vmem>>
      %dma_start3A_47 = arith.constant 0 : i32
      %dma_start3A_48 = tpu.memref_slice %arg6[%run_scoped3A_41, %dma_start3A_47] : memref<20x128xi32, #tpu.memory_space<vmem>> -> memref<1x128xi32, #tpu.memory_space<vmem>>
      %dma_start3A_49 = tpu.memref_squeeze %dma_start3A_48 : memref<1x128xi32, #tpu.memory_space<vmem>> -> memref<128xi32, #tpu.memory_space<vmem>>
      %dma_start3A_50 = arith.constant 0 : i32
      %dma_start3A_51 = arith.constant 0 : i32
      %dma_start3A_52 = tpu.memref_slice %arg8[%dma_start3A_50, %dma_start3A_51] : memref<10752x32xf32, #tpu.memory_space<vmem_shared>> -> memref<10752x32xf32, #tpu.memory_space<vmem_shared>>
      tpu.enqueue_indirect_dma source(%dma_start3A_46 : memref<128x32xf32, #tpu.memory_space<vmem>>) target(%dma_start3A_52 : memref<10752x32xf32, #tpu.memory_space<vmem_shared>>) offsets(%dma_start3A_49 : memref<128xi32, #tpu.memory_space<vmem>>) semaphore(%run_scoped3A_43 : memref<!tpu.dma_semaphore, #tpu.memory_space<semaphore_mem>>) {add = true}
      %dma_wait3A = arith.constant 0 : i32
      %dma_wait3A_53 = arith.constant 0 : i32
      %dma_wait3A_54 = tpu.memref_slice %arg7[%run_scoped3A_40, %dma_wait3A, %dma_wait3A_53] : memref<20x128x32xf32, #tpu.memory_space<vmem>> -> memref<1x128x32xf32, #tpu.memory_space<vmem>>
      %dma_wait3A_55 = tpu.memref_squeeze %dma_wait3A_54 : memref<1x128x32xf32, #tpu.memory_space<vmem>> -> memref<128x32xf32, #tpu.memory_space<vmem>>
      %dma_wait3A_56 = arith.constant 0 : i32
      %dma_wait3A_57 = tpu.memref_slice %arg6[%run_scoped3A_41, %dma_wait3A_56] : memref<20x128xi32, #tpu.memory_space<vmem>> -> memref<1x128xi32, #tpu.memory_space<vmem>>
      %dma_wait3A_58 = tpu.memref_squeeze %dma_wait3A_57 : memref<1x128xi32, #tpu.memory_space<vmem>> -> memref<128xi32, #tpu.memory_space<vmem>>
      %dma_wait3A_59 = arith.constant 0 : i32
      %dma_wait3A_60 = arith.constant 0 : i32
      %dma_wait3A_61 = tpu.memref_slice %arg8[%dma_wait3A_59, %dma_wait3A_60] : memref<10752x32xf32, #tpu.memory_space<vmem_shared>> -> memref<10752x32xf32, #tpu.memory_space<vmem_shared>>
      tpu.wait_indirect_dma semaphore(%run_scoped3A_43 : memref<!tpu.dma_semaphore, #tpu.memory_space<semaphore_mem>>) src(%dma_wait3A_55 : memref<128x32xf32, #tpu.memory_space<vmem>>) dst(%dma_wait3A_61 : memref<10752x32xf32, #tpu.memory_space<vmem_shared>>)
      tpu.yield
    }) : () -> ()
    %barrier3A_42 = arith.constant 0 : index
    tpu.barrier barrier_id(%barrier3A_42)
    "tpu.region"() ({
      %run_scoped3A_43 = tpu.sem_alloc : memref<!tpu.dma_semaphore, #tpu.memory_space<semaphore_mem>>
      %dma_start3A = arith.constant 0 : i32
      %dma_start3A_44 = tpu.memref_slice %arg5[%arg0, %mul3A_2, %dma_start3A] : memref<2x10752x32xf32, #tpu.memory_space<hbm>> -> memref<1x672x32xf32, #tpu.memory_space<hbm>>
      %dma_start3A_45 = tpu.memref_squeeze %dma_start3A_44 : memref<1x672x32xf32, #tpu.memory_space<hbm>> -> memref<672x32xf32, #tpu.memory_space<hbm>>
      %dma_start3A_46 = arith.constant 0 : i32
      %dma_start3A_47 = tpu.memref_slice %arg8[%mul3A_2, %dma_start3A_46] : memref<10752x32xf32, #tpu.memory_space<vmem_shared>> -> memref<672x32xf32, #tpu.memory_space<vmem_shared>>
      tpu.enqueue_dma source(%dma_start3A_47 : memref<672x32xf32, #tpu.memory_space<vmem_shared>>) target(%dma_start3A_45 : memref<672x32xf32, #tpu.memory_space<hbm>>) target_semaphore(%run_scoped3A_43 : memref<!tpu.dma_semaphore, #tpu.memory_space<semaphore_mem>>)
      %dma_wait3A = arith.constant 0 : i32
      %dma_wait3A_48 = tpu.memref_slice %arg5[%arg0, %mul3A_2, %dma_wait3A] : memref<2x10752x32xf32, #tpu.memory_space<hbm>> -> memref<1x672x32xf32, #tpu.memory_space<hbm>>
      %dma_wait3A_49 = tpu.memref_squeeze %dma_wait3A_48 : memref<1x672x32xf32, #tpu.memory_space<hbm>> -> memref<672x32xf32, #tpu.memory_space<hbm>>
      %dma_wait3A_50 = arith.constant 0 : i32
      %dma_wait3A_51 = tpu.memref_slice %arg8[%mul3A_2, %dma_wait3A_50] : memref<10752x32xf32, #tpu.memory_space<vmem_shared>> -> memref<672x32xf32, #tpu.memory_space<vmem_shared>>
      tpu.wait_dma2 semaphore(%run_scoped3A_43 : memref<!tpu.dma_semaphore, #tpu.memory_space<semaphore_mem>>) src(%dma_wait3A_51 : memref<672x32xf32, #tpu.memory_space<vmem_shared>>) dst(%dma_wait3A_49 : memref<672x32xf32, #tpu.memory_space<hbm>>)
      tpu.yield
    }) : () -> ()
    return
  }
}

module attributes {stable_mosaic.version = 14 : i64} {
  func.func @_msgs_body(%arg0: i32, %arg1: memref<16x512xf32, #tpu.memory_space<vmem>>, %arg2: memref<512x32xf32, #tpu.memory_space<vmem>>, %arg3: memref<1024x16xf32, #tpu.memory_space<vmem>>, %arg4: memref<1024x1xf32, #tpu.memory_space<vmem>>, %arg5: memref<512x32xf32, #tpu.memory_space<vmem>>) attributes {dimension_semantics = [#tpu.dimension_semantics<arbitrary>], iteration_bounds = array<i64: 160>, scalar_prefetch = 0 : i64, scratch_operands = 0 : i64, tpu.core_type = #tpu.core_type<tc>, window_params = [{transform_indices = @transform_0, window_bounds = array<i64: 16, 512>}, {transform_indices = @transform_1, window_bounds = array<i64: 512, 32>}, {pipeline_mode = #tpu.pipeline_mode<synchronous>, transform_indices = @transform_2, window_bounds = array<i64: 1024, 16>}, {pipeline_mode = #tpu.pipeline_mode<synchronous>, transform_indices = @transform_3, window_bounds = array<i64: 1024, 1>}, {transform_indices = @transform_4, window_bounds = array<i64: 512, 32>}]} {
    %get3A = arith.constant 0 : index
    %get3A_0 = arith.constant 0 : index
    %get3A_1 = vector.load %arg3[%get3A, %get3A_0] : memref<1024x16xf32, #tpu.memory_space<vmem>>, vector<1024x16xf32>
    %get3A_2 = arith.constant 0 : index
    %get3A_3 = arith.constant 0 : index
    %get3A_4 = vector.load %arg1[%get3A_2, %get3A_3] : memref<16x512xf32, #tpu.memory_space<vmem>>, vector<16x512xf32>
    %dot_general3A = arith.constant dense<0.000000e+00> : vector<1024x512xf32>
    %dot_general3A_5 = tpu.matmul %get3A_1, %get3A_4, %dot_general3A {dimension_numbers = #tpu.dot_dimension_numbers<[1], [0], [0], [1], [0, 0, 1, 1], [], []>, transpose_lhs_hint = false} : vector<1024x16xf32>, vector<16x512xf32>, vector<1024x512xf32> -> vector<1024x512xf32>
    %get3A_6 = arith.constant 0 : index
    %get3A_7 = arith.constant 0 : index
    %get3A_8 = vector.load %arg4[%get3A_6, %get3A_7] : memref<1024x1xf32, #tpu.memory_space<vmem>>, vector<1024x1xf32>
    %add3A = vector.broadcast %get3A_8 : vector<1024x1xf32> to vector<1024x512xf32>
    %add3A_9 = arith.addf %dot_general3A_5, %add3A : vector<1024x512xf32>
    %max3A = arith.constant 0.000000e+00 : f32
    %max3A_10 = vector.broadcast %max3A : f32 to vector<1024x512xf32>
    %max3A_11 = arith.maximumf %add3A_9, %max3A_10 : vector<1024x512xf32>
    %get3A_12 = arith.constant 0 : index
    %get3A_13 = arith.constant 0 : index
    %get3A_14 = vector.load %arg2[%get3A_12, %get3A_13] : memref<512x32xf32, #tpu.memory_space<vmem>>, vector<512x32xf32>
    %transpose3A = tpu.transpose %get3A_14, [1, 0] : vector<512x32xf32> -> vector<32x512xf32>
    %slice3A = vector.extract_strided_slice %transpose3A {offsets = [0, 0], sizes = [1, 512], strides = [1, 1]} : vector<32x512xf32> to vector<1x512xf32>
    %slice3A_15 = vector.extract_strided_slice %max3A_11 {offsets = [0, 0], sizes = [32, 512], strides = [1, 1]} : vector<1024x512xf32> to vector<32x512xf32>
    %mul3A = vector.broadcast %slice3A : vector<1x512xf32> to vector<32x512xf32>
    %mul3A_16 = arith.mulf %mul3A, %slice3A_15 : vector<32x512xf32>
    %slice3A_17 = vector.extract_strided_slice %transpose3A {offsets = [1, 0], sizes = [1, 512], strides = [1, 1]} : vector<32x512xf32> to vector<1x512xf32>
    %slice3A_18 = vector.extract_strided_slice %max3A_11 {offsets = [32, 0], sizes = [32, 512], strides = [1, 1]} : vector<1024x512xf32> to vector<32x512xf32>
    %mul3A_19 = vector.broadcast %slice3A_17 : vector<1x512xf32> to vector<32x512xf32>
    %mul3A_20 = arith.mulf %mul3A_19, %slice3A_18 : vector<32x512xf32>
    %add3A_21 = arith.addf %mul3A_16, %mul3A_20 : vector<32x512xf32>
    %slice3A_22 = vector.extract_strided_slice %transpose3A {offsets = [2, 0], sizes = [1, 512], strides = [1, 1]} : vector<32x512xf32> to vector<1x512xf32>
    %slice3A_23 = vector.extract_strided_slice %max3A_11 {offsets = [64, 0], sizes = [32, 512], strides = [1, 1]} : vector<1024x512xf32> to vector<32x512xf32>
    %mul3A_24 = vector.broadcast %slice3A_22 : vector<1x512xf32> to vector<32x512xf32>
    %mul3A_25 = arith.mulf %mul3A_24, %slice3A_23 : vector<32x512xf32>
    %add3A_26 = arith.addf %add3A_21, %mul3A_25 : vector<32x512xf32>
    %slice3A_27 = vector.extract_strided_slice %transpose3A {offsets = [3, 0], sizes = [1, 512], strides = [1, 1]} : vector<32x512xf32> to vector<1x512xf32>
    %slice3A_28 = vector.extract_strided_slice %max3A_11 {offsets = [96, 0], sizes = [32, 512], strides = [1, 1]} : vector<1024x512xf32> to vector<32x512xf32>
    %mul3A_29 = vector.broadcast %slice3A_27 : vector<1x512xf32> to vector<32x512xf32>
    %mul3A_30 = arith.mulf %mul3A_29, %slice3A_28 : vector<32x512xf32>
    %add3A_31 = arith.addf %add3A_26, %mul3A_30 : vector<32x512xf32>
    %slice3A_32 = vector.extract_strided_slice %transpose3A {offsets = [4, 0], sizes = [1, 512], strides = [1, 1]} : vector<32x512xf32> to vector<1x512xf32>
    %slice3A_33 = vector.extract_strided_slice %max3A_11 {offsets = [128, 0], sizes = [32, 512], strides = [1, 1]} : vector<1024x512xf32> to vector<32x512xf32>
    %mul3A_34 = vector.broadcast %slice3A_32 : vector<1x512xf32> to vector<32x512xf32>
    %mul3A_35 = arith.mulf %mul3A_34, %slice3A_33 : vector<32x512xf32>
    %add3A_36 = arith.addf %add3A_31, %mul3A_35 : vector<32x512xf32>
    %slice3A_37 = vector.extract_strided_slice %transpose3A {offsets = [5, 0], sizes = [1, 512], strides = [1, 1]} : vector<32x512xf32> to vector<1x512xf32>
    %slice3A_38 = vector.extract_strided_slice %max3A_11 {offsets = [160, 0], sizes = [32, 512], strides = [1, 1]} : vector<1024x512xf32> to vector<32x512xf32>
    %mul3A_39 = vector.broadcast %slice3A_37 : vector<1x512xf32> to vector<32x512xf32>
    %mul3A_40 = arith.mulf %mul3A_39, %slice3A_38 : vector<32x512xf32>
    %add3A_41 = arith.addf %add3A_36, %mul3A_40 : vector<32x512xf32>
    %slice3A_42 = vector.extract_strided_slice %transpose3A {offsets = [6, 0], sizes = [1, 512], strides = [1, 1]} : vector<32x512xf32> to vector<1x512xf32>
    %slice3A_43 = vector.extract_strided_slice %max3A_11 {offsets = [192, 0], sizes = [32, 512], strides = [1, 1]} : vector<1024x512xf32> to vector<32x512xf32>
    %mul3A_44 = vector.broadcast %slice3A_42 : vector<1x512xf32> to vector<32x512xf32>
    %mul3A_45 = arith.mulf %mul3A_44, %slice3A_43 : vector<32x512xf32>
    %add3A_46 = arith.addf %add3A_41, %mul3A_45 : vector<32x512xf32>
    %slice3A_47 = vector.extract_strided_slice %transpose3A {offsets = [7, 0], sizes = [1, 512], strides = [1, 1]} : vector<32x512xf32> to vector<1x512xf32>
    %slice3A_48 = vector.extract_strided_slice %max3A_11 {offsets = [224, 0], sizes = [32, 512], strides = [1, 1]} : vector<1024x512xf32> to vector<32x512xf32>
    %mul3A_49 = vector.broadcast %slice3A_47 : vector<1x512xf32> to vector<32x512xf32>
    %mul3A_50 = arith.mulf %mul3A_49, %slice3A_48 : vector<32x512xf32>
    %add3A_51 = arith.addf %add3A_46, %mul3A_50 : vector<32x512xf32>
    %slice3A_52 = vector.extract_strided_slice %transpose3A {offsets = [8, 0], sizes = [1, 512], strides = [1, 1]} : vector<32x512xf32> to vector<1x512xf32>
    %slice3A_53 = vector.extract_strided_slice %max3A_11 {offsets = [256, 0], sizes = [32, 512], strides = [1, 1]} : vector<1024x512xf32> to vector<32x512xf32>
    %mul3A_54 = vector.broadcast %slice3A_52 : vector<1x512xf32> to vector<32x512xf32>
    %mul3A_55 = arith.mulf %mul3A_54, %slice3A_53 : vector<32x512xf32>
    %add3A_56 = arith.addf %add3A_51, %mul3A_55 : vector<32x512xf32>
    %slice3A_57 = vector.extract_strided_slice %transpose3A {offsets = [9, 0], sizes = [1, 512], strides = [1, 1]} : vector<32x512xf32> to vector<1x512xf32>
    %slice3A_58 = vector.extract_strided_slice %max3A_11 {offsets = [288, 0], sizes = [32, 512], strides = [1, 1]} : vector<1024x512xf32> to vector<32x512xf32>
    %mul3A_59 = vector.broadcast %slice3A_57 : vector<1x512xf32> to vector<32x512xf32>
    %mul3A_60 = arith.mulf %mul3A_59, %slice3A_58 : vector<32x512xf32>
    %add3A_61 = arith.addf %add3A_56, %mul3A_60 : vector<32x512xf32>
    %slice3A_62 = vector.extract_strided_slice %transpose3A {offsets = [10, 0], sizes = [1, 512], strides = [1, 1]} : vector<32x512xf32> to vector<1x512xf32>
    %slice3A_63 = vector.extract_strided_slice %max3A_11 {offsets = [320, 0], sizes = [32, 512], strides = [1, 1]} : vector<1024x512xf32> to vector<32x512xf32>
    %mul3A_64 = vector.broadcast %slice3A_62 : vector<1x512xf32> to vector<32x512xf32>
    %mul3A_65 = arith.mulf %mul3A_64, %slice3A_63 : vector<32x512xf32>
    %add3A_66 = arith.addf %add3A_61, %mul3A_65 : vector<32x512xf32>
    %slice3A_67 = vector.extract_strided_slice %transpose3A {offsets = [11, 0], sizes = [1, 512], strides = [1, 1]} : vector<32x512xf32> to vector<1x512xf32>
    %slice3A_68 = vector.extract_strided_slice %max3A_11 {offsets = [352, 0], sizes = [32, 512], strides = [1, 1]} : vector<1024x512xf32> to vector<32x512xf32>
    %mul3A_69 = vector.broadcast %slice3A_67 : vector<1x512xf32> to vector<32x512xf32>
    %mul3A_70 = arith.mulf %mul3A_69, %slice3A_68 : vector<32x512xf32>
    %add3A_71 = arith.addf %add3A_66, %mul3A_70 : vector<32x512xf32>
    %slice3A_72 = vector.extract_strided_slice %transpose3A {offsets = [12, 0], sizes = [1, 512], strides = [1, 1]} : vector<32x512xf32> to vector<1x512xf32>
    %slice3A_73 = vector.extract_strided_slice %max3A_11 {offsets = [384, 0], sizes = [32, 512], strides = [1, 1]} : vector<1024x512xf32> to vector<32x512xf32>
    %mul3A_74 = vector.broadcast %slice3A_72 : vector<1x512xf32> to vector<32x512xf32>
    %mul3A_75 = arith.mulf %mul3A_74, %slice3A_73 : vector<32x512xf32>
    %add3A_76 = arith.addf %add3A_71, %mul3A_75 : vector<32x512xf32>
    %slice3A_77 = vector.extract_strided_slice %transpose3A {offsets = [13, 0], sizes = [1, 512], strides = [1, 1]} : vector<32x512xf32> to vector<1x512xf32>
    %slice3A_78 = vector.extract_strided_slice %max3A_11 {offsets = [416, 0], sizes = [32, 512], strides = [1, 1]} : vector<1024x512xf32> to vector<32x512xf32>
    %mul3A_79 = vector.broadcast %slice3A_77 : vector<1x512xf32> to vector<32x512xf32>
    %mul3A_80 = arith.mulf %mul3A_79, %slice3A_78 : vector<32x512xf32>
    %add3A_81 = arith.addf %add3A_76, %mul3A_80 : vector<32x512xf32>
    %slice3A_82 = vector.extract_strided_slice %transpose3A {offsets = [14, 0], sizes = [1, 512], strides = [1, 1]} : vector<32x512xf32> to vector<1x512xf32>
    %slice3A_83 = vector.extract_strided_slice %max3A_11 {offsets = [448, 0], sizes = [32, 512], strides = [1, 1]} : vector<1024x512xf32> to vector<32x512xf32>
    %mul3A_84 = vector.broadcast %slice3A_82 : vector<1x512xf32> to vector<32x512xf32>
    %mul3A_85 = arith.mulf %mul3A_84, %slice3A_83 : vector<32x512xf32>
    %add3A_86 = arith.addf %add3A_81, %mul3A_85 : vector<32x512xf32>
    %slice3A_87 = vector.extract_strided_slice %transpose3A {offsets = [15, 0], sizes = [1, 512], strides = [1, 1]} : vector<32x512xf32> to vector<1x512xf32>
    %slice3A_88 = vector.extract_strided_slice %max3A_11 {offsets = [480, 0], sizes = [32, 512], strides = [1, 1]} : vector<1024x512xf32> to vector<32x512xf32>
    %mul3A_89 = vector.broadcast %slice3A_87 : vector<1x512xf32> to vector<32x512xf32>
    %mul3A_90 = arith.mulf %mul3A_89, %slice3A_88 : vector<32x512xf32>
    %add3A_91 = arith.addf %add3A_86, %mul3A_90 : vector<32x512xf32>
    %slice3A_92 = vector.extract_strided_slice %transpose3A {offsets = [16, 0], sizes = [1, 512], strides = [1, 1]} : vector<32x512xf32> to vector<1x512xf32>
    %slice3A_93 = vector.extract_strided_slice %max3A_11 {offsets = [512, 0], sizes = [32, 512], strides = [1, 1]} : vector<1024x512xf32> to vector<32x512xf32>
    %mul3A_94 = vector.broadcast %slice3A_92 : vector<1x512xf32> to vector<32x512xf32>
    %mul3A_95 = arith.mulf %mul3A_94, %slice3A_93 : vector<32x512xf32>
    %add3A_96 = arith.addf %add3A_91, %mul3A_95 : vector<32x512xf32>
    %slice3A_97 = vector.extract_strided_slice %transpose3A {offsets = [17, 0], sizes = [1, 512], strides = [1, 1]} : vector<32x512xf32> to vector<1x512xf32>
    %slice3A_98 = vector.extract_strided_slice %max3A_11 {offsets = [544, 0], sizes = [32, 512], strides = [1, 1]} : vector<1024x512xf32> to vector<32x512xf32>
    %mul3A_99 = vector.broadcast %slice3A_97 : vector<1x512xf32> to vector<32x512xf32>
    %mul3A_100 = arith.mulf %mul3A_99, %slice3A_98 : vector<32x512xf32>
    %add3A_101 = arith.addf %add3A_96, %mul3A_100 : vector<32x512xf32>
    %slice3A_102 = vector.extract_strided_slice %transpose3A {offsets = [18, 0], sizes = [1, 512], strides = [1, 1]} : vector<32x512xf32> to vector<1x512xf32>
    %slice3A_103 = vector.extract_strided_slice %max3A_11 {offsets = [576, 0], sizes = [32, 512], strides = [1, 1]} : vector<1024x512xf32> to vector<32x512xf32>
    %mul3A_104 = vector.broadcast %slice3A_102 : vector<1x512xf32> to vector<32x512xf32>
    %mul3A_105 = arith.mulf %mul3A_104, %slice3A_103 : vector<32x512xf32>
    %add3A_106 = arith.addf %add3A_101, %mul3A_105 : vector<32x512xf32>
    %slice3A_107 = vector.extract_strided_slice %transpose3A {offsets = [19, 0], sizes = [1, 512], strides = [1, 1]} : vector<32x512xf32> to vector<1x512xf32>
    %slice3A_108 = vector.extract_strided_slice %max3A_11 {offsets = [608, 0], sizes = [32, 512], strides = [1, 1]} : vector<1024x512xf32> to vector<32x512xf32>
    %mul3A_109 = vector.broadcast %slice3A_107 : vector<1x512xf32> to vector<32x512xf32>
    %mul3A_110 = arith.mulf %mul3A_109, %slice3A_108 : vector<32x512xf32>
    %add3A_111 = arith.addf %add3A_106, %mul3A_110 : vector<32x512xf32>
    %slice3A_112 = vector.extract_strided_slice %transpose3A {offsets = [20, 0], sizes = [1, 512], strides = [1, 1]} : vector<32x512xf32> to vector<1x512xf32>
    %slice3A_113 = vector.extract_strided_slice %max3A_11 {offsets = [640, 0], sizes = [32, 512], strides = [1, 1]} : vector<1024x512xf32> to vector<32x512xf32>
    %mul3A_114 = vector.broadcast %slice3A_112 : vector<1x512xf32> to vector<32x512xf32>
    %mul3A_115 = arith.mulf %mul3A_114, %slice3A_113 : vector<32x512xf32>
    %add3A_116 = arith.addf %add3A_111, %mul3A_115 : vector<32x512xf32>
    %slice3A_117 = vector.extract_strided_slice %transpose3A {offsets = [21, 0], sizes = [1, 512], strides = [1, 1]} : vector<32x512xf32> to vector<1x512xf32>
    %slice3A_118 = vector.extract_strided_slice %max3A_11 {offsets = [672, 0], sizes = [32, 512], strides = [1, 1]} : vector<1024x512xf32> to vector<32x512xf32>
    %mul3A_119 = vector.broadcast %slice3A_117 : vector<1x512xf32> to vector<32x512xf32>
    %mul3A_120 = arith.mulf %mul3A_119, %slice3A_118 : vector<32x512xf32>
    %add3A_121 = arith.addf %add3A_116, %mul3A_120 : vector<32x512xf32>
    %slice3A_122 = vector.extract_strided_slice %transpose3A {offsets = [22, 0], sizes = [1, 512], strides = [1, 1]} : vector<32x512xf32> to vector<1x512xf32>
    %slice3A_123 = vector.extract_strided_slice %max3A_11 {offsets = [704, 0], sizes = [32, 512], strides = [1, 1]} : vector<1024x512xf32> to vector<32x512xf32>
    %mul3A_124 = vector.broadcast %slice3A_122 : vector<1x512xf32> to vector<32x512xf32>
    %mul3A_125 = arith.mulf %mul3A_124, %slice3A_123 : vector<32x512xf32>
    %add3A_126 = arith.addf %add3A_121, %mul3A_125 : vector<32x512xf32>
    %slice3A_127 = vector.extract_strided_slice %transpose3A {offsets = [23, 0], sizes = [1, 512], strides = [1, 1]} : vector<32x512xf32> to vector<1x512xf32>
    %slice3A_128 = vector.extract_strided_slice %max3A_11 {offsets = [736, 0], sizes = [32, 512], strides = [1, 1]} : vector<1024x512xf32> to vector<32x512xf32>
    %mul3A_129 = vector.broadcast %slice3A_127 : vector<1x512xf32> to vector<32x512xf32>
    %mul3A_130 = arith.mulf %mul3A_129, %slice3A_128 : vector<32x512xf32>
    %add3A_131 = arith.addf %add3A_126, %mul3A_130 : vector<32x512xf32>
    %slice3A_132 = vector.extract_strided_slice %transpose3A {offsets = [24, 0], sizes = [1, 512], strides = [1, 1]} : vector<32x512xf32> to vector<1x512xf32>
    %slice3A_133 = vector.extract_strided_slice %max3A_11 {offsets = [768, 0], sizes = [32, 512], strides = [1, 1]} : vector<1024x512xf32> to vector<32x512xf32>
    %mul3A_134 = vector.broadcast %slice3A_132 : vector<1x512xf32> to vector<32x512xf32>
    %mul3A_135 = arith.mulf %mul3A_134, %slice3A_133 : vector<32x512xf32>
    %add3A_136 = arith.addf %add3A_131, %mul3A_135 : vector<32x512xf32>
    %slice3A_137 = vector.extract_strided_slice %transpose3A {offsets = [25, 0], sizes = [1, 512], strides = [1, 1]} : vector<32x512xf32> to vector<1x512xf32>
    %slice3A_138 = vector.extract_strided_slice %max3A_11 {offsets = [800, 0], sizes = [32, 512], strides = [1, 1]} : vector<1024x512xf32> to vector<32x512xf32>
    %mul3A_139 = vector.broadcast %slice3A_137 : vector<1x512xf32> to vector<32x512xf32>
    %mul3A_140 = arith.mulf %mul3A_139, %slice3A_138 : vector<32x512xf32>
    %add3A_141 = arith.addf %add3A_136, %mul3A_140 : vector<32x512xf32>
    %slice3A_142 = vector.extract_strided_slice %transpose3A {offsets = [26, 0], sizes = [1, 512], strides = [1, 1]} : vector<32x512xf32> to vector<1x512xf32>
    %slice3A_143 = vector.extract_strided_slice %max3A_11 {offsets = [832, 0], sizes = [32, 512], strides = [1, 1]} : vector<1024x512xf32> to vector<32x512xf32>
    %mul3A_144 = vector.broadcast %slice3A_142 : vector<1x512xf32> to vector<32x512xf32>
    %mul3A_145 = arith.mulf %mul3A_144, %slice3A_143 : vector<32x512xf32>
    %add3A_146 = arith.addf %add3A_141, %mul3A_145 : vector<32x512xf32>
    %slice3A_147 = vector.extract_strided_slice %transpose3A {offsets = [27, 0], sizes = [1, 512], strides = [1, 1]} : vector<32x512xf32> to vector<1x512xf32>
    %slice3A_148 = vector.extract_strided_slice %max3A_11 {offsets = [864, 0], sizes = [32, 512], strides = [1, 1]} : vector<1024x512xf32> to vector<32x512xf32>
    %mul3A_149 = vector.broadcast %slice3A_147 : vector<1x512xf32> to vector<32x512xf32>
    %mul3A_150 = arith.mulf %mul3A_149, %slice3A_148 : vector<32x512xf32>
    %add3A_151 = arith.addf %add3A_146, %mul3A_150 : vector<32x512xf32>
    %slice3A_152 = vector.extract_strided_slice %transpose3A {offsets = [28, 0], sizes = [1, 512], strides = [1, 1]} : vector<32x512xf32> to vector<1x512xf32>
    %slice3A_153 = vector.extract_strided_slice %max3A_11 {offsets = [896, 0], sizes = [32, 512], strides = [1, 1]} : vector<1024x512xf32> to vector<32x512xf32>
    %mul3A_154 = vector.broadcast %slice3A_152 : vector<1x512xf32> to vector<32x512xf32>
    %mul3A_155 = arith.mulf %mul3A_154, %slice3A_153 : vector<32x512xf32>
    %add3A_156 = arith.addf %add3A_151, %mul3A_155 : vector<32x512xf32>
    %slice3A_157 = vector.extract_strided_slice %transpose3A {offsets = [29, 0], sizes = [1, 512], strides = [1, 1]} : vector<32x512xf32> to vector<1x512xf32>
    %slice3A_158 = vector.extract_strided_slice %max3A_11 {offsets = [928, 0], sizes = [32, 512], strides = [1, 1]} : vector<1024x512xf32> to vector<32x512xf32>
    %mul3A_159 = vector.broadcast %slice3A_157 : vector<1x512xf32> to vector<32x512xf32>
    %mul3A_160 = arith.mulf %mul3A_159, %slice3A_158 : vector<32x512xf32>
    %add3A_161 = arith.addf %add3A_156, %mul3A_160 : vector<32x512xf32>
    %slice3A_162 = vector.extract_strided_slice %transpose3A {offsets = [30, 0], sizes = [1, 512], strides = [1, 1]} : vector<32x512xf32> to vector<1x512xf32>
    %slice3A_163 = vector.extract_strided_slice %max3A_11 {offsets = [960, 0], sizes = [32, 512], strides = [1, 1]} : vector<1024x512xf32> to vector<32x512xf32>
    %mul3A_164 = vector.broadcast %slice3A_162 : vector<1x512xf32> to vector<32x512xf32>
    %mul3A_165 = arith.mulf %mul3A_164, %slice3A_163 : vector<32x512xf32>
    %add3A_166 = arith.addf %add3A_161, %mul3A_165 : vector<32x512xf32>
    %slice3A_167 = vector.extract_strided_slice %transpose3A {offsets = [31, 0], sizes = [1, 512], strides = [1, 1]} : vector<32x512xf32> to vector<1x512xf32>
    %slice3A_168 = vector.extract_strided_slice %max3A_11 {offsets = [992, 0], sizes = [32, 512], strides = [1, 1]} : vector<1024x512xf32> to vector<32x512xf32>
    %mul3A_169 = vector.broadcast %slice3A_167 : vector<1x512xf32> to vector<32x512xf32>
    %mul3A_170 = arith.mulf %mul3A_169, %slice3A_168 : vector<32x512xf32>
    %add3A_171 = arith.addf %add3A_166, %mul3A_170 : vector<32x512xf32>
    %transpose3A_172 = tpu.transpose %add3A_171, [1, 0] : vector<32x512xf32> -> vector<512x32xf32>
    %swap3A = arith.constant 0 : index
    %swap3A_173 = arith.constant 0 : index
    %swap3A_174 = vector.load %arg5[%swap3A, %swap3A_173] : memref<512x32xf32, #tpu.memory_space<vmem>>, vector<512x32xf32>
    tpu.vector_store %arg5[%swap3A, %swap3A_173], %transpose3A_172 {strides = array<i32>} : memref<512x32xf32, #tpu.memory_space<vmem>>, vector<512x32xf32>,
    return
  }
  func.func @transform_0(%arg0: i32) -> (i32, i32) {
    %c0_i32 = arith.constant 0 : i32
    %c0_i32_0 = arith.constant 0 : i32
    return %c0_i32, %arg0 : i32, i32
  }
  func.func @transform_1(%arg0: i32) -> (i32, i32) {
    %c0_i32 = arith.constant 0 : i32
    %c0_i32_0 = arith.constant 0 : i32
    return %arg0, %c0_i32 : i32, i32
  }
  func.func @transform_2(%arg0: i32) -> (i32, i32) {
    %c0_i32 = arith.constant 0 : i32
    %c0_i32_0 = arith.constant 0 : i32
    %c0_i32_1 = arith.constant 0 : i32
    return %c0_i32, %c0_i32_0 : i32, i32
  }
  func.func @transform_3(%arg0: i32) -> (i32, i32) {
    %c0_i32 = arith.constant 0 : i32
    %c0_i32_0 = arith.constant 0 : i32
    %c0_i32_1 = arith.constant 0 : i32
    return %c0_i32, %c0_i32_0 : i32, i32
  }
  func.func @transform_4(%arg0: i32) -> (i32, i32) {
    %c0_i32 = arith.constant 0 : i32
    %c0_i32_0 = arith.constant 0 : i32
    return %arg0, %c0_i32 : i32, i32
  }
}

module attributes {stable_mosaic.version = 14 : i64} {
  func.func @_final_body(%arg0: memref<10000x32xf32, #tpu.memory_space<vmem>>, %arg1: memref<10000x32xf32, #tpu.memory_space<vmem>>, %arg2: memref<10000x32xf32, #tpu.memory_space<vmem>>, %arg3: memref<32x32xf32, #tpu.memory_space<vmem>>, %arg4: memref<1x32xf32, #tpu.memory_space<vmem>>, %arg5: memref<1x32xf32, #tpu.memory_space<vmem>>, %arg6: memref<1x32xf32, #tpu.memory_space<vmem>>, %arg7: memref<1x32xf32, #tpu.memory_space<vmem>>, %arg8: memref<10000x32xf32, #tpu.memory_space<vmem>>) attributes {dimension_semantics = [], scalar_prefetch = 0 : i64, scratch_operands = 0 : i64, tpu.core_type = #tpu.core_type<tc>} {
    %get3A = arith.constant 0 : index
    %get3A_0 = arith.constant 0 : index
    %get3A_1 = vector.load %arg2[%get3A, %get3A_0] : memref<10000x32xf32, #tpu.memory_space<vmem>>, vector<10000x32xf32>
    %get3A_2 = arith.constant 0 : index
    %get3A_3 = arith.constant 0 : index
    %get3A_4 = vector.load %arg0[%get3A_2, %get3A_3] : memref<10000x32xf32, #tpu.memory_space<vmem>>, vector<10000x32xf32>
    %get3A_5 = arith.constant 0 : index
    %get3A_6 = arith.constant 0 : index
    %get3A_7 = vector.load %arg1[%get3A_5, %get3A_6] : memref<10000x32xf32, #tpu.memory_space<vmem>>, vector<10000x32xf32>
    %add3A = arith.addf %get3A_4, %get3A_7 : vector<10000x32xf32>
    %get3A_8 = arith.constant 0 : index
    %get3A_9 = arith.constant 0 : index
    %get3A_10 = vector.load %arg3[%get3A_8, %get3A_9] : memref<32x32xf32, #tpu.memory_space<vmem>>, vector<32x32xf32>
    %dot_general3A = arith.constant dense<0.000000e+00> : vector<10000x32xf32>
    %dot_general3A_11 = tpu.matmul %get3A_1, %get3A_10, %dot_general3A {dimension_numbers = #tpu.dot_dimension_numbers<[1], [0], [0], [1], [0, 0, 1, 1], [], []>, transpose_lhs_hint = false} : vector<10000x32xf32>, vector<32x32xf32>, vector<10000x32xf32> -> vector<10000x32xf32>
    %add3A_12 = arith.addf %add3A, %dot_general3A_11 : vector<10000x32xf32>
    %get3A_13 = arith.constant 0 : index
    %get3A_14 = arith.constant 0 : index
    %get3A_15 = vector.load %arg4[%get3A_13, %get3A_14] : memref<1x32xf32, #tpu.memory_space<vmem>>, vector<1x32xf32>
    %add3A_16 = vector.broadcast %get3A_15 : vector<1x32xf32> to vector<10000x32xf32>
    %add3A_17 = arith.addf %add3A_12, %add3A_16 : vector<10000x32xf32>
    %reduce_sum3A = arith.constant dense<0.000000e+00> : vector<32xf32>
    %reduce_sum3A_18 = vector.multi_reduction <add>, %add3A_17, %reduce_sum3A [0] : vector<10000x32xf32> to vector<32xf32>
    %broadcast_in_dim3A = vector.shape_cast %reduce_sum3A_18 : vector<32xf32> to vector<1x32xf32>
    %div3A = arith.constant 1.000000e+04 : f32
    %div3A_19 = vector.broadcast %div3A : f32 to vector<1x32xf32>
    %div3A_20 = arith.divf %broadcast_in_dim3A, %div3A_19 : vector<1x32xf32>
    %get3A_21 = arith.constant 0 : index
    %get3A_22 = arith.constant 0 : index
    %get3A_23 = vector.load %arg7[%get3A_21, %get3A_22] : memref<1x32xf32, #tpu.memory_space<vmem>>, vector<1x32xf32>
    %mul3A = arith.mulf %get3A_23, %div3A_20 : vector<1x32xf32>
    %sub3A = vector.broadcast %mul3A : vector<1x32xf32> to vector<10000x32xf32>
    %sub3A_24 = arith.subf %add3A_17, %sub3A : vector<10000x32xf32>
    %mul3A_25 = arith.mulf %sub3A_24, %sub3A_24 : vector<10000x32xf32>
    %reduce_sum3A_26 = arith.constant dense<0.000000e+00> : vector<32xf32>
    %reduce_sum3A_27 = vector.multi_reduction <add>, %mul3A_25, %reduce_sum3A_26 [0] : vector<10000x32xf32> to vector<32xf32>
    %broadcast_in_dim3A_28 = vector.shape_cast %reduce_sum3A_27 : vector<32xf32> to vector<1x32xf32>
    %div3A_29 = arith.constant 1.000000e+04 : f32
    %div3A_30 = vector.broadcast %div3A_29 : f32 to vector<1x32xf32>
    %div3A_31 = arith.divf %broadcast_in_dim3A_28, %div3A_30 : vector<1x32xf32>
    %get3A_32 = arith.constant 0 : index
    %get3A_33 = arith.constant 0 : index
    %get3A_34 = vector.load %arg5[%get3A_32, %get3A_33] : memref<1x32xf32, #tpu.memory_space<vmem>>, vector<1x32xf32>
    %mul3A_35 = vector.broadcast %get3A_34 : vector<1x32xf32> to vector<10000x32xf32>
    %mul3A_36 = arith.mulf %mul3A_35, %sub3A_24 : vector<10000x32xf32>
    %add3A_37 = arith.constant 9.99999974E-6 : f32
    %add3A_38 = vector.broadcast %add3A_37 : f32 to vector<1x32xf32>
    %add3A_39 = arith.addf %div3A_31, %add3A_38 : vector<1x32xf32>
    %rsqrt3A = math.rsqrt %add3A_39 : vector<1x32xf32>
    %mul3A_40 = vector.broadcast %rsqrt3A : vector<1x32xf32> to vector<10000x32xf32>
    %mul3A_41 = arith.mulf %mul3A_36, %mul3A_40 : vector<10000x32xf32>
    %get3A_42 = arith.constant 0 : index
    %get3A_43 = arith.constant 0 : index
    %get3A_44 = vector.load %arg6[%get3A_42, %get3A_43] : memref<1x32xf32, #tpu.memory_space<vmem>>, vector<1x32xf32>
    %add3A_45 = vector.broadcast %get3A_44 : vector<1x32xf32> to vector<10000x32xf32>
    %add3A_46 = arith.addf %mul3A_41, %add3A_45 : vector<10000x32xf32>
    %max3A = arith.constant 0.000000e+00 : f32
    %max3A_47 = vector.broadcast %max3A : f32 to vector<10000x32xf32>
    %max3A_48 = arith.maximumf %add3A_46, %max3A_47 : vector<10000x32xf32>
    %add3A_49 = arith.addf %max3A_48, %get3A_1 : vector<10000x32xf32>
    %swap3A = arith.constant 0 : index
    %swap3A_50 = arith.constant 0 : index
    %swap3A_51 = vector.load %arg8[%swap3A, %swap3A_50] : memref<10000x32xf32, #tpu.memory_space<vmem>>, vector<10000x32xf32>
    tpu.vector_store %arg8[%swap3A, %swap3A_50], %add3A_49 {strides = array<i32>} : memref<10000x32xf32, #tpu.memory_space<vmem>>, vector<10000x32xf32>,
    return
  }
}

</mosaic_0001>

<sc_bundles>
// kernel: kernel.6.cloned.1.call-start
scs
__scs_entry_jumppad:
0x0: {  	(pc) =	sbr.rel $0x88, $3  }
0x1: {  	(tag) =	ssettag $0x0;
	lr =	simm.s32 $0x1  }
0x2: {  	[smem:$0x3F97] =	sst lr;
	_ =	strace $0xD0000000  }
0x3: {  	_ = 	snop  }
0x4: {  	_ = 	snop  }
0x5: {  	_ = 	snop  }
0x6: {  	_ = 	snop  }
0x7: {  	_ = 	snop  }
__scs_overlays_trampoline_lowered:
0x8: {  	[smem:$0x3FA6] =	sst s0  }
0x9: {  	[smem:$0x3FA7] =	sst s1  }
0xa: {  	[smem:$0x3FA8] =	sst s2  }
0xb: {  	[smem:$0x3FA9] =	sst s3  }
0xc: {  	[smem:$0x3FAA] =	sst s4  }
0xd: {  	[smem:$0x3FAB] =	sst s5  }
0xe: {  	[smem:$0x3FAC] =	sst s6  }
0xf: {  	[smem:$0x3FAD] =	sst s7  }
0x10: {  	[smem:$0x3FAE] =	sst s8  }
0x11: {  	[smem:$0x3FAF] =	sst s9;
	s0 =	simm.s32 @!p0 $0x0  }
0x12: {  	s1 =	sld [smem:$0x3F95];
	s0 =	simm.s32 @p0 $0x1  }
0x13: {  	[smem:$0x3FB0] =	sst s0;
	s0 =	simm.s32 @!p1 $0x0  }
0x14: {  	s2 =	sld [smem:$0x3F94];
	s0 =	simm.s32 @p1 $0x1  }
0x15: {  	[smem:$0x3FB1] =	sst s0;
	s0 =	simm.s32 @!p2 $0x0  }
0x16: {  	s3 =	sld [smem:$0x3FDB];
	s0 =	simm.s32 @p2 $0x1  }
0x17: {  	s4 =	simm.s32 $0x1BF5;
	[smem:$0x3FB3] =	sst s0  }
0x18: {  	s0 =	sld [smem:$0x3F96];
	_ =	swait.ge [sflag:s4], $0x0  }
0x19: {  	s7 =	sld [smem:$0x3F97]  }
0x1a: {  	s8 =	sadd.s32 $0xFFFFE003, lr  }
0x1b: {  	s9 =	sadd.s32 $0xFFFFFEF7, lr;
	s5 =	simm.s32 $0xFFFFFFFF;
	p2 =	slt.u32 s8, $0xFFFFF086  }
0x1c: {  	p1 =	slt.u32 s9, $0xF7A;
	s5 =	simm.s32 @!p2 $0x0  }
0x1d: {  	s5 =	simm.s32 @p1 $0x1;
	p0 =	seq.s32 s7, s2  }
0x1e: {  	s7 =	smul.u32 @!p0 $0xF7A, s2;
	p2 =	seq.s32 @!p0 s5, $0x0  }
0x1f: {  	s9 =	smul.u32 $0xF7A, s1;
	s8 =	simm.s32 @!p0 $0x1BF5;
	p2 =	por !p2, p0  }
0x20: {  	[sflag:s8] =	ssyncset.s32 @!p0 $0xFFFFF086;
	s6 =	sadd.s32 @!p0 s3, s7;
	s7 =	simm.s32 @!p0 $0x108  }
0x21: {  	s3 =	sadd.s32 s3, s9;
	s6 =	sadd.s32 @!p0 $0x88, s6;
	s7 =	simm.s32 @p2 $0x1082  }
0x22: {  	[simem:s7], [sflag:s8] =	dma.local @!p0 [hbm:s6], $0xF7A  }
0x23: {  	s9 =	sor.u32 $0xD0000000, s2;
	s6 =	simm.s32 $0x108;
	_ =	swait.ge @!p0 [sflag:s8], $0x0  }
0x24: {  	s3 =	sadd.s32 $0x88, s3;
	s6 =	simm.s32 @!p1 $0x1082;
	[sflag:s4] =	ssyncset.s32 $0xFFFFF086  }
0x25: {  	[simem:s6], [sflag:s4] =	dma.local [hbm:s3], $0xF7A  }
0x26: {  	[smem:$0x3F97] =	sst s1;
	(tag) =	ssettag s2;
	_ =	strace s9  }
0x27: {  	s1 =	sld [smem:$0x3FA7]  }
0x28: {  	s2 =	sld [smem:$0x3FA8]  }
0x29: {  	s4 =	sld [smem:$0x3FAA]  }
0x2a: {  	p0 =	seq.s32 s5, $0x0;
	s5 =	sld [smem:$0x3FAB]  }
0x2b: {  	s6 =	sld [smem:$0x3FAC]  }
0x2c: {  	s7 =	sld [smem:$0x3FAD]  }
0x2d: {  	s3 =	simm.s32 $0x108;
	s8 =	sld [smem:$0x3FAE]  }
0x2e: {  	s3 =	simm.s32 @!p0 $0x1082;
	s9 =	sld [smem:$0x3FAF]  }
0x2f: {  	lr =	sadd.s32 s0, s3;
	s0 =	sld [smem:$0x3FA6]  }
0x30: {  	s3 =	sld [smem:$0x3FA9]  }
0x31: {  	[smem:$0x3FB2] =	sst s10  }
0x32: {  	s10 =	sld [smem:$0x3FB0];
	_ =	sdelay $0x3  }
0x33: {  	p0 =	seq.s32 s10, $0x1;
	s10 =	sld [smem:$0x3FB2];
	_ =	sdelay $0x3  }
0x34: {  	[smem:$0x3FB2] =	sst s10  }
0x35: {  	s10 =	sld [smem:$0x3FB1];
	_ =	sdelay $0x3  }
0x36: {  	p1 =	seq.s32 s10, $0x1;
	s10 =	sld [smem:$0x3FB2];
	_ =	sdelay $0x3  }
0x37: {  	[smem:$0x3FB2] =	sst s10  }
0x38: {  	s10 =	sld [smem:$0x3FB3]  }
0x39: {  	_ = 	snop;
	(pc) =	sbr.ind lr, $3  }
0x3a: {  	_ = 	snop  }
0x3b: {  	_ = 	snop  }
0x3c: {  	p2 =	seq.s32 s10, $0x1;
	s10 =	sld [smem:$0x3FB2]  }
0x3d: {  	_ =	shalt  }
0x3e: {  	_ =	shalt  }
0x3f: {  	_ =	shalt  }
0x40: {  	_ =	shalt  }
0x41: {  	_ =	shalt  }
0x42: {  	_ =	shalt  }
0x43: {  	_ =	shalt  }
0x44: {  	_ =	shalt  }
0x45: {  	_ =	shalt  }
0x46: {  	_ =	shalt  }
0x47: {  	_ =	shalt  }
0x48: {  	_ =	shalt  }
0x49: {  	_ =	shalt  }
0x4a: {  	_ =	shalt  }
0x4b: {  	_ =	shalt  }
0x4c: {  	_ =	shalt  }
0x4d: {  	_ =	shalt  }
0x4e: {  	_ =	shalt  }
0x4f: {  	_ =	shalt  }
0x50: {  	_ =	shalt  }
0x51: {  	_ =	shalt  }
0x52: {  	_ =	shalt  }
0x53: {  	_ =	shalt  }
0x54: {  	_ =	shalt  }
0x55: {  	_ =	shalt  }
0x56: {  	_ =	shalt  }
0x57: {  	_ =	shalt  }
0x58: {  	_ =	shalt  }
0x59: {  	_ =	shalt  }
0x5a: {  	_ =	shalt  }
0x5b: {  	_ =	shalt  }
0x5c: {  	_ =	shalt  }
0x5d: {  	_ =	shalt  }
0x5e: {  	_ =	shalt  }
0x5f: {  	_ =	shalt  }
0x60: {  	_ =	shalt  }
0x61: {  	_ =	shalt  }
0x62: {  	_ =	shalt  }
0x63: {  	_ =	shalt  }
0x64: {  	_ =	shalt  }
0x65: {  	_ =	shalt  }
0x66: {  	_ =	shalt  }
0x67: {  	_ =	shalt  }
0x68: {  	_ =	shalt  }
0x69: {  	_ =	shalt  }
0x6a: {  	_ =	shalt  }
0x6b: {  	_ =	shalt  }
0x6c: {  	_ =	shalt  }
0x6d: {  	_ =	shalt  }
0x6e: {  	_ =	shalt  }
0x6f: {  	_ =	shalt  }
0x70: {  	_ =	shalt  }
0x71: {  	_ =	shalt  }
0x72: {  	_ =	shalt  }
0x73: {  	_ =	shalt  }
0x74: {  	_ =	shalt  }
0x75: {  	_ =	shalt  }
0x76: {  	_ =	shalt  }
0x77: {  	_ =	shalt  }
0x78: {  	_ =	shalt  }
0x79: {  	_ =	shalt  }
0x7a: {  	_ =	shalt  }
0x7b: {  	_ =	shalt  }
0x7c: {  	_ =	shalt  }
0x7d: {  	_ =	shalt  }
0x7e: {  	_ =	shalt  }
0x7f: {  	_ =	shalt  }
0x80: {  	_ =	shalt  }
0x81: {  	_ =	shalt  }
0x82: {  	_ =	shalt  }
0x83: {  	_ =	shalt  }
0x84: {  	_ =	shalt  }
0x85: {  	_ =	shalt  }
0x86: {  	_ =	shalt  }
0x87: {  	_ =	shalt  }
.Lfunc_end0:
.L_simem_size_0:
called_computation_lowered:
.L_overlay_start_0:
0x88: {  	s2 =	sld [smem:$0x3FD9]  }
0x89: {  	s3 =	sld [smem:$0x3FFE];
	_ =	sdelay $0x1  }
0x8a: {  	s1 =	srdreg.scid  }
0x8b: {  	s0 =	sand.u32 $0x1, s1  }
0x8c: {  	s17 =	sshll.u32 s0, $0xA;
	s2 =	sadd.s32 s3, s2  }
0x8d: {  	s2 =	sadd.s32 s2, s17  }
0x8e: {  	[smem:$0x3FBE] =	sst s2  }
0x8f: {  	_ = 	snop  }
0x90: {  	s2 =	sld [smem:$0x3FD0];
	(tm) =	ssettm $0x1  }
0x91: {  	s18 =	sld [smem:$0x3FFB];
	_ =	sdelay $0x3  }
0x92: {  	_ =	strace s18  }
0x93: {  	s3 =	sld [smem:$0x3FFC];
	_ =	sdelay $0x3  }
0x94: {  	_ =	strace s3  }
0x95: {  	s3 =	sld [smem:$0x3FFD];
	_ =	sdelay $0x3  }
0x96: {  	_ =	strace s3  }
0x97: {  	_ =	strace $0x8FFFFFFF  }
0x98: {  	s19 =	sld [smem:$0x3FDB];
	_ =	sdelay $0x1  }
0x99: {  	s4 =	simm.s32 $_scs_section_size  }
0x9a: {  	s5 =	simm.s32 $_size__tile_overlayer_lowered;
	s6 =	simm.s32 $_tile_overlayer_lowered  }
0x9b: {  	s22 =	simm.s32 $0x1BFF;
	s21 =	sshll.u32 s6, $0x1;
	s3 =	sadd.s32 s4, s19  }
0x9c: {  	s7 =	simm.s32 $0x0;
	s20 =	sshll.u32 s5, $0x1;
	s5 =	sadd.s32 s21, s3  }
0x9d: {  	[timem:s7], [sflag:s22] =	dma.local [hbm:s5], s20  }
0x9e: {  	_ =	swait.ge [sflag:s22], s20  }
0x9f: {  	s4 =	ssub.s32 $0x0, s20;
	[sflag:s22] =	ssyncset.done $0x0  }
0xa0: {  	[sflag:s22] =	ssyncadd.s32 s4;
	_ =	sdelay $0x1  }
0xa1: {  	s23 =	simm.s32 $0x1B8B  }
0xa2: {  	_ =	swait.ge [sflag:s23], $0x1  }
0xa3: {  	[sflag:s23] =	ssyncset.done $0x0  }
0xa4: {  	s25 =	simm.s32 $0x1B8E;
	s24 =	sld [smem:$0x3FFE];
	[sflag:s23] =	ssyncadd.s32 $0xFFFFFFFF  }
0xa5: {  	s26 =	simm.s32 $execute0_lowered;
	[smem:$0x3FD2] =	sst s25  }
0xa6: {  	s5 =	sshll.u32 s26, $0x1;
	_ =	strace $0x80000046;
	[dreg:$0x1] =	wrdreg $0xFFFFFFFF  }
0xa7: {  	s28 =	simm.s32 $_size_execute0_lowered;
	s3 =	sadd.s32 s3, s5;
	[dreg:$0x0] =	wrdreg $0x0  }
0xa8: {  	s5 =	sshll.u32 s28, $0x1;
	[dreg:$0x2] =	wrdreg s3  }
0xa9: {  	[dreg:$0x3] =	wrdreg s5  }
0xaa: {  	[dreg:$0x4] =	wrdreg $0xC0  }
0xab: {  	_ =	task [dreg:s7], $0x5FFFF  }
0xac: {  	[dreg:$0x1] =	wrdreg $0xFFFFFFFF  }
0xad: {  	[dreg:$0x0] =	wrdreg $0x60  }
0xae: {  	[dreg:$0x2] =	wrdreg s2  }
0xaf: {  	[dreg:$0x3] =	wrdreg s24  }
0xb0: {  	[dreg:$0x4] =	wrdreg $0x9  }
0xb1: {  	_ =	task.clear_ibuf [dreg:s7], $0x5FFFF;
	_ =	strace $0x90000046  }
0xb2: {  	s29 =	simm.s32 $0x9;
	_ =	strace $0x80000048  }
0xb3: {  	_ =	swait.ge [sflag:s29], $0x1  }
0xb4: {  	[sflag:s29] =	ssyncadd.s32 $0xFFFFFFFF  }
0xb5: {  	_ =	strace $0x90000048  }
0xb6: {  	_ =	sfence  }
0xb7: {  	s30 =	sld [smem:$0x0];
	_ =	sdelay $0x2  }
0xb8: {  	s31 =	sshll.u32 s1, $0xD;
	s1 =	sshrl.u32 s1, $0x2  }
0xb9: {  	s3 =	sand.u32 $0x4000, s31;
	s1 =	sadd.s32 s1, s30  }
0xba: {  	s0 =	sor.u32 s3, s0;
	s1 =	sshll.u32 s1, $0x11  }
0xbb: {  	s0 =	sor.u32 s1, s0  }
0xbc: {  	s0 =	sadd.s32 $0x8F2B, s0  }
0xbd: {  	[sflag:s0] =	ssyncadd.remote.s32 $0x1  }
0xbe: {  	_ =	sfence.sel $0xFFFF  }
0xbf: {  	[dreg:$0x0] =	wrdreg $0xFFFFFFFF;
	(pc) =	sbr.abs _section_cstart, $3  }
0xc0: {  	[dreg:$0x1] =	wrdreg $0xFFFFFFFF  }
0xc1: {  	_ =	task.clear_ibuf [dreg:s7], $0x2FFFF;
	_ =	strace $0x9FFFFFFF  }
0xc2: {  	(tm) =	ssettm $0x7FFFFFFF  }
0xc3: {  	_ =	shalt  }
tec
execute0_lowered:
.L_overlay_start_1:
0x0: {  	(tag) =	ssettag $0x1  }
0x1: {  	s1 =	srdreg.scid;
	s0 =	stileid.u32  }
0x2: {  	s2 =	rddreg [dreg:$0x0];
	s1 =	sand.u32 $0x1, s1;
	s3 =	sshll.u32 s0, $0x1  }
0x3: {  	s5 =	rddreg [dreg:$0x1];
	s4 =	sor.u32 s1, s3;
	s3 =	simm.s32 $0x0  }
0x4: {  	s7 =	simm.s32 $0x100;
	[smem:$0x7FF] =	sst s3  }
0x5: {  	s8 =	simm.s32 $0x2A00;
	_ =	strace $0x80000047;
	[dreg:$0x6] =	wrdreg s7  }
0x6: {  	s9 =	simm.s32 $0x180;
	[dreg:$0x7] =	wrdreg s8  }
0x7: {  	s10 =	simm.s32 $0x3A00;
	[dreg:$0x8] =	wrdreg s9  }
0x8: {  	s11 =	simm.s32 $0x200;
	[dreg:$0x9] =	wrdreg s10  }
0x9: {  	s12 =	simm.s32 $0x4A00;
	[dreg:$0xa] =	wrdreg s11  }
0xa: {  	s13 =	simm.s32 $0x280;
	[dreg:$0xb] =	wrdreg s12  }
0xb: {  	s14 =	simm.s32 $0x5A00;
	[dreg:$0xc] =	wrdreg s13  }
0xc: {  	s15 =	simm.s32 $0x300;
	[dreg:$0xd] =	wrdreg s14  }
0xd: {  	s16 =	simm.s32 $0x6A00;
	[dreg:$0xe] =	wrdreg s15  }
0xe: {  	s17 =	simm.s32 $0x380;
	s6 =	smul.u32 $0x140, s4;
	[dreg:$0xf] =	wrdreg s16  }
0xf: {  	s18 =	simm.s32 $0x7A00;
	s4 =	smul.u32 $0x2800, s4;
	[dreg:$0x10] =	wrdreg s17  }
0x10: {  	s19 =	simm.s32 $0x400;
	[dreg:$0x11] =	wrdreg s18;
	s6 =	sadd.s32 s6, s5  }
0x11: {  	[dreg:$0x12] =	wrdreg s19;
	s4 =	sadd.s32 s4, s5;
	s0 =	sadd.s32 $0x1A00, s6  }
0x12: {  	s4 =	sadd.s32 $0x6A00, s4;
	[dreg:$0x3] =	wrdreg s0  }
0x13: {  	s6 =	simm.s32 $0x1A00;
	[dreg:$0x4] =	wrdreg s4  }
0x14: {  	[dreg:$0x5] =	wrdreg s6  }
0x15: {  	s4 =	simm.s32 $0x2;
	s5 =	rddreg [dreg:$0x3]  }
0x16: {  	[tilespmem:s3], [sflag:$0x2] =	stream.linear.gather [hbm4b:s5+s3], $0xA00, $0x38;
	[tilespmem:$0x14A00] =	vst v63  }
0x17: {  	_ =	swait.ge [sflag:s4], $0xA00  }
0x18: {  	s7 =	rddreg [dreg:$0x11]  }
0x19: {  	s8 =	rddreg [dreg:$0xf]  }
0x1a: {  	s9 =	rddreg [dreg:$0xd]  }
0x1b: {  	s10 =	rddreg [dreg:$0xb]  }
0x1c: {  	s6 =	simm.s32 $0x80;
	s11 =	rddreg [dreg:$0x6];
	[sflag:s4] =	ssyncset.done $0x0  }
0x1d: {  	s5 =	simm.s32 $0xA00;
	s12 =	rddreg [dreg:$0x5];
	[sflag:s4] =	ssyncadd.s32 $0xFFFFF600  }
0x1e: {  	[tilespmem:s5], [sflag:$0x1] =	stream.indirect.gather [hbm4b:s2+s6], $0x20, s3, s6, $0xb8;
	[tilespmem:$0x14A00] =	vst v63  }
0x1f: {  	s13 =	rddreg [dreg:$0x7]  }
0x20: {  	[tilespmem:s12], [sflag:$0x1] =	stream.indirect.gather [hbm4b:s2+s6], $0x20, s6, s6, $0xb8;
	[tilespmem:$0x14A00] =	vst v63  }
0x21: {  	s14 =	rddreg [dreg:$0x9]  }
0x22: {  	[tilespmem:s13], [sflag:$0x1] =	stream.indirect.gather [hbm4b:s2+s6], $0x20, s11, s6, $0xb8;
	[tilespmem:$0x14A00] =	vst v63  }
0x23: {  	s20 =	rddreg [dreg:$0x8]  }
0x24: {  	[tilespmem:s14], [sflag:$0x1] =	stream.indirect.gather [hbm4b:s2+s6], $0x20, s20, s6, $0xb8;
	[tilespmem:$0x14A00] =	vst v63  }
0x25: {  	s21 =	rddreg [dreg:$0xa]  }
0x26: {  	[tilespmem:s10], [sflag:$0x1] =	stream.indirect.gather [hbm4b:s2+s6], $0x20, s21, s6, $0xb8;
	[tilespmem:$0x14A00] =	vst v63  }
0x27: {  	s22 =	rddreg [dreg:$0xc]  }
0x28: {  	[tilespmem:s9], [sflag:$0x1] =	stream.indirect.gather [hbm4b:s2+s6], $0x20, s22, s6, $0xb8;
	[tilespmem:$0x14A00] =	vst v63  }
0x29: {  	s23 =	rddreg [dreg:$0xe]  }
0x2a: {  	[tilespmem:s8], [sflag:$0x1] =	stream.indirect.gather [hbm4b:s2+s6], $0x20, s23, s6, $0xb8;
	[tilespmem:$0x14A00] =	vst v63  }
0x2b: {  	s24 =	rddreg [dreg:$0x10]  }
0x2c: {  	[tilespmem:s7], [sflag:$0x1] =	stream.indirect.gather [hbm4b:s2+s6], $0x20, s24, s6, $0xb8;
	[tilespmem:$0x14A00] =	vst v63  }
0x2d: {  	s26 =	simm.s32 $0x8A00;
	s25 =	rddreg [dreg:$0x12]  }
0x2e: {  	[tilespmem:s26], [sflag:$0x1] =	stream.indirect.gather [hbm4b:s2+s6], $0x20, s25, s6, $0xb8;
	[tilespmem:$0x14A00] =	vst v63  }
0x2f: {  	s8 =	simm.s32 $0x9A00;
	s7 =	simm.s32 $0x480  }
0x30: {  	[tilespmem:s8], [sflag:$0x1] =	stream.indirect.gather [hbm4b:s2+s6], $0x20, s7, s6, $0xb8;
	[tilespmem:$0x14A00] =	vst v63  }
0x31: {  	s10 =	simm.s32 $0xAA00;
	s9 =	simm.s32 $0x500  }
0x32: {  	[tilespmem:s10], [sflag:$0x1] =	stream.indirect.gather [hbm4b:s2+s6], $0x20, s9, s6, $0xb8;
	[tilespmem:$0x14A00] =	vst v63  }
0x33: {  	s12 =	simm.s32 $0xBA00;
	s11 =	simm.s32 $0x580  }
0x34: {  	[tilespmem:s12], [sflag:$0x1] =	stream.indirect.gather [hbm4b:s2+s6], $0x20, s11, s6, $0xb8;
	[tilespmem:$0x14A00] =	vst v63  }
0x35: {  	s15 =	simm.s32 $0xCA00;
	s14 =	simm.s32 $0x600  }
0x36: {  	[tilespmem:s15], [sflag:$0x1] =	stream.indirect.gather [hbm4b:s2+s6], $0x20, s14, s6, $0xb8;
	[tilespmem:$0x14A00] =	vst v63  }
0x37: {  	s16 =	simm.s32 $0x680;
	s17 =	simm.s32 $0xDA00  }
0x38: {  	[tilespmem:s17], [sflag:$0x1] =	stream.indirect.gather [hbm4b:s2+s6], $0x20, s16, s6, $0xb8;
	[tilespmem:$0x14A00] =	vst v63  }
0x39: {  	s18 =	simm.s32 $0x700;
	s19 =	simm.s32 $0xEA00  }
0x3a: {  	[tilespmem:s19], [sflag:$0x1] =	stream.indirect.gather [hbm4b:s2+s6], $0x20, s18, s6, $0xb8;
	[tilespmem:$0x14A00] =	vst v63  }
0x3b: {  	s20 =	simm.s32 $0x780;
	s21 =	simm.s32 $0xFA00  }
0x3c: {  	[tilespmem:s21], [sflag:$0x1] =	stream.indirect.gather [hbm4b:s2+s6], $0x20, s20, s6, $0xb8;
	[tilespmem:$0x14A00] =	vst v63  }
0x3d: {  	s22 =	simm.s32 $0x800;
	s23 =	simm.s32 $0x10A00  }
0x3e: {  	[tilespmem:s23], [sflag:$0x1] =	stream.indirect.gather [hbm4b:s2+s6], $0x20, s22, s6, $0xb8;
	[tilespmem:$0x14A00] =	vst v63  }
0x3f: {  	s24 =	simm.s32 $0x880;
	s25 =	simm.s32 $0x11A00  }
0x40: {  	[tilespmem:s25], [sflag:$0x1] =	stream.indirect.gather [hbm4b:s2+s6], $0x20, s24, s6, $0xb8;
	[tilespmem:$0x14A00] =	vst v63  }
0x41: {  	s28 =	simm.s32 $0x12A00;
	s26 =	simm.s32 $0x900  }
0x42: {  	[tilespmem:s28], [sflag:$0x1] =	stream.indirect.gather [hbm4b:s2+s6], $0x20, s26, s6, $0xb8;
	[tilespmem:$0x14A00] =	vst v63  }
0x43: {  	s30 =	simm.s32 $0x980;
	s31 =	simm.s32 $0x13A00;
	s29 =	simm.s32 $0x1  }
0x44: {  	[tilespmem:s31], [sflag:$0x1] =	stream.indirect.gather [hbm4b:s2+s6], $0x20, s30, s6, $0xb8;
	[tilespmem:$0x14A00] =	vst v63  }
0x45: {  	_ =	swait.ge [sflag:s29], $0x1000  }
0x46: {  	[sflag:s29] =	ssyncset.done $0x0  }
0x47: {  	[sflag:s29] =	ssyncadd.s32 $0xFFFFF000  }
0x48: {  	_ =	swait.ge [sflag:s29], $0x1000  }
0x49: {  	[sflag:s29] =	ssyncset.done $0x0  }
0x4a: {  	[sflag:s29] =	ssyncadd.s32 $0xFFFFF000  }
0x4b: {  	_ =	swait.ge [sflag:s29], $0x1000  }
0x4c: {  	[sflag:s29] =	ssyncset.done $0x0  }
0x4d: {  	[sflag:s29] =	ssyncadd.s32 $0xFFFFF000  }
0x4e: {  	_ =	swait.ge [sflag:s29], $0x1000  }
0x4f: {  	[sflag:s29] =	ssyncset.done $0x0  }
0x50: {  	[sflag:s29] =	ssyncadd.s32 $0xFFFFF000  }
0x51: {  	_ =	swait.ge [sflag:s29], $0x1000  }
0x52: {  	[sflag:s29] =	ssyncset.done $0x0  }
0x53: {  	[sflag:s29] =	ssyncadd.s32 $0xFFFFF000  }
0x54: {  	_ =	swait.ge [sflag:s29], $0x1000  }
0x55: {  	[sflag:s29] =	ssyncset.done $0x0  }
0x56: {  	[sflag:s29] =	ssyncadd.s32 $0xFFFFF000  }
0x57: {  	_ =	swait.ge [sflag:s29], $0x1000  }
0x58: {  	[sflag:s29] =	ssyncset.done $0x0  }
0x59: {  	[sflag:s29] =	ssyncadd.s32 $0xFFFFF000  }
0x5a: {  	_ =	swait.ge [sflag:s29], $0x1000  }
0x5b: {  	[sflag:s29] =	ssyncset.done $0x0  }
0x5c: {  	[sflag:s29] =	ssyncadd.s32 $0xFFFFF000  }
0x5d: {  	_ =	swait.ge [sflag:s29], $0x1000  }
0x5e: {  	[sflag:s29] =	ssyncset.done $0x0  }
0x5f: {  	[sflag:s29] =	ssyncadd.s32 $0xFFFFF000  }
0x60: {  	_ =	swait.ge [sflag:s29], $0x1000  }
0x61: {  	[sflag:s29] =	ssyncset.done $0x0  }
0x62: {  	[sflag:s29] =	ssyncadd.s32 $0xFFFFF000  }
0x63: {  	_ =	swait.ge [sflag:s29], $0x1000  }
0x64: {  	[sflag:s29] =	ssyncset.done $0x0  }
0x65: {  	[sflag:s29] =	ssyncadd.s32 $0xFFFFF000  }
0x66: {  	_ =	swait.ge [sflag:s29], $0x1000  }
0x67: {  	[sflag:s29] =	ssyncset.done $0x0  }
0x68: {  	[sflag:s29] =	ssyncadd.s32 $0xFFFFF000  }
0x69: {  	_ =	swait.ge [sflag:s29], $0x1000  }
0x6a: {  	[sflag:s29] =	ssyncset.done $0x0  }
0x6b: {  	[sflag:s29] =	ssyncadd.s32 $0xFFFFF000  }
0x6c: {  	_ =	swait.ge [sflag:s29], $0x1000  }
0x6d: {  	[sflag:s29] =	ssyncset.done $0x0  }
0x6e: {  	[sflag:s29] =	ssyncadd.s32 $0xFFFFF000  }
0x6f: {  	_ =	swait.ge [sflag:s29], $0x1000  }
0x70: {  	[sflag:s29] =	ssyncset.done $0x0  }
0x71: {  	[sflag:s29] =	ssyncadd.s32 $0xFFFFF000  }
0x72: {  	_ =	swait.ge [sflag:s29], $0x1000  }
0x73: {  	[sflag:s29] =	ssyncset.done $0x0  }
0x74: {  	[sflag:s29] =	ssyncadd.s32 $0xFFFFF000  }
0x75: {  	s1 =	ssub.s32 $0x2, s1;
	_ =	swait.ge [sflag:s29], $0x1000  }
0x76: {  	s13 =	sshrl.u32 s1, $0x1;
	[sflag:s29] =	ssyncset.done $0x0  }
0x77: {  	s0 =	ssub.s32 s1, s13;
	[sflag:s29] =	ssyncadd.s32 $0xFFFFF000  }
0x78: {  	s0 =	smax.u32 s0, $0x1;
	_ =	swait.ge [sflag:s29], $0x1000  }
0x79: {  	p0 =	sne.s32 s0, $0x1;
	[sflag:s29] =	ssyncset.done $0x0  }
.Ltmp0:
0x7a: {  	[sflag:s29] =	ssyncadd.s32 $0xFFFFF000;
	(pc) =	sbr.rel @!p0 .LBB2_2-.Ltmp0, $4  }
0x7b: {  	_ =	swait.ge [sflag:s29], $0x1000  }
0x7c: {  	[sflag:s29] =	ssyncset.done $0x0  }
0x7d: {  	[sflag:s29] =	ssyncadd.s32 $0xFFFFF000  }
0x7e: {  	s1 =	sadd.s32 $0xFFFFFFFF, s0;
	_ =	swait.ge [sflag:s29], $0x1000  }
.LBB2_1:
0x7f: {  	[sflag:s29] =	ssyncset.done $0x0  }
0x80: {  	s0 =	rddreg [dreg:$0x4];
	[sflag:s29] =	ssyncadd.s32 $0xFFFFF000  }
0x81: {  	[hbm4b:s0+s3] =	stream.linear.scatter [tilespmem:s5], [sflag:$0x2], $0x14000, $0x38;
	[tilespmem:$0x14A00] =	vst v63  }
0x82: {  	_ =	swait.ge [sflag:s4], $0x14000  }
0x83: {  	[sflag:s4] =	ssyncset.done $0x0  }
0x84: {  	s11 =	rddreg [dreg:$0x3];
	[sflag:s4] =	ssyncadd.s32 $0xFFFEC000  }
0x85: {  	[tilespmem:s3], [sflag:$0x2] =	stream.linear.gather [hbm4b:s11+s3], $0xA00, $0x38;
	[tilespmem:$0x14A00] =	vst v63  }
0x86: {  	_ =	swait.ge [sflag:s4], $0xA00  }
0x87: {  	s0 =	rddreg [dreg:$0x11]  }
0x88: {  	s7 =	rddreg [dreg:$0xf]  }
0x89: {  	s8 =	rddreg [dreg:$0xd]  }
0x8a: {  	s9 =	rddreg [dreg:$0xb]  }
0x8b: {  	s10 =	rddreg [dreg:$0x6];
	[sflag:s4] =	ssyncset.done $0x0  }
0x8c: {  	s11 =	rddreg [dreg:$0x5];
	[sflag:s4] =	ssyncadd.s32 $0xFFFFF600  }
0x8d: {  	[tilespmem:s5], [sflag:$0x1] =	stream.indirect.gather [hbm4b:s2+s6], $0x20, s3, s6, $0xb8;
	[tilespmem:$0x14A00] =	vst v63  }
0x8e: {  	s12 =	rddreg [dreg:$0x7]  }
0x8f: {  	[tilespmem:s11], [sflag:$0x1] =	stream.indirect.gather [hbm4b:s2+s6], $0x20, s6, s6, $0xb8;
	[tilespmem:$0x14A00] =	vst v63  }
0x90: {  	s13 =	rddreg [dreg:$0x9]  }
0x91: {  	[tilespmem:s12], [sflag:$0x1] =	stream.indirect.gather [hbm4b:s2+s6], $0x20, s10, s6, $0xb8;
	[tilespmem:$0x14A00] =	vst v63  }
0x92: {  	s11 =	rddreg [dreg:$0x8]  }
0x93: {  	[tilespmem:s13], [sflag:$0x1] =	stream.indirect.gather [hbm4b:s2+s6], $0x20, s11, s6, $0xb8;
	[tilespmem:$0x14A00] =	vst v63  }
0x94: {  	s12 =	rddreg [dreg:$0xa]  }
0x95: {  	[tilespmem:s9], [sflag:$0x1] =	stream.indirect.gather [hbm4b:s2+s6], $0x20, s12, s6, $0xb8;
	[tilespmem:$0x14A00] =	vst v63  }
0x96: {  	s13 =	rddreg [dreg:$0xc]  }
0x97: {  	[tilespmem:s8], [sflag:$0x1] =	stream.indirect.gather [hbm4b:s2+s6], $0x20, s13, s6, $0xb8;
	[tilespmem:$0x14A00] =	vst v63  }
0x98: {  	s10 =	rddreg [dreg:$0xe]  }
0x99: {  	[tilespmem:s7], [sflag:$0x1] =	stream.indirect.gather [hbm4b:s2+s6], $0x20, s10, s6, $0xb8;
	[tilespmem:$0x14A00] =	vst v63  }
0x9a: {  	s11 =	rddreg [dreg:$0x10]  }
0x9b: {  	[tilespmem:s0], [sflag:$0x1] =	stream.indirect.gather [hbm4b:s2+s6], $0x20, s11, s6, $0xb8;
	[tilespmem:$0x14A00] =	vst v63  }
0x9c: {  	s12 =	rddreg [dreg:$0x12];
	s13 =	simm.s32 $0x8A00  }
0x9d: {  	[tilespmem:s13], [sflag:$0x1] =	stream.indirect.gather [hbm4b:s2+s6], $0x20, s12, s6, $0xb8;
	[tilespmem:$0x14A00] =	vst v63  }
0x9e: {  	s9 =	simm.s32 $0x9A00;
	s8 =	simm.s32 $0x480  }
0x9f: {  	[tilespmem:s9], [sflag:$0x1] =	stream.indirect.gather [hbm4b:s2+s6], $0x20, s8, s6, $0xb8;
	[tilespmem:$0x14A00] =	vst v63  }
0xa0: {  	s10 =	simm.s32 $0x500;
	s11 =	simm.s32 $0xAA00  }
0xa1: {  	[tilespmem:s11], [sflag:$0x1] =	stream.indirect.gather [hbm4b:s2+s6], $0x20, s10, s6, $0xb8;
	[tilespmem:$0x14A00] =	vst v63  }
0xa2: {  	s12 =	simm.s32 $0x580;
	s13 =	simm.s32 $0xBA00  }
0xa3: {  	[tilespmem:s13], [sflag:$0x1] =	stream.indirect.gather [hbm4b:s2+s6], $0x20, s12, s6, $0xb8;
	[tilespmem:$0x14A00] =	vst v63  }
0xa4: {  	_ = 	snop  }
0xa5: {  	[tilespmem:s15], [sflag:$0x1] =	stream.indirect.gather [hbm4b:s2+s6], $0x20, s14, s6, $0xb8;
	[tilespmem:$0x14A00] =	vst v63  }
0xa6: {  	_ = 	snop  }
0xa7: {  	[tilespmem:s17], [sflag:$0x1] =	stream.indirect.gather [hbm4b:s2+s6], $0x20, s16, s6, $0xb8;
	[tilespmem:$0x14A00] =	vst v63  }
0xa8: {  	_ = 	snop  }
0xa9: {  	[tilespmem:s19], [sflag:$0x1] =	stream.indirect.gather [hbm4b:s2+s6], $0x20, s18, s6, $0xb8;
	[tilespmem:$0x14A00] =	vst v63  }
0xaa: {  	_ = 	snop  }
0xab: {  	[tilespmem:s21], [sflag:$0x1] =	stream.indirect.gather [hbm4b:s2+s6], $0x20, s20, s6, $0xb8;
	[tilespmem:$0x14A00] =	vst v63  }
0xac: {  	_ = 	snop  }
0xad: {  	[tilespmem:s23], [sflag:$0x1] =	stream.indirect.gather [hbm4b:s2+s6], $0x20, s22, s6, $0xb8;
	[tilespmem:$0x14A00] =	vst v63  }
0xae: {  	_ = 	snop  }
0xaf: {  	[tilespmem:s25], [sflag:$0x1] =	stream.indirect.gather [hbm4b:s2+s6], $0x20, s24, s6, $0xb8;
	[tilespmem:$0x14A00] =	vst v63  }
0xb0: {  	_ = 	snop  }
0xb1: {  	[tilespmem:s28], [sflag:$0x1] =	stream.indirect.gather [hbm4b:s2+s6], $0x20, s26, s6, $0xb8;
	[tilespmem:$0x14A00] =	vst v63  }
0xb2: {  	_ = 	snop  }
0xb3: {  	[tilespmem:s31], [sflag:$0x1] =	stream.indirect.gather [hbm4b:s2+s6], $0x20, s30, s6, $0xb8;
	[tilespmem:$0x14A00] =	vst v63  }
0xb4: {  	_ =	swait.ge [sflag:s29], $0x1000  }
0xb5: {  	[sflag:s29] =	ssyncset.done $0x0  }
0xb6: {  	[sflag:s29] =	ssyncadd.s32 $0xFFFFF000  }
0xb7: {  	_ =	swait.ge [sflag:s29], $0x1000  }
0xb8: {  	[sflag:s29] =	ssyncset.done $0x0  }
0xb9: {  	[sflag:s29] =	ssyncadd.s32 $0xFFFFF000  }
0xba: {  	_ =	swait.ge [sflag:s29], $0x1000  }
0xbb: {  	[sflag:s29] =	ssyncset.done $0x0  }
0xbc: {  	[sflag:s29] =	ssyncadd.s32 $0xFFFFF000  }
0xbd: {  	_ =	swait.ge [sflag:s29], $0x1000  }
0xbe: {  	[sflag:s29] =	ssyncset.done $0x0  }
0xbf: {  	[sflag:s29] =	ssyncadd.s32 $0xFFFFF000  }
0xc0: {  	_ =	swait.ge [sflag:s29], $0x1000  }
0xc1: {  	[sflag:s29] =	ssyncset.done $0x0  }
0xc2: {  	[sflag:s29] =	ssyncadd.s32 $0xFFFFF000  }
0xc3: {  	_ =	swait.ge [sflag:s29], $0x1000  }
0xc4: {  	[sflag:s29] =	ssyncset.done $0x0  }
0xc5: {  	[sflag:s29] =	ssyncadd.s32 $0xFFFFF000  }
0xc6: {  	_ =	swait.ge [sflag:s29], $0x1000  }
0xc7: {  	[sflag:s29] =	ssyncset.done $0x0  }
0xc8: {  	[sflag:s29] =	ssyncadd.s32 $0xFFFFF000  }
0xc9: {  	_ =	swait.ge [sflag:s29], $0x1000  }
0xca: {  	[sflag:s29] =	ssyncset.done $0x0  }
0xcb: {  	[sflag:s29] =	ssyncadd.s32 $0xFFFFF000  }
0xcc: {  	_ =	swait.ge [sflag:s29], $0x1000  }
0xcd: {  	[sflag:s29] =	ssyncset.done $0x0  }
0xce: {  	[sflag:s29] =	ssyncadd.s32 $0xFFFFF000  }
0xcf: {  	_ =	swait.ge [sflag:s29], $0x1000  }
0xd0: {  	[sflag:s29] =	ssyncset.done $0x0  }
0xd1: {  	[sflag:s29] =	ssyncadd.s32 $0xFFFFF000  }
0xd2: {  	_ =	swait.ge [sflag:s29], $0x1000  }
0xd3: {  	[sflag:s29] =	ssyncset.done $0x0  }
0xd4: {  	[sflag:s29] =	ssyncadd.s32 $0xFFFFF000  }
0xd5: {  	_ =	swait.ge [sflag:s29], $0x1000  }
0xd6: {  	[sflag:s29] =	ssyncset.done $0x0  }
0xd7: {  	[sflag:s29] =	ssyncadd.s32 $0xFFFFF000  }
0xd8: {  	_ =	swait.ge [sflag:s29], $0x1000  }
0xd9: {  	[sflag:s29] =	ssyncset.done $0x0  }
0xda: {  	[sflag:s29] =	ssyncadd.s32 $0xFFFFF000  }
0xdb: {  	_ =	swait.ge [sflag:s29], $0x1000  }
0xdc: {  	[sflag:s29] =	ssyncset.done $0x0  }
0xdd: {  	[sflag:s29] =	ssyncadd.s32 $0xFFFFF000  }
0xde: {  	_ =	swait.ge [sflag:s29], $0x1000  }
0xdf: {  	[sflag:s29] =	ssyncset.done $0x0  }
0xe0: {  	[sflag:s29] =	ssyncadd.s32 $0xFFFFF000  }
0xe1: {  	_ =	swait.ge [sflag:s29], $0x1000  }
0xe2: {  	[sflag:s29] =	ssyncset.done $0x0  }
0xe3: {  	[sflag:s29] =	ssyncadd.s32 $0xFFFFF000  }
0xe4: {  	_ =	swait.ge [sflag:s29], $0x1000  }
0xe5: {  	[sflag:s29] =	ssyncset.done $0x0  }
0xe6: {  	[sflag:s29] =	ssyncadd.s32 $0xFFFFF000  }
0xe7: {  	_ =	swait.ge [sflag:s29], $0x1000  }
0xe8: {  	p0 =	sne.s32 s1, $0x1;
	[sflag:s29] =	ssyncset.done $0x0  }
.Ltmp1:
0xe9: {  	[sflag:s29] =	ssyncadd.s32 $0xFFFFF000;
	(pc) =	sbr.rel @p0 .LBB2_1-.Ltmp1, $4  }
0xea: {  	_ =	swait.ge [sflag:s29], $0x1000  }
0xeb: {  	[sflag:s29] =	ssyncset.done $0x0  }
0xec: {  	[sflag:s29] =	ssyncadd.s32 $0xFFFFF000  }
0xed: {  	s1 =	sadd.s32 $0xFFFFFFFF, s1;
	_ =	swait.ge [sflag:s29], $0x1000  }
.LBB2_2:
0xee: {  	[sflag:s29] =	ssyncset.done $0x0  }
0xef: {  	s0 =	rddreg [dreg:$0x4];
	[sflag:s29] =	ssyncadd.s32 $0xFFFFF000  }
0xf0: {  	[hbm4b:s0+s3] =	stream.linear.scatter [tilespmem:s5], [sflag:$0x2], $0x14000, $0x38;
	[tilespmem:$0x14A00] =	vst v63  }
0xf1: {  	_ =	swait.ge [sflag:s4], $0x14000  }
0xf2: {  	[sflag:s4] =	ssyncset.done $0x0  }
0xf3: {  	[sflag:s4] =	ssyncadd.s32 $0xFFFEC000  }
0xf4: {  	_ =	sfence.sel $0x180000  }
0xf5: {  	[bflag:$0x0] =	sbarrier.arrive $0xFFFF  }
0xf6: {  	_ =	strace $0x90000047  }
0xf7: {  	s31 =	stileid.u32;
	[bflag:$0x2] =	sbarrier.arrive $0xFFFF  }
0xf8: {  	p0 =	sne.s32 s31, $0x0;
	s0 =	rddreg [dreg:$0x2]  }
0xf9: {  	s0 =	sadd.s32 @!p0 $0x100000, s0  }
0xfa: {  	[sflag:s0] =	ssyncadd.tile.s32 @!p0 $0x1;
	_ =	shalt  }
.Lfunc_end2:
_tile_overlayer_lowered:
.L_overlay_start_2:
0xfb: {  	(tag) =	ssettag $0x2  }
0xfc: {  	s0 =	rddreg [dreg:$0x0];
	s2 =	stileid.u32  }
0xfd: {  	s1 =	rddreg [dreg:$0x1];
	p0 =	sne.s32 s2, $0x0  }
0xfe: {  	s3 =	rddreg [dreg:$0x2];
	[bflag:$0x3] =	sbarrier.arrive $0xFFFF;
	s2 =	simm.s32 @!p0 $0x1C02  }
0xff: {  	[timem:s3], [sflag:s2] =	dma.local @!p0 [hbm:s0], s1  }
0x100: {  	s0 =	simm.s32 @!p0 $0x2  }
0x101: {  	_ =	swait.ge @!p0 [sflag:s0], s1  }
0x102: {  	s1 =	ssub.s32 @!p0 $0x0, s1;
	[sflag:s0] =	ssyncset.done @!p0 $0x0  }
0x103: {  	[sflag:s0] =	ssyncadd.s32 @!p0 s1  }
0x104: {  	[bflag:$0x3] =	sbarrier.arrive $0xFFFF  }
0x105: {  	_ =	shalt  }

// kernel: kernel.9.cloned.1.call-start
scs
__scs_entry_jumppad:
0x0: {  	(pc) =	sbr.rel $0x88, $3  }
0x1: {  	(tag) =	ssettag $0x0;
	lr =	simm.s32 $0x1  }
0x2: {  	[smem:$0x3F97] =	sst lr;
	_ =	strace $0xD0000000  }
0x3: {  	_ = 	snop  }
0x4: {  	_ = 	snop  }
0x5: {  	_ = 	snop  }
0x6: {  	_ = 	snop  }
0x7: {  	_ = 	snop  }
__scs_overlays_trampoline_lowered:
0x8: {  	[smem:$0x3FA6] =	sst s0  }
0x9: {  	[smem:$0x3FA7] =	sst s1  }
0xa: {  	[smem:$0x3FA8] =	sst s2  }
0xb: {  	[smem:$0x3FA9] =	sst s3  }
0xc: {  	[smem:$0x3FAA] =	sst s4  }
0xd: {  	[smem:$0x3FAB] =	sst s5  }
0xe: {  	[smem:$0x3FAC] =	sst s6  }
0xf: {  	[smem:$0x3FAD] =	sst s7  }
0x10: {  	[smem:$0x3FAE] =	sst s8  }
0x11: {  	[smem:$0x3FAF] =	sst s9;
	s0 =	simm.s32 @!p0 $0x0  }
0x12: {  	s1 =	sld [smem:$0x3F95];
	s0 =	simm.s32 @p0 $0x1  }
0x13: {  	[smem:$0x3FB0] =	sst s0;
	s0 =	simm.s32 @!p1 $0x0  }
0x14: {  	s2 =	sld [smem:$0x3F94];
	s0 =	simm.s32 @p1 $0x1  }
0x15: {  	[smem:$0x3FB1] =	sst s0;
	s0 =	simm.s32 @!p2 $0x0  }
0x16: {  	s3 =	sld [smem:$0x3FDB];
	s0 =	simm.s32 @p2 $0x1  }
0x17: {  	s4 =	simm.s32 $0x1BF5;
	[smem:$0x3FB3] =	sst s0  }
0x18: {  	s0 =	sld [smem:$0x3F96];
	_ =	swait.ge [sflag:s4], $0x0  }
0x19: {  	s7 =	sld [smem:$0x3F97]  }
0x1a: {  	s8 =	sadd.s32 $0xFFFFE003, lr  }
0x1b: {  	s9 =	sadd.s32 $0xFFFFFEF7, lr;
	s5 =	simm.s32 $0xFFFFFFFF;
	p2 =	slt.u32 s8, $0xFFFFF086  }
0x1c: {  	p1 =	slt.u32 s9, $0xF7A;
	s5 =	simm.s32 @!p2 $0x0  }
0x1d: {  	s5 =	simm.s32 @p1 $0x1;
	p0 =	seq.s32 s7, s2  }
0x1e: {  	s7 =	smul.u32 @!p0 $0xF7A, s2;
	p2 =	seq.s32 @!p0 s5, $0x0  }
0x1f: {  	s9 =	smul.u32 $0xF7A, s1;
	s8 =	simm.s32 @!p0 $0x1BF5;
	p2 =	por !p2, p0  }
0x20: {  	[sflag:s8] =	ssyncset.s32 @!p0 $0xFFFFF086;
	s6 =	sadd.s32 @!p0 s3, s7;
	s7 =	simm.s32 @!p0 $0x108  }
0x21: {  	s3 =	sadd.s32 s3, s9;
	s6 =	sadd.s32 @!p0 $0x88, s6;
	s7 =	simm.s32 @p2 $0x1082  }
0x22: {  	[simem:s7], [sflag:s8] =	dma.local @!p0 [hbm:s6], $0xF7A  }
0x23: {  	s9 =	sor.u32 $0xD0000000, s2;
	s6 =	simm.s32 $0x108;
	_ =	swait.ge @!p0 [sflag:s8], $0x0  }
0x24: {  	s3 =	sadd.s32 $0x88, s3;
	s6 =	simm.s32 @!p1 $0x1082;
	[sflag:s4] =	ssyncset.s32 $0xFFFFF086  }
0x25: {  	[simem:s6], [sflag:s4] =	dma.local [hbm:s3], $0xF7A  }
0x26: {  	[smem:$0x3F97] =	sst s1;
	(tag) =	ssettag s2;
	_ =	strace s9  }
0x27: {  	s1 =	sld [smem:$0x3FA7]  }
0x28: {  	s2 =	sld [smem:$0x3FA8]  }
0x29: {  	s4 =	sld [smem:$0x3FAA]  }
0x2a: {  	p0 =	seq.s32 s5, $0x0;
	s5 =	sld [smem:$0x3FAB]  }
0x2b: {  	s6 =	sld [smem:$0x3FAC]  }
0x2c: {  	s7 =	sld [smem:$0x3FAD]  }
0x2d: {  	s3 =	simm.s32 $0x108;
	s8 =	sld [smem:$0x3FAE]  }
0x2e: {  	s3 =	simm.s32 @!p0 $0x1082;
	s9 =	sld [smem:$0x3FAF]  }
0x2f: {  	lr =	sadd.s32 s0, s3;
	s0 =	sld [smem:$0x3FA6]  }
0x30: {  	s3 =	sld [smem:$0x3FA9]  }
0x31: {  	[smem:$0x3FB2] =	sst s10  }
0x32: {  	s10 =	sld [smem:$0x3FB0];
	_ =	sdelay $0x3  }
0x33: {  	p0 =	seq.s32 s10, $0x1;
	s10 =	sld [smem:$0x3FB2];
	_ =	sdelay $0x3  }
0x34: {  	[smem:$0x3FB2] =	sst s10  }
0x35: {  	s10 =	sld [smem:$0x3FB1];
	_ =	sdelay $0x3  }
0x36: {  	p1 =	seq.s32 s10, $0x1;
	s10 =	sld [smem:$0x3FB2];
	_ =	sdelay $0x3  }
0x37: {  	[smem:$0x3FB2] =	sst s10  }
0x38: {  	s10 =	sld [smem:$0x3FB3]  }
0x39: {  	_ = 	snop;
	(pc) =	sbr.ind lr, $3  }
0x3a: {  	_ = 	snop  }
0x3b: {  	_ = 	snop  }
0x3c: {  	p2 =	seq.s32 s10, $0x1;
	s10 =	sld [smem:$0x3FB2]  }
0x3d: {  	_ =	shalt  }
0x3e: {  	_ =	shalt  }
0x3f: {  	_ =	shalt  }
0x40: {  	_ =	shalt  }
0x41: {  	_ =	shalt  }
0x42: {  	_ =	shalt  }
0x43: {  	_ =	shalt  }
0x44: {  	_ =	shalt  }
0x45: {  	_ =	shalt  }
0x46: {  	_ =	shalt  }
0x47: {  	_ =	shalt  }
0x48: {  	_ =	shalt  }
0x49: {  	_ =	shalt  }
0x4a: {  	_ =	shalt  }
0x4b: {  	_ =	shalt  }
0x4c: {  	_ =	shalt  }
0x4d: {  	_ =	shalt  }
0x4e: {  	_ =	shalt  }
0x4f: {  	_ =	shalt  }
0x50: {  	_ =	shalt  }
0x51: {  	_ =	shalt  }
0x52: {  	_ =	shalt  }
0x53: {  	_ =	shalt  }
0x54: {  	_ =	shalt  }
0x55: {  	_ =	shalt  }
0x56: {  	_ =	shalt  }
0x57: {  	_ =	shalt  }
0x58: {  	_ =	shalt  }
0x59: {  	_ =	shalt  }
0x5a: {  	_ =	shalt  }
0x5b: {  	_ =	shalt  }
0x5c: {  	_ =	shalt  }
0x5d: {  	_ =	shalt  }
0x5e: {  	_ =	shalt  }
0x5f: {  	_ =	shalt  }
0x60: {  	_ =	shalt  }
0x61: {  	_ =	shalt  }
0x62: {  	_ =	shalt  }
0x63: {  	_ =	shalt  }
0x64: {  	_ =	shalt  }
0x65: {  	_ =	shalt  }
0x66: {  	_ =	shalt  }
0x67: {  	_ =	shalt  }
0x68: {  	_ =	shalt  }
0x69: {  	_ =	shalt  }
0x6a: {  	_ =	shalt  }
0x6b: {  	_ =	shalt  }
0x6c: {  	_ =	shalt  }
0x6d: {  	_ =	shalt  }
0x6e: {  	_ =	shalt  }
0x6f: {  	_ =	shalt  }
0x70: {  	_ =	shalt  }
0x71: {  	_ =	shalt  }
0x72: {  	_ =	shalt  }
0x73: {  	_ =	shalt  }
0x74: {  	_ =	shalt  }
0x75: {  	_ =	shalt  }
0x76: {  	_ =	shalt  }
0x77: {  	_ =	shalt  }
0x78: {  	_ =	shalt  }
0x79: {  	_ =	shalt  }
0x7a: {  	_ =	shalt  }
0x7b: {  	_ =	shalt  }
0x7c: {  	_ =	shalt  }
0x7d: {  	_ =	shalt  }
0x7e: {  	_ =	shalt  }
0x7f: {  	_ =	shalt  }
0x80: {  	_ =	shalt  }
0x81: {  	_ =	shalt  }
0x82: {  	_ =	shalt  }
0x83: {  	_ =	shalt  }
0x84: {  	_ =	shalt  }
0x85: {  	_ =	shalt  }
0x86: {  	_ =	shalt  }
0x87: {  	_ =	shalt  }
.Lfunc_end0:
.L_simem_size_0:
called_computation.1_lowered:
.L_overlay_start_0:
0x88: {  	s2 =	sld [smem:$0x3FD9]  }
0x89: {  	s3 =	sld [smem:$0x3FFE];
	_ =	sdelay $0x1  }
0x8a: {  	s1 =	srdreg.scid  }
0x8b: {  	s0 =	sand.u32 $0x1, s1  }
0x8c: {  	s16 =	sshll.u32 s0, $0xA;
	s2 =	sadd.s32 s3, s2  }
0x8d: {  	s2 =	sadd.s32 s2, s16  }
0x8e: {  	[smem:$0x3FBE] =	sst s2  }
0x8f: {  	_ = 	snop  }
0x90: {  	(tm) =	ssettm $0x1  }
0x91: {  	s17 =	sld [smem:$0x3FFB];
	_ =	sdelay $0x3  }
0x92: {  	_ =	strace s17  }
0x93: {  	s2 =	sld [smem:$0x3FFC];
	_ =	sdelay $0x3  }
0x94: {  	_ =	strace s2  }
0x95: {  	s2 =	sld [smem:$0x3FFD];
	_ =	sdelay $0x3  }
0x96: {  	_ =	strace s2  }
0x97: {  	_ =	strace $0x8FFFFFFF  }
0x98: {  	s18 =	sld [smem:$0x3FDB];
	_ =	sdelay $0x1  }
0x99: {  	s19 =	simm.s32 $_scs_section_size  }
0x9a: {  	s4 =	simm.s32 $_size__tile_overlayer_lowered;
	s5 =	simm.s32 $_tile_overlayer_lowered  }
0x9b: {  	s22 =	simm.s32 $0x1BFF;
	s21 =	sshll.u32 s5, $0x1;
	s2 =	sadd.s32 s19, s18  }
0x9c: {  	s6 =	simm.s32 $0x0;
	s20 =	sshll.u32 s4, $0x1;
	s4 =	sadd.s32 s21, s2  }
0x9d: {  	[timem:s6], [sflag:s22] =	dma.local [hbm:s4], s20  }
0x9e: {  	_ =	swait.ge [sflag:s22], s20  }
0x9f: {  	s3 =	ssub.s32 $0x0, s20;
	[sflag:s22] =	ssyncset.done $0x0  }
0xa0: {  	[sflag:s22] =	ssyncadd.s32 s3;
	_ =	sdelay $0x1  }
0xa1: {  	s23 =	simm.s32 $0x1B8B  }
0xa2: {  	_ =	swait.ge [sflag:s23], $0x1  }
0xa3: {  	[sflag:s23] =	ssyncset.done $0x0  }
0xa4: {  	s25 =	simm.s32 $0x1B8E;
	s24 =	sld [smem:$0x3FFE];
	[sflag:s23] =	ssyncadd.s32 $0xFFFFFFFF  }
0xa5: {  	s26 =	simm.s32 $execute0_lowered;
	[smem:$0x3FD2] =	sst s25  }
0xa6: {  	s4 =	sshll.u32 s26, $0x1;
	_ =	strace $0x80000049;
	[dreg:$0x1] =	wrdreg $0xFFFFFFFF  }
0xa7: {  	s28 =	simm.s32 $_size_execute0_lowered;
	s2 =	sadd.s32 s2, s4;
	[dreg:$0x0] =	wrdreg $0x0  }
0xa8: {  	s4 =	sshll.u32 s28, $0x1;
	[dreg:$0x2] =	wrdreg s2  }
0xa9: {  	[dreg:$0x3] =	wrdreg s4  }
0xaa: {  	[dreg:$0x4] =	wrdreg $0xC0  }
0xab: {  	_ =	task [dreg:s6], $0x5FFFF  }
0xac: {  	[dreg:$0x1] =	wrdreg $0xFFFFFFFF  }
0xad: {  	[dreg:$0x0] =	wrdreg $0x60  }
0xae: {  	[dreg:$0x2] =	wrdreg s24  }
0xaf: {  	[dreg:$0x3] =	wrdreg $0x14A000  }
0xb0: {  	[dreg:$0x4] =	wrdreg $0x9  }
0xb1: {  	_ =	task.clear_ibuf [dreg:s6], $0x5FFFF;
	_ =	strace $0x90000049  }
0xb2: {  	s29 =	simm.s32 $0x9;
	_ =	strace $0x8000004B  }
0xb3: {  	_ =	swait.ge [sflag:s29], $0x1  }
0xb4: {  	[sflag:s29] =	ssyncadd.s32 $0xFFFFFFFF  }
0xb5: {  	_ =	strace $0x9000004B  }
0xb6: {  	_ =	sfence  }
0xb7: {  	s30 =	sld [smem:$0x0];
	_ =	sdelay $0x2  }
0xb8: {  	s31 =	sshll.u32 s1, $0xD;
	s1 =	sshrl.u32 s1, $0x2  }
0xb9: {  	s3 =	sand.u32 $0x4000, s31;
	s1 =	sadd.s32 s1, s30  }
0xba: {  	s0 =	sor.u32 s3, s0;
	s1 =	sshll.u32 s1, $0x11  }
0xbb: {  	s0 =	sor.u32 s1, s0  }
0xbc: {  	s0 =	sadd.s32 $0x8F2B, s0  }
0xbd: {  	[sflag:s0] =	ssyncadd.remote.s32 $0x1  }
0xbe: {  	_ =	sfence.sel $0xFFFF  }
0xbf: {  	[dreg:$0x0] =	wrdreg $0xFFFFFFFF;
	(pc) =	sbr.abs _section_cstart, $3  }
0xc0: {  	[dreg:$0x1] =	wrdreg $0xFFFFFFFF  }
0xc1: {  	_ =	task.clear_ibuf [dreg:s6], $0x2FFFF;
	_ =	strace $0x9FFFFFFF  }
0xc2: {  	(tm) =	ssettm $0x7FFFFFFF  }
0xc3: {  	_ =	shalt  }
tec
execute0_lowered:
.L_overlay_start_1:
0x0: {  	(tag) =	ssettag $0x1  }
0x1: {  	s1 =	srdreg.scid  }
0x2: {  	s0 =	stileid.u32;
	s5 =	rddreg [dreg:$0x0];
	s3 =	simm.s32 $0x0  }
0x3: {  	s1 =	sand.u32 $0x1, s1;
	s2 =	sshll.u32 s0, $0x1;
	[smem:$0x7FF] =	sst s3  }
0x4: {  	s10 =	simm.s32 $0x1A00;
	s4 =	sor.u32 s1, s2;
	s2 =	rddreg [dreg:$0x1]  }
0x5: {  	s11 =	simm.s32 $0x100;
	_ =	strace $0x8000004A;
	[dreg:$0x7] =	wrdreg s10  }
0x6: {  	s12 =	simm.s32 $0x2A00;
	[dreg:$0x8] =	wrdreg s11  }
0x7: {  	s13 =	simm.s32 $0x180;
	[dreg:$0x9] =	wrdreg s12  }
0x8: {  	s14 =	simm.s32 $0x3A00;
	[dreg:$0xa] =	wrdreg s13  }
0x9: {  	s15 =	simm.s32 $0x200;
	[dreg:$0xb] =	wrdreg s14  }
0xa: {  	s16 =	simm.s32 $0x4A00;
	[dreg:$0xc] =	wrdreg s15  }
0xb: {  	s17 =	simm.s32 $0x280;
	[dreg:$0xd] =	wrdreg s16  }
0xc: {  	s18 =	simm.s32 $0x5A00;
	[dreg:$0xe] =	wrdreg s17  }
0xd: {  	s19 =	simm.s32 $0x300;
	s20 =	simm.s32 $0x6A00;
	[dreg:$0xf] =	wrdreg s18  }
0xe: {  	s21 =	simm.s32 $0x380;
	s22 =	simm.s32 $0x7A00;
	[dreg:$0x10] =	wrdreg s19  }
0xf: {  	s25 =	simm.s32 $0x400;
	s7 =	smul.u32 $0x5400, s0;
	[dreg:$0x11] =	wrdreg s20  }
0x10: {  	s24 =	sshll.u32 s0, $0x6;
	s9 =	smul.u32 $0x54000, s1;
	[dreg:$0x12] =	wrdreg s21  }
0x11: {  	s0 =	simm.s32 $0x8A00;
	[dreg:$0x13] =	wrdreg s22;
	s6 =	smul.u32 $0x2800, s4  }
0x12: {  	[dreg:$0x14] =	wrdreg s25;
	s4 =	smul.u32 $0x140, s4;
	s8 =	sshrl.u32 s7, $0x3  }
0x13: {  	[dreg:$0x15] =	wrdreg s0;
	s8 =	sadd.s32 s8, s5  }
0x14: {  	s9 =	sadd.s32 s7, s9;
	s4 =	sadd.s32 s4, s5;
	s8 =	sadd.s32 $0x56A00, s8  }
0x15: {  	s6 =	sadd.s32 s6, s5;
	[dreg:$0x3] =	wrdreg s8;
	s4 =	sadd.s32 $0x4200, s4  }
0x16: {  	s9 =	sshrl.u32 s9, $0x3;
	s8 =	sadd.s32 $0x6A00, s6;
	[dreg:$0x4] =	wrdreg s4  }
0x17: {  	s23 =	sadd.s32 s7, s2;
	s5 =	sadd.s32 s9, s5;
	[dreg:$0x5] =	wrdreg s8  }
0x18: {  	s6 =	sshrl.u32 s23, $0x3;
	s9 =	sadd.s32 $0x61200, s5;
	s26 =	rddreg [dreg:$0x3]  }
0x19: {  	s4 =	sor.u32 $0x1C01, s24;
	s5 =	simm.s32 $0x1;
	[dreg:$0x6] =	wrdreg s9  }
0x1a: {  	[spmem:s6], [sflag:s4] =	dma.local [hbm:s26], $0xA80  }
0x1b: {  	_ =	swait.ge [sflag:s5], $0xA80  }
0x1c: {  	[sflag:s5] =	ssyncset.done $0x0  }
0x1d: {  	s9 =	rddreg [dreg:$0x4];
	[sflag:s5] =	ssyncadd.s32 $0xFFFFF580  }
0x1e: {  	[tilespmem:s3], [sflag:$0x1] =	stream.linear.gather [hbm4b:s9+s3], $0xA00, $0x38;
	[tilespmem:$0x19E00] =	vst v63  }
0x1f: {  	_ =	swait.ge [sflag:s5], $0xA00  }
0x20: {  	[sflag:s5] =	ssyncset.done $0x0  }
0x21: {  	s7 =	simm.s32 $0xA00;
	s10 =	rddreg [dreg:$0x5];
	[sflag:s5] =	ssyncadd.s32 $0xFFFFF600  }
0x22: {  	[tilespmem:s7], [sflag:$0x1] =	stream.linear.gather [hbm4b:s10+s3], $0x14000, $0x38;
	[tilespmem:$0x19E00] =	vst v63  }
0x23: {  	_ =	swait.ge [sflag:s5], $0x14000  }
0x24: {  	[sflag:s5] =	ssyncset.done $0x0  }
0x25: {  	[sflag:s5] =	ssyncadd.s32 $0xFFFEC000  }
0x26: {  	s8 =	simm.s32 $0x80;
	[bflag:$0x0] =	sbarrier.arrive $0xFFFF  }
0x27: {  	[spmem:s2] =	stream.indirect.scatter.add.f32 [tilespmem:s7], [sflag:$0x1], $0x20, s3, s8, $0xb8;
	[tilespmem:$0x19E00] =	vst v63  }
0x28: {  	_ =	swait.ge [sflag:s5], $0x1000  }
0x29: {  	[sflag:s5] =	ssyncset.done $0x0  }
0x2a: {  	s11 =	rddreg [dreg:$0x7];
	[sflag:s5] =	ssyncadd.s32 $0xFFFFF000  }
0x2b: {  	[spmem:s2] =	stream.indirect.scatter.add.f32 [tilespmem:s11], [sflag:$0x1], $0x20, s8, s8, $0xb8;
	[tilespmem:$0x19E00] =	vst v63  }
0x2c: {  	_ =	swait.ge [sflag:s5], $0x1000  }
0x2d: {  	s12 =	rddreg [dreg:$0x8];
	[sflag:s5] =	ssyncset.done $0x0  }
0x2e: {  	s10 =	rddreg [dreg:$0x9];
	[sflag:s5] =	ssyncadd.s32 $0xFFFFF000  }
0x2f: {  	[spmem:s2] =	stream.indirect.scatter.add.f32 [tilespmem:s10], [sflag:$0x1], $0x20, s12, s8, $0xb8;
	[tilespmem:$0x19E00] =	vst v63  }
0x30: {  	_ =	swait.ge [sflag:s5], $0x1000  }
0x31: {  	s13 =	rddreg [dreg:$0xa];
	[sflag:s5] =	ssyncset.done $0x0  }
0x32: {  	s14 =	rddreg [dreg:$0xb];
	[sflag:s5] =	ssyncadd.s32 $0xFFFFF000  }
0x33: {  	[spmem:s2] =	stream.indirect.scatter.add.f32 [tilespmem:s14], [sflag:$0x1], $0x20, s13, s8, $0xb8;
	[tilespmem:$0x19E00] =	vst v63  }
0x34: {  	_ =	swait.ge [sflag:s5], $0x1000  }
0x35: {  	s15 =	rddreg [dreg:$0xc];
	[sflag:s5] =	ssyncset.done $0x0  }
0x36: {  	s16 =	rddreg [dreg:$0xd];
	[sflag:s5] =	ssyncadd.s32 $0xFFFFF000  }
0x37: {  	[spmem:s2] =	stream.indirect.scatter.add.f32 [tilespmem:s16], [sflag:$0x1], $0x20, s15, s8, $0xb8;
	[tilespmem:$0x19E00] =	vst v63  }
0x38: {  	_ =	swait.ge [sflag:s5], $0x1000  }
0x39: {  	s17 =	rddreg [dreg:$0xe];
	[sflag:s5] =	ssyncset.done $0x0  }
0x3a: {  	s18 =	rddreg [dreg:$0xf];
	[sflag:s5] =	ssyncadd.s32 $0xFFFFF000  }
0x3b: {  	[spmem:s2] =	stream.indirect.scatter.add.f32 [tilespmem:s18], [sflag:$0x1], $0x20, s17, s8, $0xb8;
	[tilespmem:$0x19E00] =	vst v63  }
0x3c: {  	_ =	swait.ge [sflag:s5], $0x1000  }
0x3d: {  	s19 =	rddreg [dreg:$0x10];
	[sflag:s5] =	ssyncset.done $0x0  }
0x3e: {  	s20 =	rddreg [dreg:$0x11];
	[sflag:s5] =	ssyncadd.s32 $0xFFFFF000  }
0x3f: {  	[spmem:s2] =	stream.indirect.scatter.add.f32 [tilespmem:s20], [sflag:$0x1], $0x20, s19, s8, $0xb8;
	[tilespmem:$0x19E00] =	vst v63  }
0x40: {  	_ =	swait.ge [sflag:s5], $0x1000  }
0x41: {  	s21 =	rddreg [dreg:$0x12];
	[sflag:s5] =	ssyncset.done $0x0  }
0x42: {  	s22 =	rddreg [dreg:$0x13];
	[sflag:s5] =	ssyncadd.s32 $0xFFFFF000  }
0x43: {  	[spmem:s2] =	stream.indirect.scatter.add.f32 [tilespmem:s22], [sflag:$0x1], $0x20, s21, s8, $0xb8;
	[tilespmem:$0x19E00] =	vst v63  }
0x44: {  	_ =	swait.ge [sflag:s5], $0x1000  }
0x45: {  	s23 =	rddreg [dreg:$0x14];
	[sflag:s5] =	ssyncset.done $0x0  }
0x46: {  	s24 =	rddreg [dreg:$0x15];
	[sflag:s5] =	ssyncadd.s32 $0xFFFFF000  }
0x47: {  	[spmem:s2] =	stream.indirect.scatter.add.f32 [tilespmem:s24], [sflag:$0x1], $0x20, s23, s8, $0xb8;
	[tilespmem:$0x19E00] =	vst v63  }
0x48: {  	_ =	swait.ge [sflag:s5], $0x1000  }
0x49: {  	[sflag:s5] =	ssyncset.done $0x0  }
0x4a: {  	s25 =	simm.s32 $0x480;
	s26 =	simm.s32 $0x9A00;
	[sflag:s5] =	ssyncadd.s32 $0xFFFFF000  }
0x4b: {  	[spmem:s2] =	stream.indirect.scatter.add.f32 [tilespmem:s26], [sflag:$0x1], $0x20, s25, s8, $0xb8;
	[tilespmem:$0x19E00] =	vst v63  }
0x4c: {  	_ =	swait.ge [sflag:s5], $0x1000  }
0x4d: {  	[sflag:s5] =	ssyncset.done $0x0  }
0x4e: {  	s11 =	simm.s32 $0x500;
	s12 =	simm.s32 $0xAA00;
	[sflag:s5] =	ssyncadd.s32 $0xFFFFF000  }
0x4f: {  	[spmem:s2] =	stream.indirect.scatter.add.f32 [tilespmem:s12], [sflag:$0x1], $0x20, s11, s8, $0xb8;
	[tilespmem:$0x19E00] =	vst v63  }
0x50: {  	_ =	swait.ge [sflag:s5], $0x1000  }
0x51: {  	[sflag:s5] =	ssyncset.done $0x0  }
0x52: {  	s13 =	simm.s32 $0x580;
	s14 =	simm.s32 $0xBA00;
	[sflag:s5] =	ssyncadd.s32 $0xFFFFF000  }
0x53: {  	[spmem:s2] =	stream.indirect.scatter.add.f32 [tilespmem:s14], [sflag:$0x1], $0x20, s13, s8, $0xb8;
	[tilespmem:$0x19E00] =	vst v63  }
0x54: {  	_ =	swait.ge [sflag:s5], $0x1000  }
0x55: {  	[sflag:s5] =	ssyncset.done $0x0  }
0x56: {  	s15 =	simm.s32 $0x600;
	s16 =	simm.s32 $0xCA00;
	[sflag:s5] =	ssyncadd.s32 $0xFFFFF000  }
0x57: {  	[spmem:s2] =	stream.indirect.scatter.add.f32 [tilespmem:s16], [sflag:$0x1], $0x20, s15, s8, $0xb8;
	[tilespmem:$0x19E00] =	vst v63  }
0x58: {  	_ =	swait.ge [sflag:s5], $0x1000  }
0x59: {  	[sflag:s5] =	ssyncset.done $0x0  }
0x5a: {  	s17 =	simm.s32 $0x680;
	s18 =	simm.s32 $0xDA00;
	[sflag:s5] =	ssyncadd.s32 $0xFFFFF000  }
0x5b: {  	[spmem:s2] =	stream.indirect.scatter.add.f32 [tilespmem:s18], [sflag:$0x1], $0x20, s17, s8, $0xb8;
	[tilespmem:$0x19E00] =	vst v63  }
0x5c: {  	_ =	swait.ge [sflag:s5], $0x1000  }
0x5d: {  	[sflag:s5] =	ssyncset.done $0x0  }
0x5e: {  	s19 =	simm.s32 $0x700;
	s20 =	simm.s32 $0xEA00;
	[sflag:s5] =	ssyncadd.s32 $0xFFFFF000  }
0x5f: {  	[spmem:s2] =	stream.indirect.scatter.add.f32 [tilespmem:s20], [sflag:$0x1], $0x20, s19, s8, $0xb8;
	[tilespmem:$0x19E00] =	vst v63  }
0x60: {  	_ =	swait.ge [sflag:s5], $0x1000  }
0x61: {  	[sflag:s5] =	ssyncset.done $0x0  }
0x62: {  	s21 =	simm.s32 $0x780;
	s22 =	simm.s32 $0xFA00;
	[sflag:s5] =	ssyncadd.s32 $0xFFFFF000  }
0x63: {  	[spmem:s2] =	stream.indirect.scatter.add.f32 [tilespmem:s22], [sflag:$0x1], $0x20, s21, s8, $0xb8;
	[tilespmem:$0x19E00] =	vst v63  }
0x64: {  	_ =	swait.ge [sflag:s5], $0x1000  }
0x65: {  	[sflag:s5] =	ssyncset.done $0x0  }
0x66: {  	s23 =	simm.s32 $0x800;
	s24 =	simm.s32 $0x10A00;
	[sflag:s5] =	ssyncadd.s32 $0xFFFFF000  }
0x67: {  	[spmem:s2] =	stream.indirect.scatter.add.f32 [tilespmem:s24], [sflag:$0x1], $0x20, s23, s8, $0xb8;
	[tilespmem:$0x19E00] =	vst v63  }
0x68: {  	_ =	swait.ge [sflag:s5], $0x1000  }
0x69: {  	[sflag:s5] =	ssyncset.done $0x0  }
0x6a: {  	s25 =	simm.s32 $0x880;
	s26 =	simm.s32 $0x11A00;
	[sflag:s5] =	ssyncadd.s32 $0xFFFFF000  }
0x6b: {  	[spmem:s2] =	stream.indirect.scatter.add.f32 [tilespmem:s26], [sflag:$0x1], $0x20, s25, s8, $0xb8;
	[tilespmem:$0x19E00] =	vst v63  }
0x6c: {  	s1 =	ssub.s32 $0x2, s1;
	_ =	swait.ge [sflag:s5], $0x1000  }
0x6d: {  	s28 =	simm.s32 $0x900;
	s30 =	sshrl.u32 s1, $0x1;
	[sflag:s5] =	ssyncset.done $0x0  }
0x6e: {  	s29 =	simm.s32 $0x12A00;
	s1 =	ssub.s32 s1, s30;
	[sflag:s5] =	ssyncadd.s32 $0xFFFFF000  }
0x6f: {  	[spmem:s2] =	stream.indirect.scatter.add.f32 [tilespmem:s29], [sflag:$0x1], $0x20, s28, s8, $0xb8;
	[tilespmem:$0x19E00] =	vst v63  }
0x70: {  	s1 =	smax.u32 s1, $0x1;
	_ =	swait.ge [sflag:s5], $0x1000  }
0x71: {  	s31 =	simm.s32 $0x13A00;
	p0 =	sne.s32 s1, $0x1;
	[sflag:s5] =	ssyncset.done $0x0  }
.Ltmp0:
0x72: {  	s30 =	simm.s32 $0x980;
	[sflag:s5] =	ssyncadd.s32 $0xFFFFF000;
	(pc) =	sbr.rel @!p0 .LBB2_2-.Ltmp0, $4  }
0x73: {  	[spmem:s2] =	stream.indirect.scatter.add.f32 [tilespmem:s31], [sflag:$0x1], $0x20, s30, s8, $0xb8;
	[tilespmem:$0x19E00] =	vst v63  }
0x74: {  	_ =	swait.ge [sflag:s5], $0x1000  }
0x75: {  	[sflag:s5] =	ssyncset.done $0x0  }
0x76: {  	s1 =	sadd.s32 $0xFFFFFFFF, s1;
	s10 =	simm.s32 $0x9A00;
	[sflag:s5] =	ssyncadd.s32 $0xFFFFF000  }
.LBB2_1:
0x77: {  	[bflag:$0x0] =	sbarrier.arrive $0xFFFF  }
0x78: {  	s0 =	rddreg [dreg:$0x6]  }
0x79: {  	[hbm:s0], [sflag:s4] =	dma.local [spmem:s6], $0xA80  }
0x7a: {  	_ =	swait.ge [sflag:s5], $0xA80  }
0x7b: {  	[sflag:s5] =	ssyncset.done $0x0  }
0x7c: {  	s9 =	rddreg [dreg:$0x3];
	[sflag:s5] =	ssyncadd.s32 $0xFFFFF580  }
0x7d: {  	[spmem:s6], [sflag:s4] =	dma.local [hbm:s9], $0xA80  }
0x7e: {  	_ =	swait.ge [sflag:s5], $0xA80  }
0x7f: {  	[sflag:s5] =	ssyncset.done $0x0  }
0x80: {  	s9 =	rddreg [dreg:$0x4];
	[sflag:s5] =	ssyncadd.s32 $0xFFFFF580  }
0x81: {  	[tilespmem:s3], [sflag:$0x1] =	stream.linear.gather [hbm4b:s9+s3], $0xA00, $0x38;
	[tilespmem:$0x19E00] =	vst v63  }
0x82: {  	_ =	swait.ge [sflag:s5], $0xA00  }
0x83: {  	[sflag:s5] =	ssyncset.done $0x0  }
0x84: {  	s9 =	rddreg [dreg:$0x5];
	[sflag:s5] =	ssyncadd.s32 $0xFFFFF600  }
0x85: {  	[tilespmem:s7], [sflag:$0x1] =	stream.linear.gather [hbm4b:s9+s3], $0x14000, $0x38;
	[tilespmem:$0x19E00] =	vst v63  }
0x86: {  	_ =	swait.ge [sflag:s5], $0x14000  }
0x87: {  	[sflag:s5] =	ssyncset.done $0x0  }
0x88: {  	[sflag:s5] =	ssyncadd.s32 $0xFFFEC000  }
0x89: {  	[bflag:$0x0] =	sbarrier.arrive $0xFFFF  }
0x8a: {  	[spmem:s2] =	stream.indirect.scatter.add.f32 [tilespmem:s7], [sflag:$0x1], $0x20, s3, s8, $0xb8;
	[tilespmem:$0x19E00] =	vst v63  }
0x8b: {  	_ =	swait.ge [sflag:s5], $0x1000  }
0x8c: {  	[sflag:s5] =	ssyncset.done $0x0  }
0x8d: {  	s9 =	rddreg [dreg:$0x7];
	[sflag:s5] =	ssyncadd.s32 $0xFFFFF000  }
0x8e: {  	[spmem:s2] =	stream.indirect.scatter.add.f32 [tilespmem:s9], [sflag:$0x1], $0x20, s8, s8, $0xb8;
	[tilespmem:$0x19E00] =	vst v63  }
0x8f: {  	_ =	swait.ge [sflag:s5], $0x1000  }
0x90: {  	s0 =	rddreg [dreg:$0x8];
	[sflag:s5] =	ssyncset.done $0x0  }
0x91: {  	s9 =	rddreg [dreg:$0x9];
	[sflag:s5] =	ssyncadd.s32 $0xFFFFF000  }
0x92: {  	[spmem:s2] =	stream.indirect.scatter.add.f32 [tilespmem:s9], [sflag:$0x1], $0x20, s0, s8, $0xb8;
	[tilespmem:$0x19E00] =	vst v63  }
0x93: {  	_ =	swait.ge [sflag:s5], $0x1000  }
0x94: {  	[sflag:s5] =	ssyncset.done $0x0;
	s0 =	rddreg [dreg:$0xa]  }
0x95: {  	s9 =	rddreg [dreg:$0xb];
	[sflag:s5] =	ssyncadd.s32 $0xFFFFF000  }
0x96: {  	[spmem:s2] =	stream.indirect.scatter.add.f32 [tilespmem:s9], [sflag:$0x1], $0x20, s0, s8, $0xb8;
	[tilespmem:$0x19E00] =	vst v63  }
0x97: {  	_ =	swait.ge [sflag:s5], $0x1000  }
0x98: {  	[sflag:s5] =	ssyncset.done $0x0;
	s0 =	rddreg [dreg:$0xc]  }
0x99: {  	s9 =	rddreg [dreg:$0xd];
	[sflag:s5] =	ssyncadd.s32 $0xFFFFF000  }
0x9a: {  	[spmem:s2] =	stream.indirect.scatter.add.f32 [tilespmem:s9], [sflag:$0x1], $0x20, s0, s8, $0xb8;
	[tilespmem:$0x19E00] =	vst v63  }
0x9b: {  	_ =	swait.ge [sflag:s5], $0x1000  }
0x9c: {  	[sflag:s5] =	ssyncset.done $0x0;
	s0 =	rddreg [dreg:$0xe]  }
0x9d: {  	s9 =	rddreg [dreg:$0xf];
	[sflag:s5] =	ssyncadd.s32 $0xFFFFF000  }
0x9e: {  	[spmem:s2] =	stream.indirect.scatter.add.f32 [tilespmem:s9], [sflag:$0x1], $0x20, s0, s8, $0xb8;
	[tilespmem:$0x19E00] =	vst v63  }
0x9f: {  	_ =	swait.ge [sflag:s5], $0x1000  }
0xa0: {  	[sflag:s5] =	ssyncset.done $0x0;
	s0 =	rddreg [dreg:$0x10]  }
0xa1: {  	s9 =	rddreg [dreg:$0x11];
	[sflag:s5] =	ssyncadd.s32 $0xFFFFF000  }
0xa2: {  	[spmem:s2] =	stream.indirect.scatter.add.f32 [tilespmem:s9], [sflag:$0x1], $0x20, s0, s8, $0xb8;
	[tilespmem:$0x19E00] =	vst v63  }
0xa3: {  	_ =	swait.ge [sflag:s5], $0x1000  }
0xa4: {  	[sflag:s5] =	ssyncset.done $0x0;
	s0 =	rddreg [dreg:$0x12]  }
0xa5: {  	s9 =	rddreg [dreg:$0x13];
	[sflag:s5] =	ssyncadd.s32 $0xFFFFF000  }
0xa6: {  	[spmem:s2] =	stream.indirect.scatter.add.f32 [tilespmem:s9], [sflag:$0x1], $0x20, s0, s8, $0xb8;
	[tilespmem:$0x19E00] =	vst v63  }
0xa7: {  	_ =	swait.ge [sflag:s5], $0x1000  }
0xa8: {  	[sflag:s5] =	ssyncset.done $0x0;
	s0 =	rddreg [dreg:$0x14]  }
0xa9: {  	s9 =	rddreg [dreg:$0x15];
	[sflag:s5] =	ssyncadd.s32 $0xFFFFF000  }
0xaa: {  	[spmem:s2] =	stream.indirect.scatter.add.f32 [tilespmem:s9], [sflag:$0x1], $0x20, s0, s8, $0xb8;
	[tilespmem:$0x19E00] =	vst v63  }
0xab: {  	_ =	swait.ge [sflag:s5], $0x1000  }
0xac: {  	[sflag:s5] =	ssyncset.done $0x0  }
0xad: {  	s9 =	simm.s32 $0x480;
	[sflag:s5] =	ssyncadd.s32 $0xFFFFF000  }
0xae: {  	[spmem:s2] =	stream.indirect.scatter.add.f32 [tilespmem:s10], [sflag:$0x1], $0x20, s9, s8, $0xb8;
	[tilespmem:$0x19E00] =	vst v63  }
0xaf: {  	_ =	swait.ge [sflag:s5], $0x1000  }
0xb0: {  	[sflag:s5] =	ssyncset.done $0x0  }
0xb1: {  	[sflag:s5] =	ssyncadd.s32 $0xFFFFF000  }
0xb2: {  	[spmem:s2] =	stream.indirect.scatter.add.f32 [tilespmem:s12], [sflag:$0x1], $0x20, s11, s8, $0xb8;
	[tilespmem:$0x19E00] =	vst v63  }
0xb3: {  	_ =	swait.ge [sflag:s5], $0x1000  }
0xb4: {  	[sflag:s5] =	ssyncset.done $0x0  }
0xb5: {  	[sflag:s5] =	ssyncadd.s32 $0xFFFFF000  }
0xb6: {  	[spmem:s2] =	stream.indirect.scatter.add.f32 [tilespmem:s14], [sflag:$0x1], $0x20, s13, s8, $0xb8;
	[tilespmem:$0x19E00] =	vst v63  }
0xb7: {  	_ =	swait.ge [sflag:s5], $0x1000  }
0xb8: {  	[sflag:s5] =	ssyncset.done $0x0  }
0xb9: {  	[sflag:s5] =	ssyncadd.s32 $0xFFFFF000  }
0xba: {  	[spmem:s2] =	stream.indirect.scatter.add.f32 [tilespmem:s16], [sflag:$0x1], $0x20, s15, s8, $0xb8;
	[tilespmem:$0x19E00] =	vst v63  }
0xbb: {  	_ =	swait.ge [sflag:s5], $0x1000  }
0xbc: {  	[sflag:s5] =	ssyncset.done $0x0  }
0xbd: {  	[sflag:s5] =	ssyncadd.s32 $0xFFFFF000  }
0xbe: {  	[spmem:s2] =	stream.indirect.scatter.add.f32 [tilespmem:s18], [sflag:$0x1], $0x20, s17, s8, $0xb8;
	[tilespmem:$0x19E00] =	vst v63  }
0xbf: {  	_ =	swait.ge [sflag:s5], $0x1000  }
0xc0: {  	[sflag:s5] =	ssyncset.done $0x0  }
0xc1: {  	[sflag:s5] =	ssyncadd.s32 $0xFFFFF000  }
0xc2: {  	[spmem:s2] =	stream.indirect.scatter.add.f32 [tilespmem:s20], [sflag:$0x1], $0x20, s19, s8, $0xb8;
	[tilespmem:$0x19E00] =	vst v63  }
0xc3: {  	_ =	swait.ge [sflag:s5], $0x1000  }
0xc4: {  	[sflag:s5] =	ssyncset.done $0x0  }
0xc5: {  	[sflag:s5] =	ssyncadd.s32 $0xFFFFF000  }
0xc6: {  	[spmem:s2] =	stream.indirect.scatter.add.f32 [tilespmem:s22], [sflag:$0x1], $0x20, s21, s8, $0xb8;
	[tilespmem:$0x19E00] =	vst v63  }
0xc7: {  	_ =	swait.ge [sflag:s5], $0x1000  }
0xc8: {  	[sflag:s5] =	ssyncset.done $0x0  }
0xc9: {  	[sflag:s5] =	ssyncadd.s32 $0xFFFFF000  }
0xca: {  	[spmem:s2] =	stream.indirect.scatter.add.f32 [tilespmem:s24], [sflag:$0x1], $0x20, s23, s8, $0xb8;
	[tilespmem:$0x19E00] =	vst v63  }
0xcb: {  	_ =	swait.ge [sflag:s5], $0x1000  }
0xcc: {  	[sflag:s5] =	ssyncset.done $0x0  }
0xcd: {  	[sflag:s5] =	ssyncadd.s32 $0xFFFFF000  }
0xce: {  	[spmem:s2] =	stream.indirect.scatter.add.f32 [tilespmem:s26], [sflag:$0x1], $0x20, s25, s8, $0xb8;
	[tilespmem:$0x19E00] =	vst v63  }
0xcf: {  	_ =	swait.ge [sflag:s5], $0x1000  }
0xd0: {  	[sflag:s5] =	ssyncset.done $0x0  }
0xd1: {  	[sflag:s5] =	ssyncadd.s32 $0xFFFFF000  }
0xd2: {  	[spmem:s2] =	stream.indirect.scatter.add.f32 [tilespmem:s29], [sflag:$0x1], $0x20, s28, s8, $0xb8;
	[tilespmem:$0x19E00] =	vst v63  }
0xd3: {  	_ =	swait.ge [sflag:s5], $0x1000  }
0xd4: {  	p0 =	sne.s32 s1, $0x1;
	[sflag:s5] =	ssyncset.done $0x0  }
.Ltmp1:
0xd5: {  	[sflag:s5] =	ssyncadd.s32 $0xFFFFF000;
	(pc) =	sbr.rel @p0 .LBB2_1-.Ltmp1, $4  }
0xd6: {  	[spmem:s2] =	stream.indirect.scatter.add.f32 [tilespmem:s31], [sflag:$0x1], $0x20, s30, s8, $0xb8;
	[tilespmem:$0x19E00] =	vst v63  }
0xd7: {  	_ =	swait.ge [sflag:s5], $0x1000  }
0xd8: {  	[sflag:s5] =	ssyncset.done $0x0  }
0xd9: {  	s1 =	sadd.s32 $0xFFFFFFFF, s1;
	[sflag:s5] =	ssyncadd.s32 $0xFFFFF000  }
.LBB2_2:
0xda: {  	[bflag:$0x0] =	sbarrier.arrive $0xFFFF  }
0xdb: {  	s0 =	rddreg [dreg:$0x6]  }
0xdc: {  	[hbm:s0], [sflag:s4] =	dma.local [spmem:s6], $0xA80  }
0xdd: {  	_ =	swait.ge [sflag:s5], $0xA80  }
0xde: {  	[sflag:s5] =	ssyncset.done $0x0  }
0xdf: {  	[sflag:s5] =	ssyncadd.s32 $0xFFFFF580  }
0xe0: {  	_ =	sfence.sel $0x180000  }
0xe1: {  	[bflag:$0x0] =	sbarrier.arrive $0xFFFF  }
0xe2: {  	_ =	strace $0x9000004A  }
0xe3: {  	s31 =	stileid.u32;
	[bflag:$0x2] =	sbarrier.arrive $0xFFFF  }
0xe4: {  	p0 =	sne.s32 s31, $0x0;
	s0 =	rddreg [dreg:$0x2]  }
0xe5: {  	s0 =	sadd.s32 @!p0 $0x100000, s0  }
0xe6: {  	[sflag:s0] =	ssyncadd.tile.s32 @!p0 $0x1;
	_ =	shalt  }
.Lfunc_end2:
_tile_overlayer_lowered:
.L_overlay_start_2:
0xe7: {  	(tag) =	ssettag $0x2  }
0xe8: {  	s0 =	rddreg [dreg:$0x0];
	s2 =	stileid.u32  }
0xe9: {  	s1 =	rddreg [dreg:$0x1];
	p0 =	sne.s32 s2, $0x0  }
0xea: {  	s3 =	rddreg [dreg:$0x2];
	[bflag:$0x3] =	sbarrier.arrive $0xFFFF;
	s2 =	simm.s32 @!p0 $0x1C01  }
0xeb: {  	[timem:s3], [sflag:s2] =	dma.local @!p0 [hbm:s0], s1  }
0xec: {  	s0 =	simm.s32 @!p0 $0x1  }
0xed: {  	_ =	swait.ge @!p0 [sflag:s0], s1  }
0xee: {  	s1 =	ssub.s32 @!p0 $0x0, s1;
	[sflag:s0] =	ssyncset.done @!p0 $0x0  }
0xef: {  	[sflag:s0] =	ssyncadd.s32 @!p0 s1  }
0xf0: {  	[bflag:$0x3] =	sbarrier.arrive $0xFFFF  }
0xf1: {  	_ =	shalt  }

</sc_bundles>
